<compile_context>
chip_gen: v7x
topology: tpu7x:2x2x1
jax: 0.10.2.dev20260603
libtpu: 0.0.44.dev20260713+nightly
codegen_flags: <defaults>
</compile_context>

<pallas_src>
import functools

import jax
import jax.numpy as jnp
from jax import lax
from jax.experimental import pallas as pl
from jax.experimental.pallas import tpu as pltpu
from jax.experimental.pallas import tpu_sc as plsc

_SMOOTH = 0.5
_BETA = 0.1
_MARGIN = 1.0
_SCALE = 0.1
_LANES = 128

_NW = 16
_SCL = 16
_ROW = 128


def _sep_loss(p):
    k = p.shape[0]
    pn2 = jnp.sum(p * p, axis=1, keepdims=True)
    norm = jnp.sqrt(pn2 + 1e-15)
    maxn = 1.0 - 1e-3
    q = p * jnp.where(norm > maxn, maxn / norm, 1.0)
    g = lax.dot_general(q, q, (((1,), (1,)), ((), ())),
                        preferred_element_type=jnp.float32)
    rows = lax.broadcasted_iota(jnp.int32, (k, k), 0)
    cols = lax.broadcasted_iota(jnp.int32, (k, k), 1)
    eye = (rows == cols).astype(jnp.float32)
    x2 = jnp.sum(g * eye, axis=1, keepdims=True)
    y2 = jnp.sum(g * eye, axis=0, keepdims=True)
    a = 1.0 - 2.0 * g + y2
    b = 1.0 - x2
    num2 = jnp.maximum(a * a * x2 + b * b * y2 - 2.0 * a * b * g, 0.0)
    den = jnp.maximum(1.0 - 2.0 * g + x2 * y2, 1e-15)
    ma2 = num2 / (den * den)
    arg = jnp.clip(jnp.sqrt(ma2 + 1e-15), 0.0, 1.0 - 1e-5)
    dist = jnp.log((1.0 + arg) / (1.0 - arg))
    viol = jnp.maximum(_MARGIN - dist, 0.0) * (1.0 - eye)
    return jnp.sum(viol) / (k * (k - 1))


def _lane_fold(x):
    r = x.shape[-1]
    part = x[..., 0:_LANES]
    for j in range(1, r // _LANES):
        part = part + x[..., j * _LANES:(j + 1) * _LANES]
    return part


def _tc_body(scores_ref, labels_ref, norms_ref, protos_ref,
             stats_ref, cnt_acc, nll_acc, reg_acc):
    i = pl.program_id(0)
    nb = pl.num_programs(0)
    k, r = scores_ref.shape

    @pl.when(i == 0)
    def _init():
        cnt_acc[...] = jnp.zeros_like(cnt_acc)
        nll_acc[...] = jnp.zeros_like(nll_acc)
        reg_acc[...] = jnp.zeros_like(reg_acc)

    s = scores_ref[...] * _SCALE
    rs = jnp.sum(jnp.exp(s), axis=0, keepdims=True)
    lse = jnp.log(rs)
    lbl = labels_ref[0]
    oh = lax.broadcasted_iota(jnp.int32, s.shape, 0) == lbl
    cnt_acc[...] += _lane_fold(oh.astype(jnp.float32))
    nll_acc[...] += _lane_fold(jnp.where(oh, lse - s, 0.0))
    nrm = norms_ref[0]
    reg_acc[...] += _lane_fold(nrm * nrm)

    @pl.when(i == nb - 1)
    def _fini():
        cnt_t = jnp.transpose(
            jnp.sum(cnt_acc[...], axis=1, keepdims=True))
        nll_t = jnp.transpose(
            jnp.sum(nll_acc[...], axis=1, keepdims=True))
        reg = jnp.sum(reg_acc[...]) / (nb * r)
        p = jnp.transpose(protos_ref[...])
        aux = _BETA * reg + _sep_loss(p)
        aux_t = jnp.full((1, k), aux, jnp.float32)
        stats_ref[...] = jnp.concatenate([cnt_t, nll_t, aux_t], axis=0)


def _newton_sqrt(y):
    x = y
    for _ in range(16):
        x = 0.5 * (x + y / x)
    return x


def _sc_body(k, ch, labels_hbm, w_hbm,
             lbl_v, tab_cnt, res_v, red_v, shared_sp):
    wid = lax.axis_index("s") + lax.axis_index("c") * _NW
    base = wid * ch
    pltpu.sync_copy(labels_hbm.at[pl.ds(base, ch)], lbl_v)

    zeros16 = jnp.zeros((_SCL,), jnp.float32)
    ones16 = jnp.ones((_SCL,), jnp.float32)

    def _zero(j, carry):
        for row in range(_SCL):
            tab_cnt[row, pl.ds(j * _SCL, _SCL)] = zeros16
        return carry

    lax.fori_loop(0, _ROW // _SCL, _zero, 0)

    lane_ids = lax.iota(jnp.int32, _SCL)
    unroll = 8

    def _accum(j, carry):
        for u in range(unroll):
            off = j * (_SCL * unroll) + u * _SCL
            lb = lbl_v[pl.ds(off, _SCL)]
            plsc.addupdate_scatter(tab_cnt, [lane_ids, lb], ones16)
        return carry

    lax.fori_loop(0, ch // (_SCL * unroll), _accum, 0)

    for c in range(k // _SCL):
        acc_c = tab_cnt[0, pl.ds(c * _SCL, _SCL)]
        for row in range(1, _SCL):
            acc_c = acc_c + tab_cnt[row, pl.ds(c * _SCL, _SCL)]
        res_v[pl.ds(c * _SCL, _SCL)] = acc_c

    pltpu.sync_copy(res_v.at[pl.ds(0, k)], shared_sp.at[pl.ds(wid * k, k)])
    plsc.subcore_barrier()

    @pl.when(wid == 0)
    def _combine():
        pltpu.sync_copy(shared_sp, red_v)
        nch = k // _SCL
        cnts = []
        for c in range(nch):
            acc_c = red_v[pl.ds(c * _SCL, _SCL)]
            for w in range(1, _NW):
                acc_c = acc_c + red_v[pl.ds(w * k + c * _SCL, _SCL)]
            cnts.append(jnp.maximum(acc_c, 1.0))
        maxv = cnts[0]
        for c in range(1, nch):
            maxv = jnp.maximum(maxv, cnts[c])
        maxc = jnp.max(maxv)
        ones = jnp.ones((_SCL,), jnp.float32)
        for c in range(nch):
            res_v[pl.ds(c * _SCL, _SCL)] = _newton_sqrt(
                (maxc * ones) / cnts[c])
        pltpu.sync_copy(res_v.at[pl.ds(0, k)], w_hbm)


def _join_body(stats_ref, w_ref, out_ref):
    stats = stats_ref[...]
    w = w_ref[...]
    num = jnp.sum(w * stats[1:2, :])
    den = jnp.sum(w * stats[0:1, :])
    out_ref[...] = jnp.reshape(num / den + stats[2, 0], (1, 1))


def kernel(embeddings, scores, labels, prototypes, pre_expmap_norms):
    del embeddings
    m, k = scores.shape
    d = prototypes.shape[1]
    r = 16384
    nb = m // r
    scores_t = scores.T
    protos_t = prototypes.T
    lbl_i32 = labels.astype(jnp.int32)
    lbl3 = lbl_i32.reshape(nb, 1, r)
    nrm3 = pre_expmap_norms.reshape(nb, 1, r)

    ch = m // _NW
    w_vec = functools.partial(
        pl.kernel,
        out_type=jax.ShapeDtypeStruct((k,), jnp.float32),
        mesh=plsc.VectorSubcoreMesh(
            core_axis_name="c", subcore_axis_name="s", num_cores=1),
        compiler_params=pltpu.CompilerParams(needs_layout_passes=False),
        scratch_types=[
            pltpu.VMEM((ch,), jnp.int32),
            pltpu.VMEM((_SCL, _ROW), jnp.float32),
            pltpu.VMEM((_ROW,), jnp.float32),
            pltpu.VMEM((_NW * k,), jnp.float32),
            pltpu.VMEM_SHARED((_NW * k,), jnp.float32),
        ],
    )(functools.partial(_sc_body, k, ch))(lbl_i32)

    stats = pl.pallas_call(
        _tc_body,
        grid=(nb,),
        in_specs=[
            pl.BlockSpec((k, r), lambda i: (0, i)),
            pl.BlockSpec((1, 1, r), lambda i: (i, 0, 0)),
            pl.BlockSpec((1, 1, r), lambda i: (i, 0, 0)),
            pl.BlockSpec((d, k), lambda i: (0, 0)),
        ],
        out_specs=pl.BlockSpec((3, k), lambda i: (0, 0)),
        out_shape=jax.ShapeDtypeStruct((3, k), jnp.float32),
        scratch_shapes=[
            pltpu.VMEM((k, _LANES), jnp.float32),
            pltpu.VMEM((k, _LANES), jnp.float32),
            pltpu.VMEM((1, _LANES), jnp.float32),
        ],
        compiler_params=pltpu.CompilerParams(
            dimension_semantics=("arbitrary",)),
    )(scores_t, lbl3, nrm3, protos_t)

    out = pl.pallas_call(
        _join_body,
        out_shape=jax.ShapeDtypeStruct((1, 1), jnp.float32),
    )(stats, w_vec.reshape(1, k))
    return out[0, 0]

# --- scband reference (transcript-rebuilt; emitter-appended) ---
"""Pipeline reference for scband-geodesic-prototype-loss-24043226923960 (READ-ONLY COPY).

The authoritative reference and input builder live on the scoring server;
editing this copy changes nothing except your own understanding.
"""

import jax, jax.numpy as jnp
import numpy as np

C = 1.0
CE_WEIGHT = 1.0
SMOOTHING = 0.5
BETA_REG = 0.1
LAMBDA_SEP = 1.0
SEP_MARGIN = 1.0
SCORE_SCALE = 0.1
M = 65536
K = 80
D = 64


def _project(x, c):
    norm = jnp.sqrt(jnp.sum(x * x, axis=-1, keepdims=True) + 1e-15)
    maxnorm = (1.0 - 1e-3) / jnp.sqrt(c)
    return jnp.where(norm > maxnorm, x / norm * maxnorm, x)


def _mobius_add(x, y, c):
    x2 = jnp.sum(x * x, axis=-1, keepdims=True)
    y2 = jnp.sum(y * y, axis=-1, keepdims=True)
    xy = jnp.sum(x * y, axis=-1, keepdims=True)
    num = (1.0 + 2.0 * c * xy + c * y2) * x + (1.0 - c * x2) * y
    denom = 1.0 + 2.0 * c * xy + (c ** 2) * x2 * y2
    return num / jnp.maximum(denom, 1e-15)


def _dist(x, y, c):
    ma = _mobius_add(-x, y, c)
    n = jnp.sqrt(jnp.sum(ma * ma, axis=-1) + 1e-15)
    arg = jnp.clip(jnp.sqrt(c) * n, 0.0, 1.0 - 1e-5)
    return (2.0 / jnp.sqrt(c)) * jnp.arctanh(arg)


def setup_inputs(seed: int = 0) -> dict:
    key = jax.random.key(seed)
    k1, k2, k3, k4, k5 = jax.random.split(key, 5)
    embeddings = jax.random.normal(k1, (M, D), dtype=jnp.float32)
    scores = jax.random.normal(k2, (M, K), dtype=jnp.float32)
    labels = jax.random.randint(k3, (M,), 0, K, dtype=jnp.int64)
    prototypes = jax.random.normal(k4, (K, D), dtype=jnp.float32)
    pre_expmap_norms = jax.random.uniform(k5, (M,), dtype=jnp.float32)
    return {"embeddings": embeddings, "scores": scores, "labels": labels,
            "prototypes": prototypes, "pre_expmap_norms": pre_expmap_norms}


def reference(embeddings, scores, labels, prototypes, pre_expmap_norms):
    num_classes = prototypes.shape[0]
    valid = labels >= 0
    validf = valid.astype(scores.dtype)
    safe_labels = jnp.where(valid, labels, 0)
    # class-balanced weights: sqrt inverse frequency, mean-normalized
    counts = jnp.bincount(safe_labels, weights=validf, length=num_classes)
    counts = jnp.maximum(counts, 1.0)
    w = (counts.max() / counts) ** SMOOTHING
    w = w / w.mean()
    # weighted cross entropy over scaled geodesic scores (torch F.cross_entropy semantics)
    logp = jax.nn.log_softmax(scores * SCORE_SCALE, axis=-1)
    nll = -jnp.take_along_axis(logp, safe_labels[:, None], axis=1)[:, 0]
    sample_w = w[safe_labels] * validf
    ce_loss = jnp.sum(sample_w * nll) / jnp.sum(sample_w)
    # norm regularization on pre-expmap features
    reg_loss = jnp.mean(pre_expmap_norms ** 2)
    # prototype separation loss
    protos = _project(prototypes, C)
    p1 = protos[:, None, :]
    p2 = protos[None, :, :]
    pair_dists = _dist(p1, p2, C)
    offdiag = 1.0 - jnp.eye(num_classes, dtype=pair_dists.dtype)
    violations = jnp.maximum(SEP_MARGIN - pair_dists, 0.0) * offdiag
    sep_loss = violations.sum() / (num_classes * (num_classes - 1))
    total = CE_WEIGHT * ce_loss + BETA_REG * reg_loss + LAMBDA_SEP * sep_loss
    return total

if __name__ == "__main__":
    import jax
    _d = setup_inputs()
    print(jax.jit(kernel)(*tuple(_d.values())))

</pallas_src>

<mosaic_0001>
#map = affine_map<(d0, d1) -> (0)>
module attributes {stable_mosaic.version = 14 : i64} {
  func.func @_sc_body(%arg0: i32, %arg1: i32, %arg2: memref<65536xi32, #tpu.memory_space<hbm>>, %arg3: memref<80xf32, #tpu.memory_space<hbm>>, %arg4: memref<4096xi32, #tpu.memory_space<vmem>>, %arg5: memref<16x128xf32, #tpu.memory_space<vmem>>, %arg6: memref<128xf32, #tpu.memory_space<vmem>>, %arg7: memref<1280xf32, #tpu.memory_space<vmem>>, %arg8: memref<1280xf32, #tpu.memory_space<vmem_shared>>) attributes {dimension_semantics = [#tpu.dimension_semantics<core_parallel>, #tpu.dimension_semantics<subcore_parallel>], iteration_bounds = array<i64: 1, 16>, scalar_prefetch = 0 : i64, scratch_operands = 5 : i64, tpu.core_type = #tpu.core_type<sc_vector_subcore>, window_params = [{transform_indices = #map}, {transform_indices = #map}]} {
    %mul3A = arith.constant 16 : i32
    %mul3A_0 = arith.muli %arg0, %mul3A : i32
    %add3A = arith.addi %arg1, %mul3A_0 : i32
    %mul3A_1 = arith.constant 4096 : i32
    %mul3A_2 = arith.muli %add3A, %mul3A_1 : i32
    "tpu.region"() ({
      %run_scoped3A = tpu.sem_alloc : memref<!tpu.dma_semaphore, #tpu.memory_space<semaphore_mem>>
      %dma_start3A = tpu.memref_slice %arg2[%mul3A_2] : memref<65536xi32, #tpu.memory_space<hbm>> -> memref<4096xi32, #tpu.memory_space<hbm>>
      %dma_start3A_424 = tpu.memref_slice %arg2[%mul3A_2] : memref<65536xi32, #tpu.memory_space<hbm>> -> memref<4096xi32, #tpu.memory_space<hbm>>
      tpu.enqueue_dma source(%dma_start3A_424 : memref<4096xi32, #tpu.memory_space<hbm>>) target(%arg4 : memref<4096xi32, #tpu.memory_space<vmem>>) target_semaphore(%run_scoped3A : memref<!tpu.dma_semaphore, #tpu.memory_space<semaphore_mem>>)
      %dma_wait3A = tpu.memref_slice %arg2[%mul3A_2] : memref<65536xi32, #tpu.memory_space<hbm>> -> memref<4096xi32, #tpu.memory_space<hbm>>
      %dma_wait3A_425 = tpu.memref_slice %arg2[%mul3A_2] : memref<65536xi32, #tpu.memory_space<hbm>> -> memref<4096xi32, #tpu.memory_space<hbm>>
      tpu.wait_dma2 semaphore(%run_scoped3A : memref<!tpu.dma_semaphore, #tpu.memory_space<semaphore_mem>>) src(%dma_wait3A_425 : memref<4096xi32, #tpu.memory_space<hbm>>) dst(%arg4 : memref<4096xi32, #tpu.memory_space<vmem>>)
      tpu.yield
    }) : () -> ()
    %broadcast_in_dim3A = arith.constant 0.000000e+00 : f32
    %broadcast_in_dim3A_3 = vector.broadcast %broadcast_in_dim3A : f32 to vector<16xf32>
    %broadcast_in_dim3A_4 = arith.constant 1.000000e+00 : f32
    %broadcast_in_dim3A_5 = vector.broadcast %broadcast_in_dim3A_4 : f32 to vector<16xf32>
    %scan3A = arith.constant 0 : i32
    %scan3A_6 = arith.constant 0 : i32
    %scan3A_7 = arith.constant 8 : i32
    %scan3A_8 = arith.addi %scan3A_6, %scan3A_7 : i32
    %scan3A_9 = arith.constant 1 : i32
    scf.for %scan3A_424 = %scan3A_6 to %scan3A_8 step %scan3A_9  : i32 {
      %mul3A_425 = arith.constant 16 : i32
      %mul3A_426 = arith.muli %scan3A_424, %mul3A_425 : i32
      %swap3A_427 = arith.constant 0 : i32
      %swap3A_428 = arith.index_cast %swap3A_427 : i32 to index
      %swap3A_429 = arith.index_cast %mul3A_426 : i32 to index
      %swap3A_430 = tpu.vector_load %arg5[%swap3A_428, %swap3A_429] {strides = array<i32>} : memref<16x128xf32, #tpu.memory_space<vmem>>, vector<16xf32>,
      tpu.vector_store %arg5[%swap3A_428, %swap3A_429], %broadcast_in_dim3A_3 {strides = array<i32>} : memref<16x128xf32, #tpu.memory_space<vmem>>, vector<16xf32>,
      %mul3A_431 = arith.constant 16 : i32
      %mul3A_432 = arith.muli %scan3A_424, %mul3A_431 : i32
      %swap3A_433 = arith.constant 1 : i32
      %swap3A_434 = arith.index_cast %swap3A_433 : i32 to index
      %swap3A_435 = arith.index_cast %mul3A_432 : i32 to index
      %swap3A_436 = tpu.vector_load %arg5[%swap3A_434, %swap3A_435] {strides = array<i32>} : memref<16x128xf32, #tpu.memory_space<vmem>>, vector<16xf32>,
      tpu.vector_store %arg5[%swap3A_434, %swap3A_435], %broadcast_in_dim3A_3 {strides = array<i32>} : memref<16x128xf32, #tpu.memory_space<vmem>>, vector<16xf32>,
      %mul3A_437 = arith.constant 16 : i32
      %mul3A_438 = arith.muli %scan3A_424, %mul3A_437 : i32
      %swap3A_439 = arith.constant 2 : i32
      %swap3A_440 = arith.index_cast %swap3A_439 : i32 to index
      %swap3A_441 = arith.index_cast %mul3A_438 : i32 to index
      %swap3A_442 = tpu.vector_load %arg5[%swap3A_440, %swap3A_441] {strides = array<i32>} : memref<16x128xf32, #tpu.memory_space<vmem>>, vector<16xf32>,
      tpu.vector_store %arg5[%swap3A_440, %swap3A_441], %broadcast_in_dim3A_3 {strides = array<i32>} : memref<16x128xf32, #tpu.memory_space<vmem>>, vector<16xf32>,
      %mul3A_443 = arith.constant 16 : i32
      %mul3A_444 = arith.muli %scan3A_424, %mul3A_443 : i32
      %swap3A_445 = arith.constant 3 : i32
      %swap3A_446 = arith.index_cast %swap3A_445 : i32 to index
      %swap3A_447 = arith.index_cast %mul3A_444 : i32 to index
      %swap3A_448 = tpu.vector_load %arg5[%swap3A_446, %swap3A_447] {strides = array<i32>} : memref<16x128xf32, #tpu.memory_space<vmem>>, vector<16xf32>,
      tpu.vector_store %arg5[%swap3A_446, %swap3A_447], %broadcast_in_dim3A_3 {strides = array<i32>} : memref<16x128xf32, #tpu.memory_space<vmem>>, vector<16xf32>,
      %mul3A_449 = arith.constant 16 : i32
      %mul3A_450 = arith.muli %scan3A_424, %mul3A_449 : i32
      %swap3A_451 = arith.constant 4 : i32
      %swap3A_452 = arith.index_cast %swap3A_451 : i32 to index
      %swap3A_453 = arith.index_cast %mul3A_450 : i32 to index
      %swap3A_454 = tpu.vector_load %arg5[%swap3A_452, %swap3A_453] {strides = array<i32>} : memref<16x128xf32, #tpu.memory_space<vmem>>, vector<16xf32>,
      tpu.vector_store %arg5[%swap3A_452, %swap3A_453], %broadcast_in_dim3A_3 {strides = array<i32>} : memref<16x128xf32, #tpu.memory_space<vmem>>, vector<16xf32>,
      %mul3A_455 = arith.constant 16 : i32
      %mul3A_456 = arith.muli %scan3A_424, %mul3A_455 : i32
      %swap3A_457 = arith.constant 5 : i32
      %swap3A_458 = arith.index_cast %swap3A_457 : i32 to index
      %swap3A_459 = arith.index_cast %mul3A_456 : i32 to index
      %swap3A_460 = tpu.vector_load %arg5[%swap3A_458, %swap3A_459] {strides = array<i32>} : memref<16x128xf32, #tpu.memory_space<vmem>>, vector<16xf32>,
      tpu.vector_store %arg5[%swap3A_458, %swap3A_459], %broadcast_in_dim3A_3 {strides = array<i32>} : memref<16x128xf32, #tpu.memory_space<vmem>>, vector<16xf32>,
      %mul3A_461 = arith.constant 16 : i32
      %mul3A_462 = arith.muli %scan3A_424, %mul3A_461 : i32
      %swap3A_463 = arith.constant 6 : i32
      %swap3A_464 = arith.index_cast %swap3A_463 : i32 to index
      %swap3A_465 = arith.index_cast %mul3A_462 : i32 to index
      %swap3A_466 = tpu.vector_load %arg5[%swap3A_464, %swap3A_465] {strides = array<i32>} : memref<16x128xf32, #tpu.memory_space<vmem>>, vector<16xf32>,
      tpu.vector_store %arg5[%swap3A_464, %swap3A_465], %broadcast_in_dim3A_3 {strides = array<i32>} : memref<16x128xf32, #tpu.memory_space<vmem>>, vector<16xf32>,
      %mul3A_467 = arith.constant 16 : i32
      %mul3A_468 = arith.muli %scan3A_424, %mul3A_467 : i32
      %swap3A_469 = arith.constant 7 : i32
      %swap3A_470 = arith.index_cast %swap3A_469 : i32 to index
      %swap3A_471 = arith.index_cast %mul3A_468 : i32 to index
      %swap3A_472 = tpu.vector_load %arg5[%swap3A_470, %swap3A_471] {strides = array<i32>} : memref<16x128xf32, #tpu.memory_space<vmem>>, vector<16xf32>,
      tpu.vector_store %arg5[%swap3A_470, %swap3A_471], %broadcast_in_dim3A_3 {strides = array<i32>} : memref<16x128xf32, #tpu.memory_space<vmem>>, vector<16xf32>,
      %mul3A_473 = arith.constant 16 : i32
      %mul3A_474 = arith.muli %scan3A_424, %mul3A_473 : i32
      %swap3A_475 = arith.constant 8 : i32
      %swap3A_476 = arith.index_cast %swap3A_475 : i32 to index
      %swap3A_477 = arith.index_cast %mul3A_474 : i32 to index
      %swap3A_478 = tpu.vector_load %arg5[%swap3A_476, %swap3A_477] {strides = array<i32>} : memref<16x128xf32, #tpu.memory_space<vmem>>, vector<16xf32>,
      tpu.vector_store %arg5[%swap3A_476, %swap3A_477], %broadcast_in_dim3A_3 {strides = array<i32>} : memref<16x128xf32, #tpu.memory_space<vmem>>, vector<16xf32>,
      %mul3A_479 = arith.constant 16 : i32
      %mul3A_480 = arith.muli %scan3A_424, %mul3A_479 : i32
      %swap3A_481 = arith.constant 9 : i32
      %swap3A_482 = arith.index_cast %swap3A_481 : i32 to index
      %swap3A_483 = arith.index_cast %mul3A_480 : i32 to index
      %swap3A_484 = tpu.vector_load %arg5[%swap3A_482, %swap3A_483] {strides = array<i32>} : memref<16x128xf32, #tpu.memory_space<vmem>>, vector<16xf32>,
      tpu.vector_store %arg5[%swap3A_482, %swap3A_483], %broadcast_in_dim3A_3 {strides = array<i32>} : memref<16x128xf32, #tpu.memory_space<vmem>>, vector<16xf32>,
      %mul3A_485 = arith.constant 16 : i32
      %mul3A_486 = arith.muli %scan3A_424, %mul3A_485 : i32
      %swap3A_487 = arith.constant 10 : i32
      %swap3A_488 = arith.index_cast %swap3A_487 : i32 to index
      %swap3A_489 = arith.index_cast %mul3A_486 : i32 to index
      %swap3A_490 = tpu.vector_load %arg5[%swap3A_488, %swap3A_489] {strides = array<i32>} : memref<16x128xf32, #tpu.memory_space<vmem>>, vector<16xf32>,
      tpu.vector_store %arg5[%swap3A_488, %swap3A_489], %broadcast_in_dim3A_3 {strides = array<i32>} : memref<16x128xf32, #tpu.memory_space<vmem>>, vector<16xf32>,
      %mul3A_491 = arith.constant 16 : i32
      %mul3A_492 = arith.muli %scan3A_424, %mul3A_491 : i32
      %swap3A_493 = arith.constant 11 : i32
      %swap3A_494 = arith.index_cast %swap3A_493 : i32 to index
      %swap3A_495 = arith.index_cast %mul3A_492 : i32 to index
      %swap3A_496 = tpu.vector_load %arg5[%swap3A_494, %swap3A_495] {strides = array<i32>} : memref<16x128xf32, #tpu.memory_space<vmem>>, vector<16xf32>,
      tpu.vector_store %arg5[%swap3A_494, %swap3A_495], %broadcast_in_dim3A_3 {strides = array<i32>} : memref<16x128xf32, #tpu.memory_space<vmem>>, vector<16xf32>,
      %mul3A_497 = arith.constant 16 : i32
      %mul3A_498 = arith.muli %scan3A_424, %mul3A_497 : i32
      %swap3A_499 = arith.constant 12 : i32
      %swap3A_500 = arith.index_cast %swap3A_499 : i32 to index
      %swap3A_501 = arith.index_cast %mul3A_498 : i32 to index
      %swap3A_502 = tpu.vector_load %arg5[%swap3A_500, %swap3A_501] {strides = array<i32>} : memref<16x128xf32, #tpu.memory_space<vmem>>, vector<16xf32>,
      tpu.vector_store %arg5[%swap3A_500, %swap3A_501], %broadcast_in_dim3A_3 {strides = array<i32>} : memref<16x128xf32, #tpu.memory_space<vmem>>, vector<16xf32>,
      %mul3A_503 = arith.constant 16 : i32
      %mul3A_504 = arith.muli %scan3A_424, %mul3A_503 : i32
      %swap3A_505 = arith.constant 13 : i32
      %swap3A_506 = arith.index_cast %swap3A_505 : i32 to index
      %swap3A_507 = arith.index_cast %mul3A_504 : i32 to index
      %swap3A_508 = tpu.vector_load %arg5[%swap3A_506, %swap3A_507] {strides = array<i32>} : memref<16x128xf32, #tpu.memory_space<vmem>>, vector<16xf32>,
      tpu.vector_store %arg5[%swap3A_506, %swap3A_507], %broadcast_in_dim3A_3 {strides = array<i32>} : memref<16x128xf32, #tpu.memory_space<vmem>>, vector<16xf32>,
      %mul3A_509 = arith.constant 16 : i32
      %mul3A_510 = arith.muli %scan3A_424, %mul3A_509 : i32
      %swap3A_511 = arith.constant 14 : i32
      %swap3A_512 = arith.index_cast %swap3A_511 : i32 to index
      %swap3A_513 = arith.index_cast %mul3A_510 : i32 to index
      %swap3A_514 = tpu.vector_load %arg5[%swap3A_512, %swap3A_513] {strides = array<i32>} : memref<16x128xf32, #tpu.memory_space<vmem>>, vector<16xf32>,
      tpu.vector_store %arg5[%swap3A_512, %swap3A_513], %broadcast_in_dim3A_3 {strides = array<i32>} : memref<16x128xf32, #tpu.memory_space<vmem>>, vector<16xf32>,
      %mul3A_515 = arith.constant 16 : i32
      %mul3A_516 = arith.muli %scan3A_424, %mul3A_515 : i32
      %swap3A_517 = arith.constant 15 : i32
      %swap3A_518 = arith.index_cast %swap3A_517 : i32 to index
      %swap3A_519 = arith.index_cast %mul3A_516 : i32 to index
      %swap3A_520 = tpu.vector_load %arg5[%swap3A_518, %swap3A_519] {strides = array<i32>} : memref<16x128xf32, #tpu.memory_space<vmem>>, vector<16xf32>,
      tpu.vector_store %arg5[%swap3A_518, %swap3A_519], %broadcast_in_dim3A_3 {strides = array<i32>} : memref<16x128xf32, #tpu.memory_space<vmem>>, vector<16xf32>,
    }
    %scan3A_10 = arith.constant 8 : i32
    %iota3A = tpu.iota {dimensions = array<i32: 0>} : vector<16xi32>
    %scan3A_11 = arith.constant 0 : i32
    %scan3A_12 = arith.constant 0 : i32
    %scan3A_13 = arith.constant 32 : i32
    %scan3A_14 = arith.addi %scan3A_12, %scan3A_13 : i32
    %scan3A_15 = arith.constant 1 : i32
    scf.for %scan3A_424 = %scan3A_12 to %scan3A_14 step %scan3A_15  : i32 {
      %mul3A_425 = arith.constant 128 : i32
      %mul3A_426 = arith.muli %scan3A_424, %mul3A_425 : i32
      %add3A_427 = arith.constant 0 : i32
      %add3A_428 = arith.addi %mul3A_426, %add3A_427 : i32
      %get3A_429 = arith.index_cast %add3A_428 : i32 to index
      %get3A_430 = tpu.vector_load %arg4[%get3A_429] {strides = array<i32>} : memref<4096xi32, #tpu.memory_space<vmem>>, vector<16xi32>,
      tpu.vector_store_idx %arg5[%iota3A, %get3A_430], %broadcast_in_dim3A_5 {add = true} : memref<16x128xf32, #tpu.memory_space<vmem>>[vector<16xi32>, vector<16xi32>], vector<16xf32>,
      %mul3A_431 = arith.constant 128 : i32
      %mul3A_432 = arith.muli %scan3A_424, %mul3A_431 : i32
      %add3A_433 = arith.constant 16 : i32
      %add3A_434 = arith.addi %mul3A_432, %add3A_433 : i32
      %get3A_435 = arith.index_cast %add3A_434 : i32 to index
      %get3A_436 = tpu.vector_load %arg4[%get3A_435] {strides = array<i32>} : memref<4096xi32, #tpu.memory_space<vmem>>, vector<16xi32>,
      tpu.vector_store_idx %arg5[%iota3A, %get3A_436], %broadcast_in_dim3A_5 {add = true} : memref<16x128xf32, #tpu.memory_space<vmem>>[vector<16xi32>, vector<16xi32>], vector<16xf32>,
      %mul3A_437 = arith.constant 128 : i32
      %mul3A_438 = arith.muli %scan3A_424, %mul3A_437 : i32
      %add3A_439 = arith.constant 32 : i32
      %add3A_440 = arith.addi %mul3A_438, %add3A_439 : i32
      %get3A_441 = arith.index_cast %add3A_440 : i32 to index
      %get3A_442 = tpu.vector_load %arg4[%get3A_441] {strides = array<i32>} : memref<4096xi32, #tpu.memory_space<vmem>>, vector<16xi32>,
      tpu.vector_store_idx %arg5[%iota3A, %get3A_442], %broadcast_in_dim3A_5 {add = true} : memref<16x128xf32, #tpu.memory_space<vmem>>[vector<16xi32>, vector<16xi32>], vector<16xf32>,
      %mul3A_443 = arith.constant 128 : i32
      %mul3A_444 = arith.muli %scan3A_424, %mul3A_443 : i32
      %add3A_445 = arith.constant 48 : i32
      %add3A_446 = arith.addi %mul3A_444, %add3A_445 : i32
      %get3A_447 = arith.index_cast %add3A_446 : i32 to index
      %get3A_448 = tpu.vector_load %arg4[%get3A_447] {strides = array<i32>} : memref<4096xi32, #tpu.memory_space<vmem>>, vector<16xi32>,
      tpu.vector_store_idx %arg5[%iota3A, %get3A_448], %broadcast_in_dim3A_5 {add = true} : memref<16x128xf32, #tpu.memory_space<vmem>>[vector<16xi32>, vector<16xi32>], vector<16xf32>,
      %mul3A_449 = arith.constant 128 : i32
      %mul3A_450 = arith.muli %scan3A_424, %mul3A_449 : i32
      %add3A_451 = arith.constant 64 : i32
      %add3A_452 = arith.addi %mul3A_450, %add3A_451 : i32
      %get3A_453 = arith.index_cast %add3A_452 : i32 to index
      %get3A_454 = tpu.vector_load %arg4[%get3A_453] {strides = array<i32>} : memref<4096xi32, #tpu.memory_space<vmem>>, vector<16xi32>,
      tpu.vector_store_idx %arg5[%iota3A, %get3A_454], %broadcast_in_dim3A_5 {add = true} : memref<16x128xf32, #tpu.memory_space<vmem>>[vector<16xi32>, vector<16xi32>], vector<16xf32>,
      %mul3A_455 = arith.constant 128 : i32
      %mul3A_456 = arith.muli %scan3A_424, %mul3A_455 : i32
      %add3A_457 = arith.constant 80 : i32
      %add3A_458 = arith.addi %mul3A_456, %add3A_457 : i32
      %get3A_459 = arith.index_cast %add3A_458 : i32 to index
      %get3A_460 = tpu.vector_load %arg4[%get3A_459] {strides = array<i32>} : memref<4096xi32, #tpu.memory_space<vmem>>, vector<16xi32>,
      tpu.vector_store_idx %arg5[%iota3A, %get3A_460], %broadcast_in_dim3A_5 {add = true} : memref<16x128xf32, #tpu.memory_space<vmem>>[vector<16xi32>, vector<16xi32>], vector<16xf32>,
      %mul3A_461 = arith.constant 128 : i32
      %mul3A_462 = arith.muli %scan3A_424, %mul3A_461 : i32
      %add3A_463 = arith.constant 96 : i32
      %add3A_464 = arith.addi %mul3A_462, %add3A_463 : i32
      %get3A_465 = arith.index_cast %add3A_464 : i32 to index
      %get3A_466 = tpu.vector_load %arg4[%get3A_465] {strides = array<i32>} : memref<4096xi32, #tpu.memory_space<vmem>>, vector<16xi32>,
      tpu.vector_store_idx %arg5[%iota3A, %get3A_466], %broadcast_in_dim3A_5 {add = true} : memref<16x128xf32, #tpu.memory_space<vmem>>[vector<16xi32>, vector<16xi32>], vector<16xf32>,
      %mul3A_467 = arith.constant 128 : i32
      %mul3A_468 = arith.muli %scan3A_424, %mul3A_467 : i32
      %add3A_469 = arith.constant 112 : i32
      %add3A_470 = arith.addi %mul3A_468, %add3A_469 : i32
      %get3A_471 = arith.index_cast %add3A_470 : i32 to index
      %get3A_472 = tpu.vector_load %arg4[%get3A_471] {strides = array<i32>} : memref<4096xi32, #tpu.memory_space<vmem>>, vector<16xi32>,
      tpu.vector_store_idx %arg5[%iota3A, %get3A_472], %broadcast_in_dim3A_5 {add = true} : memref<16x128xf32, #tpu.memory_space<vmem>>[vector<16xi32>, vector<16xi32>], vector<16xf32>,
    }
    %scan3A_16 = arith.constant 32 : i32
    %get3A = arith.constant 0 : i32
    %get3A_17 = arith.index_cast %get3A : i32 to index
    %get3A_18 = arith.constant 0 : index
    %get3A_19 = tpu.vector_load %arg5[%get3A_17, %get3A_18] {strides = array<i32>} : memref<16x128xf32, #tpu.memory_space<vmem>>, vector<16xf32>,
    %get3A_20 = arith.constant 1 : i32
    %get3A_21 = arith.index_cast %get3A_20 : i32 to index
    %get3A_22 = arith.constant 0 : index
    %get3A_23 = tpu.vector_load %arg5[%get3A_21, %get3A_22] {strides = array<i32>} : memref<16x128xf32, #tpu.memory_space<vmem>>, vector<16xf32>,
    %add3A_24 = arith.addf %get3A_19, %get3A_23 : vector<16xf32>
    %get3A_25 = arith.constant 2 : i32
    %get3A_26 = arith.index_cast %get3A_25 : i32 to index
    %get3A_27 = arith.constant 0 : index
    %get3A_28 = tpu.vector_load %arg5[%get3A_26, %get3A_27] {strides = array<i32>} : memref<16x128xf32, #tpu.memory_space<vmem>>, vector<16xf32>,
    %add3A_29 = arith.addf %add3A_24, %get3A_28 : vector<16xf32>
    %get3A_30 = arith.constant 3 : i32
    %get3A_31 = arith.index_cast %get3A_30 : i32 to index
    %get3A_32 = arith.constant 0 : index
    %get3A_33 = tpu.vector_load %arg5[%get3A_31, %get3A_32] {strides = array<i32>} : memref<16x128xf32, #tpu.memory_space<vmem>>, vector<16xf32>,
    %add3A_34 = arith.addf %add3A_29, %get3A_33 : vector<16xf32>
    %get3A_35 = arith.constant 4 : i32
    %get3A_36 = arith.index_cast %get3A_35 : i32 to index
    %get3A_37 = arith.constant 0 : index
    %get3A_38 = tpu.vector_load %arg5[%get3A_36, %get3A_37] {strides = array<i32>} : memref<16x128xf32, #tpu.memory_space<vmem>>, vector<16xf32>,
    %add3A_39 = arith.addf %add3A_34, %get3A_38 : vector<16xf32>
    %get3A_40 = arith.constant 5 : i32
    %get3A_41 = arith.index_cast %get3A_40 : i32 to index
    %get3A_42 = arith.constant 0 : index
    %get3A_43 = tpu.vector_load %arg5[%get3A_41, %get3A_42] {strides = array<i32>} : memref<16x128xf32, #tpu.memory_space<vmem>>, vector<16xf32>,
    %add3A_44 = arith.addf %add3A_39, %get3A_43 : vector<16xf32>
    %get3A_45 = arith.constant 6 : i32
    %get3A_46 = arith.index_cast %get3A_45 : i32 to index
    %get3A_47 = arith.constant 0 : index
    %get3A_48 = tpu.vector_load %arg5[%get3A_46, %get3A_47] {strides = array<i32>} : memref<16x128xf32, #tpu.memory_space<vmem>>, vector<16xf32>,
    %add3A_49 = arith.addf %add3A_44, %get3A_48 : vector<16xf32>
    %get3A_50 = arith.constant 7 : i32
    %get3A_51 = arith.index_cast %get3A_50 : i32 to index
    %get3A_52 = arith.constant 0 : index
    %get3A_53 = tpu.vector_load %arg5[%get3A_51, %get3A_52] {strides = array<i32>} : memref<16x128xf32, #tpu.memory_space<vmem>>, vector<16xf32>,
    %add3A_54 = arith.addf %add3A_49, %get3A_53 : vector<16xf32>
    %get3A_55 = arith.constant 8 : i32
    %get3A_56 = arith.index_cast %get3A_55 : i32 to index
    %get3A_57 = arith.constant 0 : index
    %get3A_58 = tpu.vector_load %arg5[%get3A_56, %get3A_57] {strides = array<i32>} : memref<16x128xf32, #tpu.memory_space<vmem>>, vector<16xf32>,
    %add3A_59 = arith.addf %add3A_54, %get3A_58 : vector<16xf32>
    %get3A_60 = arith.constant 9 : i32
    %get3A_61 = arith.index_cast %get3A_60 : i32 to index
    %get3A_62 = arith.constant 0 : index
    %get3A_63 = tpu.vector_load %arg5[%get3A_61, %get3A_62] {strides = array<i32>} : memref<16x128xf32, #tpu.memory_space<vmem>>, vector<16xf32>,
    %add3A_64 = arith.addf %add3A_59, %get3A_63 : vector<16xf32>
    %get3A_65 = arith.constant 10 : i32
    %get3A_66 = arith.index_cast %get3A_65 : i32 to index
    %get3A_67 = arith.constant 0 : index
    %get3A_68 = tpu.vector_load %arg5[%get3A_66, %get3A_67] {strides = array<i32>} : memref<16x128xf32, #tpu.memory_space<vmem>>, vector<16xf32>,
    %add3A_69 = arith.addf %add3A_64, %get3A_68 : vector<16xf32>
    %get3A_70 = arith.constant 11 : i32
    %get3A_71 = arith.index_cast %get3A_70 : i32 to index
    %get3A_72 = arith.constant 0 : index
    %get3A_73 = tpu.vector_load %arg5[%get3A_71, %get3A_72] {strides = array<i32>} : memref<16x128xf32, #tpu.memory_space<vmem>>, vector<16xf32>,
    %add3A_74 = arith.addf %add3A_69, %get3A_73 : vector<16xf32>
    %get3A_75 = arith.constant 12 : i32
    %get3A_76 = arith.index_cast %get3A_75 : i32 to index
    %get3A_77 = arith.constant 0 : index
    %get3A_78 = tpu.vector_load %arg5[%get3A_76, %get3A_77] {strides = array<i32>} : memref<16x128xf32, #tpu.memory_space<vmem>>, vector<16xf32>,
    %add3A_79 = arith.addf %add3A_74, %get3A_78 : vector<16xf32>
    %get3A_80 = arith.constant 13 : i32
    %get3A_81 = arith.index_cast %get3A_80 : i32 to index
    %get3A_82 = arith.constant 0 : index
    %get3A_83 = tpu.vector_load %arg5[%get3A_81, %get3A_82] {strides = array<i32>} : memref<16x128xf32, #tpu.memory_space<vmem>>, vector<16xf32>,
    %add3A_84 = arith.addf %add3A_79, %get3A_83 : vector<16xf32>
    %get3A_85 = arith.constant 14 : i32
    %get3A_86 = arith.index_cast %get3A_85 : i32 to index
    %get3A_87 = arith.constant 0 : index
    %get3A_88 = tpu.vector_load %arg5[%get3A_86, %get3A_87] {strides = array<i32>} : memref<16x128xf32, #tpu.memory_space<vmem>>, vector<16xf32>,
    %add3A_89 = arith.addf %add3A_84, %get3A_88 : vector<16xf32>
    %get3A_90 = arith.constant 15 : i32
    %get3A_91 = arith.index_cast %get3A_90 : i32 to index
    %get3A_92 = arith.constant 0 : index
    %get3A_93 = tpu.vector_load %arg5[%get3A_91, %get3A_92] {strides = array<i32>} : memref<16x128xf32, #tpu.memory_space<vmem>>, vector<16xf32>,
    %add3A_94 = arith.addf %add3A_89, %get3A_93 : vector<16xf32>
    %swap3A = arith.constant 0 : index
    %swap3A_95 = tpu.vector_load %arg6[%swap3A] {strides = array<i32>} : memref<128xf32, #tpu.memory_space<vmem>>, vector<16xf32>,
    tpu.vector_store %arg6[%swap3A], %add3A_94 {strides = array<i32>} : memref<128xf32, #tpu.memory_space<vmem>>, vector<16xf32>,
    %get3A_96 = arith.constant 0 : i32
    %get3A_97 = arith.index_cast %get3A_96 : i32 to index
    %get3A_98 = arith.constant 16 : index
    %get3A_99 = tpu.vector_load %arg5[%get3A_97, %get3A_98] {strides = array<i32>} : memref<16x128xf32, #tpu.memory_space<vmem>>, vector<16xf32>,
    %get3A_100 = arith.constant 1 : i32
    %get3A_101 = arith.index_cast %get3A_100 : i32 to index
    %get3A_102 = arith.constant 16 : index
    %get3A_103 = tpu.vector_load %arg5[%get3A_101, %get3A_102] {strides = array<i32>} : memref<16x128xf32, #tpu.memory_space<vmem>>, vector<16xf32>,
    %add3A_104 = arith.addf %get3A_99, %get3A_103 : vector<16xf32>
    %get3A_105 = arith.constant 2 : i32
    %get3A_106 = arith.index_cast %get3A_105 : i32 to index
    %get3A_107 = arith.constant 16 : index
    %get3A_108 = tpu.vector_load %arg5[%get3A_106, %get3A_107] {strides = array<i32>} : memref<16x128xf32, #tpu.memory_space<vmem>>, vector<16xf32>,
    %add3A_109 = arith.addf %add3A_104, %get3A_108 : vector<16xf32>
    %get3A_110 = arith.constant 3 : i32
    %get3A_111 = arith.index_cast %get3A_110 : i32 to index
    %get3A_112 = arith.constant 16 : index
    %get3A_113 = tpu.vector_load %arg5[%get3A_111, %get3A_112] {strides = array<i32>} : memref<16x128xf32, #tpu.memory_space<vmem>>, vector<16xf32>,
    %add3A_114 = arith.addf %add3A_109, %get3A_113 : vector<16xf32>
    %get3A_115 = arith.constant 4 : i32
    %get3A_116 = arith.index_cast %get3A_115 : i32 to index
    %get3A_117 = arith.constant 16 : index
    %get3A_118 = tpu.vector_load %arg5[%get3A_116, %get3A_117] {strides = array<i32>} : memref<16x128xf32, #tpu.memory_space<vmem>>, vector<16xf32>,
    %add3A_119 = arith.addf %add3A_114, %get3A_118 : vector<16xf32>
    %get3A_120 = arith.constant 5 : i32
    %get3A_121 = arith.index_cast %get3A_120 : i32 to index
    %get3A_122 = arith.constant 16 : index
    %get3A_123 = tpu.vector_load %arg5[%get3A_121, %get3A_122] {strides = array<i32>} : memref<16x128xf32, #tpu.memory_space<vmem>>, vector<16xf32>,
    %add3A_124 = arith.addf %add3A_119, %get3A_123 : vector<16xf32>
    %get3A_125 = arith.constant 6 : i32
    %get3A_126 = arith.index_cast %get3A_125 : i32 to index
    %get3A_127 = arith.constant 16 : index
    %get3A_128 = tpu.vector_load %arg5[%get3A_126, %get3A_127] {strides = array<i32>} : memref<16x128xf32, #tpu.memory_space<vmem>>, vector<16xf32>,
    %add3A_129 = arith.addf %add3A_124, %get3A_128 : vector<16xf32>
    %get3A_130 = arith.constant 7 : i32
    %get3A_131 = arith.index_cast %get3A_130 : i32 to index
    %get3A_132 = arith.constant 16 : index
    %get3A_133 = tpu.vector_load %arg5[%get3A_131, %get3A_132] {strides = array<i32>} : memref<16x128xf32, #tpu.memory_space<vmem>>, vector<16xf32>,
    %add3A_134 = arith.addf %add3A_129, %get3A_133 : vector<16xf32>
    %get3A_135 = arith.constant 8 : i32
    %get3A_136 = arith.index_cast %get3A_135 : i32 to index
    %get3A_137 = arith.constant 16 : index
    %get3A_138 = tpu.vector_load %arg5[%get3A_136, %get3A_137] {strides = array<i32>} : memref<16x128xf32, #tpu.memory_space<vmem>>, vector<16xf32>,
    %add3A_139 = arith.addf %add3A_134, %get3A_138 : vector<16xf32>
    %get3A_140 = arith.constant 9 : i32
    %get3A_141 = arith.index_cast %get3A_140 : i32 to index
    %get3A_142 = arith.constant 16 : index
    %get3A_143 = tpu.vector_load %arg5[%get3A_141, %get3A_142] {strides = array<i32>} : memref<16x128xf32, #tpu.memory_space<vmem>>, vector<16xf32>,
    %add3A_144 = arith.addf %add3A_139, %get3A_143 : vector<16xf32>
    %get3A_145 = arith.constant 10 : i32
    %get3A_146 = arith.index_cast %get3A_145 : i32 to index
    %get3A_147 = arith.constant 16 : index
    %get3A_148 = tpu.vector_load %arg5[%get3A_146, %get3A_147] {strides = array<i32>} : memref<16x128xf32, #tpu.memory_space<vmem>>, vector<16xf32>,
    %add3A_149 = arith.addf %add3A_144, %get3A_148 : vector<16xf32>
    %get3A_150 = arith.constant 11 : i32
    %get3A_151 = arith.index_cast %get3A_150 : i32 to index
    %get3A_152 = arith.constant 16 : index
    %get3A_153 = tpu.vector_load %arg5[%get3A_151, %get3A_152] {strides = array<i32>} : memref<16x128xf32, #tpu.memory_space<vmem>>, vector<16xf32>,
    %add3A_154 = arith.addf %add3A_149, %get3A_153 : vector<16xf32>
    %get3A_155 = arith.constant 12 : i32
    %get3A_156 = arith.index_cast %get3A_155 : i32 to index
    %get3A_157 = arith.constant 16 : index
    %get3A_158 = tpu.vector_load %arg5[%get3A_156, %get3A_157] {strides = array<i32>} : memref<16x128xf32, #tpu.memory_space<vmem>>, vector<16xf32>,
    %add3A_159 = arith.addf %add3A_154, %get3A_158 : vector<16xf32>
    %get3A_160 = arith.constant 13 : i32
    %get3A_161 = arith.index_cast %get3A_160 : i32 to index
    %get3A_162 = arith.constant 16 : index
    %get3A_163 = tpu.vector_load %arg5[%get3A_161, %get3A_162] {strides = array<i32>} : memref<16x128xf32, #tpu.memory_space<vmem>>, vector<16xf32>,
    %add3A_164 = arith.addf %add3A_159, %get3A_163 : vector<16xf32>
    %get3A_165 = arith.constant 14 : i32
    %get3A_166 = arith.index_cast %get3A_165 : i32 to index
    %get3A_167 = arith.constant 16 : index
    %get3A_168 = tpu.vector_load %arg5[%get3A_166, %get3A_167] {strides = array<i32>} : memref<16x128xf32, #tpu.memory_space<vmem>>, vector<16xf32>,
    %add3A_169 = arith.addf %add3A_164, %get3A_168 : vector<16xf32>
    %get3A_170 = arith.constant 15 : i32
    %get3A_171 = arith.index_cast %get3A_170 : i32 to index
    %get3A_172 = arith.constant 16 : index
    %get3A_173 = tpu.vector_load %arg5[%get3A_171, %get3A_172] {strides = array<i32>} : memref<16x128xf32, #tpu.memory_space<vmem>>, vector<16xf32>,
    %add3A_174 = arith.addf %add3A_169, %get3A_173 : vector<16xf32>
    %swap3A_175 = arith.constant 16 : index
    %swap3A_176 = tpu.vector_load %arg6[%swap3A_175] {strides = array<i32>} : memref<128xf32, #tpu.memory_space<vmem>>, vector<16xf32>,
    tpu.vector_store %arg6[%swap3A_175], %add3A_174 {strides = array<i32>} : memref<128xf32, #tpu.memory_space<vmem>>, vector<16xf32>,
    %get3A_177 = arith.constant 0 : i32
    %get3A_178 = arith.index_cast %get3A_177 : i32 to index
    %get3A_179 = arith.constant 32 : index
    %get3A_180 = tpu.vector_load %arg5[%get3A_178, %get3A_179] {strides = array<i32>} : memref<16x128xf32, #tpu.memory_space<vmem>>, vector<16xf32>,
    %get3A_181 = arith.constant 1 : i32
    %get3A_182 = arith.index_cast %get3A_181 : i32 to index
    %get3A_183 = arith.constant 32 : index
    %get3A_184 = tpu.vector_load %arg5[%get3A_182, %get3A_183] {strides = array<i32>} : memref<16x128xf32, #tpu.memory_space<vmem>>, vector<16xf32>,
    %add3A_185 = arith.addf %get3A_180, %get3A_184 : vector<16xf32>
    %get3A_186 = arith.constant 2 : i32
    %get3A_187 = arith.index_cast %get3A_186 : i32 to index
    %get3A_188 = arith.constant 32 : index
    %get3A_189 = tpu.vector_load %arg5[%get3A_187, %get3A_188] {strides = array<i32>} : memref<16x128xf32, #tpu.memory_space<vmem>>, vector<16xf32>,
    %add3A_190 = arith.addf %add3A_185, %get3A_189 : vector<16xf32>
    %get3A_191 = arith.constant 3 : i32
    %get3A_192 = arith.index_cast %get3A_191 : i32 to index
    %get3A_193 = arith.constant 32 : index
    %get3A_194 = tpu.vector_load %arg5[%get3A_192, %get3A_193] {strides = array<i32>} : memref<16x128xf32, #tpu.memory_space<vmem>>, vector<16xf32>,
    %add3A_195 = arith.addf %add3A_190, %get3A_194 : vector<16xf32>
    %get3A_196 = arith.constant 4 : i32
    %get3A_197 = arith.index_cast %get3A_196 : i32 to index
    %get3A_198 = arith.constant 32 : index
    %get3A_199 = tpu.vector_load %arg5[%get3A_197, %get3A_198] {strides = array<i32>} : memref<16x128xf32, #tpu.memory_space<vmem>>, vector<16xf32>,
    %add3A_200 = arith.addf %add3A_195, %get3A_199 : vector<16xf32>
    %get3A_201 = arith.constant 5 : i32
    %get3A_202 = arith.index_cast %get3A_201 : i32 to index
    %get3A_203 = arith.constant 32 : index
    %get3A_204 = tpu.vector_load %arg5[%get3A_202, %get3A_203] {strides = array<i32>} : memref<16x128xf32, #tpu.memory_space<vmem>>, vector<16xf32>,
    %add3A_205 = arith.addf %add3A_200, %get3A_204 : vector<16xf32>
    %get3A_206 = arith.constant 6 : i32
    %get3A_207 = arith.index_cast %get3A_206 : i32 to index
    %get3A_208 = arith.constant 32 : index
    %get3A_209 = tpu.vector_load %arg5[%get3A_207, %get3A_208] {strides = array<i32>} : memref<16x128xf32, #tpu.memory_space<vmem>>, vector<16xf32>,
    %add3A_210 = arith.addf %add3A_205, %get3A_209 : vector<16xf32>
    %get3A_211 = arith.constant 7 : i32
    %get3A_212 = arith.index_cast %get3A_211 : i32 to index
    %get3A_213 = arith.constant 32 : index
    %get3A_214 = tpu.vector_load %arg5[%get3A_212, %get3A_213] {strides = array<i32>} : memref<16x128xf32, #tpu.memory_space<vmem>>, vector<16xf32>,
    %add3A_215 = arith.addf %add3A_210, %get3A_214 : vector<16xf32>
    %get3A_216 = arith.constant 8 : i32
    %get3A_217 = arith.index_cast %get3A_216 : i32 to index
    %get3A_218 = arith.constant 32 : index
    %get3A_219 = tpu.vector_load %arg5[%get3A_217, %get3A_218] {strides = array<i32>} : memref<16x128xf32, #tpu.memory_space<vmem>>, vector<16xf32>,
    %add3A_220 = arith.addf %add3A_215, %get3A_219 : vector<16xf32>
    %get3A_221 = arith.constant 9 : i32
    %get3A_222 = arith.index_cast %get3A_221 : i32 to index
    %get3A_223 = arith.constant 32 : index
    %get3A_224 = tpu.vector_load %arg5[%get3A_222, %get3A_223] {strides = array<i32>} : memref<16x128xf32, #tpu.memory_space<vmem>>, vector<16xf32>,
    %add3A_225 = arith.addf %add3A_220, %get3A_224 : vector<16xf32>
    %get3A_226 = arith.constant 10 : i32
    %get3A_227 = arith.index_cast %get3A_226 : i32 to index
    %get3A_228 = arith.constant 32 : index
    %get3A_229 = tpu.vector_load %arg5[%get3A_227, %get3A_228] {strides = array<i32>} : memref<16x128xf32, #tpu.memory_space<vmem>>, vector<16xf32>,
    %add3A_230 = arith.addf %add3A_225, %get3A_229 : vector<16xf32>
    %get3A_231 = arith.constant 11 : i32
    %get3A_232 = arith.index_cast %get3A_231 : i32 to index
    %get3A_233 = arith.constant 32 : index
    %get3A_234 = tpu.vector_load %arg5[%get3A_232, %get3A_233] {strides = array<i32>} : memref<16x128xf32, #tpu.memory_space<vmem>>, vector<16xf32>,
    %add3A_235 = arith.addf %add3A_230, %get3A_234 : vector<16xf32>
    %get3A_236 = arith.constant 12 : i32
    %get3A_237 = arith.index_cast %get3A_236 : i32 to index
    %get3A_238 = arith.constant 32 : index
    %get3A_239 = tpu.vector_load %arg5[%get3A_237, %get3A_238] {strides = array<i32>} : memref<16x128xf32, #tpu.memory_space<vmem>>, vector<16xf32>,
    %add3A_240 = arith.addf %add3A_235, %get3A_239 : vector<16xf32>
    %get3A_241 = arith.constant 13 : i32
    %get3A_242 = arith.index_cast %get3A_241 : i32 to index
    %get3A_243 = arith.constant 32 : index
    %get3A_244 = tpu.vector_load %arg5[%get3A_242, %get3A_243] {strides = array<i32>} : memref<16x128xf32, #tpu.memory_space<vmem>>, vector<16xf32>,
    %add3A_245 = arith.addf %add3A_240, %get3A_244 : vector<16xf32>
    %get3A_246 = arith.constant 14 : i32
    %get3A_247 = arith.index_cast %get3A_246 : i32 to index
    %get3A_248 = arith.constant 32 : index
    %get3A_249 = tpu.vector_load %arg5[%get3A_247, %get3A_248] {strides = array<i32>} : memref<16x128xf32, #tpu.memory_space<vmem>>, vector<16xf32>,
    %add3A_250 = arith.addf %add3A_245, %get3A_249 : vector<16xf32>
    %get3A_251 = arith.constant 15 : i32
    %get3A_252 = arith.index_cast %get3A_251 : i32 to index
    %get3A_253 = arith.constant 32 : index
    %get3A_254 = tpu.vector_load %arg5[%get3A_252, %get3A_253] {strides = array<i32>} : memref<16x128xf32, #tpu.memory_space<vmem>>, vector<16xf32>,
    %add3A_255 = arith.addf %add3A_250, %get3A_254 : vector<16xf32>
    %swap3A_256 = arith.constant 32 : index
    %swap3A_257 = tpu.vector_load %arg6[%swap3A_256] {strides = array<i32>} : memref<128xf32, #tpu.memory_space<vmem>>, vector<16xf32>,
    tpu.vector_store %arg6[%swap3A_256], %add3A_255 {strides = array<i32>} : memref<128xf32, #tpu.memory_space<vmem>>, vector<16xf32>,
    %get3A_258 = arith.constant 0 : i32
    %get3A_259 = arith.index_cast %get3A_258 : i32 to index
    %get3A_260 = arith.constant 48 : index
    %get3A_261 = tpu.vector_load %arg5[%get3A_259, %get3A_260] {strides = array<i32>} : memref<16x128xf32, #tpu.memory_space<vmem>>, vector<16xf32>,
    %get3A_262 = arith.constant 1 : i32
    %get3A_263 = arith.index_cast %get3A_262 : i32 to index
    %get3A_264 = arith.constant 48 : index
    %get3A_265 = tpu.vector_load %arg5[%get3A_263, %get3A_264] {strides = array<i32>} : memref<16x128xf32, #tpu.memory_space<vmem>>, vector<16xf32>,
    %add3A_266 = arith.addf %get3A_261, %get3A_265 : vector<16xf32>
    %get3A_267 = arith.constant 2 : i32
    %get3A_268 = arith.index_cast %get3A_267 : i32 to index
    %get3A_269 = arith.constant 48 : index
    %get3A_270 = tpu.vector_load %arg5[%get3A_268, %get3A_269] {strides = array<i32>} : memref<16x128xf32, #tpu.memory_space<vmem>>, vector<16xf32>,
    %add3A_271 = arith.addf %add3A_266, %get3A_270 : vector<16xf32>
    %get3A_272 = arith.constant 3 : i32
    %get3A_273 = arith.index_cast %get3A_272 : i32 to index
    %get3A_274 = arith.constant 48 : index
    %get3A_275 = tpu.vector_load %arg5[%get3A_273, %get3A_274] {strides = array<i32>} : memref<16x128xf32, #tpu.memory_space<vmem>>, vector<16xf32>,
    %add3A_276 = arith.addf %add3A_271, %get3A_275 : vector<16xf32>
    %get3A_277 = arith.constant 4 : i32
    %get3A_278 = arith.index_cast %get3A_277 : i32 to index
    %get3A_279 = arith.constant 48 : index
    %get3A_280 = tpu.vector_load %arg5[%get3A_278, %get3A_279] {strides = array<i32>} : memref<16x128xf32, #tpu.memory_space<vmem>>, vector<16xf32>,
    %add3A_281 = arith.addf %add3A_276, %get3A_280 : vector<16xf32>
    %get3A_282 = arith.constant 5 : i32
    %get3A_283 = arith.index_cast %get3A_282 : i32 to index
    %get3A_284 = arith.constant 48 : index
    %get3A_285 = tpu.vector_load %arg5[%get3A_283, %get3A_284] {strides = array<i32>} : memref<16x128xf32, #tpu.memory_space<vmem>>, vector<16xf32>,
    %add3A_286 = arith.addf %add3A_281, %get3A_285 : vector<16xf32>
    %get3A_287 = arith.constant 6 : i32
    %get3A_288 = arith.index_cast %get3A_287 : i32 to index
    %get3A_289 = arith.constant 48 : index
    %get3A_290 = tpu.vector_load %arg5[%get3A_288, %get3A_289] {strides = array<i32>} : memref<16x128xf32, #tpu.memory_space<vmem>>, vector<16xf32>,
    %add3A_291 = arith.addf %add3A_286, %get3A_290 : vector<16xf32>
    %get3A_292 = arith.constant 7 : i32
    %get3A_293 = arith.index_cast %get3A_292 : i32 to index
    %get3A_294 = arith.constant 48 : index
    %get3A_295 = tpu.vector_load %arg5[%get3A_293, %get3A_294] {strides = array<i32>} : memref<16x128xf32, #tpu.memory_space<vmem>>, vector<16xf32>,
    %add3A_296 = arith.addf %add3A_291, %get3A_295 : vector<16xf32>
    %get3A_297 = arith.constant 8 : i32
    %get3A_298 = arith.index_cast %get3A_297 : i32 to index
    %get3A_299 = arith.constant 48 : index
    %get3A_300 = tpu.vector_load %arg5[%get3A_298, %get3A_299] {strides = array<i32>} : memref<16x128xf32, #tpu.memory_space<vmem>>, vector<16xf32>,
    %add3A_301 = arith.addf %add3A_296, %get3A_300 : vector<16xf32>
    %get3A_302 = arith.constant 9 : i32
    %get3A_303 = arith.index_cast %get3A_302 : i32 to index
    %get3A_304 = arith.constant 48 : index
    %get3A_305 = tpu.vector_load %arg5[%get3A_303, %get3A_304] {strides = array<i32>} : memref<16x128xf32, #tpu.memory_space<vmem>>, vector<16xf32>,
    %add3A_306 = arith.addf %add3A_301, %get3A_305 : vector<16xf32>
    %get3A_307 = arith.constant 10 : i32
    %get3A_308 = arith.index_cast %get3A_307 : i32 to index
    %get3A_309 = arith.constant 48 : index
    %get3A_310 = tpu.vector_load %arg5[%get3A_308, %get3A_309] {strides = array<i32>} : memref<16x128xf32, #tpu.memory_space<vmem>>, vector<16xf32>,
    %add3A_311 = arith.addf %add3A_306, %get3A_310 : vector<16xf32>
    %get3A_312 = arith.constant 11 : i32
    %get3A_313 = arith.index_cast %get3A_312 : i32 to index
    %get3A_314 = arith.constant 48 : index
    %get3A_315 = tpu.vector_load %arg5[%get3A_313, %get3A_314] {strides = array<i32>} : memref<16x128xf32, #tpu.memory_space<vmem>>, vector<16xf32>,
    %add3A_316 = arith.addf %add3A_311, %get3A_315 : vector<16xf32>
    %get3A_317 = arith.constant 12 : i32
    %get3A_318 = arith.index_cast %get3A_317 : i32 to index
    %get3A_319 = arith.constant 48 : index
    %get3A_320 = tpu.vector_load %arg5[%get3A_318, %get3A_319] {strides = array<i32>} : memref<16x128xf32, #tpu.memory_space<vmem>>, vector<16xf32>,
    %add3A_321 = arith.addf %add3A_316, %get3A_320 : vector<16xf32>
    %get3A_322 = arith.constant 13 : i32
    %get3A_323 = arith.index_cast %get3A_322 : i32 to index
    %get3A_324 = arith.constant 48 : index
    %get3A_325 = tpu.vector_load %arg5[%get3A_323, %get3A_324] {strides = array<i32>} : memref<16x128xf32, #tpu.memory_space<vmem>>, vector<16xf32>,
    %add3A_326 = arith.addf %add3A_321, %get3A_325 : vector<16xf32>
    %get3A_327 = arith.constant 14 : i32
    %get3A_328 = arith.index_cast %get3A_327 : i32 to index
    %get3A_329 = arith.constant 48 : index
    %get3A_330 = tpu.vector_load %arg5[%get3A_328, %get3A_329] {strides = array<i32>} : memref<16x128xf32, #tpu.memory_space<vmem>>, vector<16xf32>,
    %add3A_331 = arith.addf %add3A_326, %get3A_330 : vector<16xf32>
    %get3A_332 = arith.constant 15 : i32
    %get3A_333 = arith.index_cast %get3A_332 : i32 to index
    %get3A_334 = arith.constant 48 : index
    %get3A_335 = tpu.vector_load %arg5[%get3A_333, %get3A_334] {strides = array<i32>} : memref<16x128xf32, #tpu.memory_space<vmem>>, vector<16xf32>,
    %add3A_336 = arith.addf %add3A_331, %get3A_335 : vector<16xf32>
    %swap3A_337 = arith.constant 48 : index
    %swap3A_338 = tpu.vector_load %arg6[%swap3A_337] {strides = array<i32>} : memref<128xf32, #tpu.memory_space<vmem>>, vector<16xf32>,
    tpu.vector_store %arg6[%swap3A_337], %add3A_336 {strides = array<i32>} : memref<128xf32, #tpu.memory_space<vmem>>, vector<16xf32>,
    %get3A_339 = arith.constant 0 : i32
    %get3A_340 = arith.index_cast %get3A_339 : i32 to index
    %get3A_341 = arith.constant 64 : index
    %get3A_342 = tpu.vector_load %arg5[%get3A_340, %get3A_341] {strides = array<i32>} : memref<16x128xf32, #tpu.memory_space<vmem>>, vector<16xf32>,
    %get3A_343 = arith.constant 1 : i32
    %get3A_344 = arith.index_cast %get3A_343 : i32 to index
    %get3A_345 = arith.constant 64 : index
    %get3A_346 = tpu.vector_load %arg5[%get3A_344, %get3A_345] {strides = array<i32>} : memref<16x128xf32, #tpu.memory_space<vmem>>, vector<16xf32>,
    %add3A_347 = arith.addf %get3A_342, %get3A_346 : vector<16xf32>
    %get3A_348 = arith.constant 2 : i32
    %get3A_349 = arith.index_cast %get3A_348 : i32 to index
    %get3A_350 = arith.constant 64 : index
    %get3A_351 = tpu.vector_load %arg5[%get3A_349, %get3A_350] {strides = array<i32>} : memref<16x128xf32, #tpu.memory_space<vmem>>, vector<16xf32>,
    %add3A_352 = arith.addf %add3A_347, %get3A_351 : vector<16xf32>
    %get3A_353 = arith.constant 3 : i32
    %get3A_354 = arith.index_cast %get3A_353 : i32 to index
    %get3A_355 = arith.constant 64 : index
    %get3A_356 = tpu.vector_load %arg5[%get3A_354, %get3A_355] {strides = array<i32>} : memref<16x128xf32, #tpu.memory_space<vmem>>, vector<16xf32>,
    %add3A_357 = arith.addf %add3A_352, %get3A_356 : vector<16xf32>
    %get3A_358 = arith.constant 4 : i32
    %get3A_359 = arith.index_cast %get3A_358 : i32 to index
    %get3A_360 = arith.constant 64 : index
    %get3A_361 = tpu.vector_load %arg5[%get3A_359, %get3A_360] {strides = array<i32>} : memref<16x128xf32, #tpu.memory_space<vmem>>, vector<16xf32>,
    %add3A_362 = arith.addf %add3A_357, %get3A_361 : vector<16xf32>
    %get3A_363 = arith.constant 5 : i32
    %get3A_364 = arith.index_cast %get3A_363 : i32 to index
    %get3A_365 = arith.constant 64 : index
    %get3A_366 = tpu.vector_load %arg5[%get3A_364, %get3A_365] {strides = array<i32>} : memref<16x128xf32, #tpu.memory_space<vmem>>, vector<16xf32>,
    %add3A_367 = arith.addf %add3A_362, %get3A_366 : vector<16xf32>
    %get3A_368 = arith.constant 6 : i32
    %get3A_369 = arith.index_cast %get3A_368 : i32 to index
    %get3A_370 = arith.constant 64 : index
    %get3A_371 = tpu.vector_load %arg5[%get3A_369, %get3A_370] {strides = array<i32>} : memref<16x128xf32, #tpu.memory_space<vmem>>, vector<16xf32>,
    %add3A_372 = arith.addf %add3A_367, %get3A_371 : vector<16xf32>
    %get3A_373 = arith.constant 7 : i32
    %get3A_374 = arith.index_cast %get3A_373 : i32 to index
    %get3A_375 = arith.constant 64 : index
    %get3A_376 = tpu.vector_load %arg5[%get3A_374, %get3A_375] {strides = array<i32>} : memref<16x128xf32, #tpu.memory_space<vmem>>, vector<16xf32>,
    %add3A_377 = arith.addf %add3A_372, %get3A_376 : vector<16xf32>
    %get3A_378 = arith.constant 8 : i32
    %get3A_379 = arith.index_cast %get3A_378 : i32 to index
    %get3A_380 = arith.constant 64 : index
    %get3A_381 = tpu.vector_load %arg5[%get3A_379, %get3A_380] {strides = array<i32>} : memref<16x128xf32, #tpu.memory_space<vmem>>, vector<16xf32>,
    %add3A_382 = arith.addf %add3A_377, %get3A_381 : vector<16xf32>
    %get3A_383 = arith.constant 9 : i32
    %get3A_384 = arith.index_cast %get3A_383 : i32 to index
    %get3A_385 = arith.constant 64 : index
    %get3A_386 = tpu.vector_load %arg5[%get3A_384, %get3A_385] {strides = array<i32>} : memref<16x128xf32, #tpu.memory_space<vmem>>, vector<16xf32>,
    %add3A_387 = arith.addf %add3A_382, %get3A_386 : vector<16xf32>
    %get3A_388 = arith.constant 10 : i32
    %get3A_389 = arith.index_cast %get3A_388 : i32 to index
    %get3A_390 = arith.constant 64 : index
    %get3A_391 = tpu.vector_load %arg5[%get3A_389, %get3A_390] {strides = array<i32>} : memref<16x128xf32, #tpu.memory_space<vmem>>, vector<16xf32>,
    %add3A_392 = arith.addf %add3A_387, %get3A_391 : vector<16xf32>
    %get3A_393 = arith.constant 11 : i32
    %get3A_394 = arith.index_cast %get3A_393 : i32 to index
    %get3A_395 = arith.constant 64 : index
    %get3A_396 = tpu.vector_load %arg5[%get3A_394, %get3A_395] {strides = array<i32>} : memref<16x128xf32, #tpu.memory_space<vmem>>, vector<16xf32>,
    %add3A_397 = arith.addf %add3A_392, %get3A_396 : vector<16xf32>
    %get3A_398 = arith.constant 12 : i32
    %get3A_399 = arith.index_cast %get3A_398 : i32 to index
    %get3A_400 = arith.constant 64 : index
    %get3A_401 = tpu.vector_load %arg5[%get3A_399, %get3A_400] {strides = array<i32>} : memref<16x128xf32, #tpu.memory_space<vmem>>, vector<16xf32>,
    %add3A_402 = arith.addf %add3A_397, %get3A_401 : vector<16xf32>
    %get3A_403 = arith.constant 13 : i32
    %get3A_404 = arith.index_cast %get3A_403 : i32 to index
    %get3A_405 = arith.constant 64 : index
    %get3A_406 = tpu.vector_load %arg5[%get3A_404, %get3A_405] {strides = array<i32>} : memref<16x128xf32, #tpu.memory_space<vmem>>, vector<16xf32>,
    %add3A_407 = arith.addf %add3A_402, %get3A_406 : vector<16xf32>
    %get3A_408 = arith.constant 14 : i32
    %get3A_409 = arith.index_cast %get3A_408 : i32 to index
    %get3A_410 = arith.constant 64 : index
    %get3A_411 = tpu.vector_load %arg5[%get3A_409, %get3A_410] {strides = array<i32>} : memref<16x128xf32, #tpu.memory_space<vmem>>, vector<16xf32>,
    %add3A_412 = arith.addf %add3A_407, %get3A_411 : vector<16xf32>
    %get3A_413 = arith.constant 15 : i32
    %get3A_414 = arith.index_cast %get3A_413 : i32 to index
    %get3A_415 = arith.constant 64 : index
    %get3A_416 = tpu.vector_load %arg5[%get3A_414, %get3A_415] {strides = array<i32>} : memref<16x128xf32, #tpu.memory_space<vmem>>, vector<16xf32>,
    %add3A_417 = arith.addf %add3A_412, %get3A_416 : vector<16xf32>
    %swap3A_418 = arith.constant 64 : index
    %swap3A_419 = tpu.vector_load %arg6[%swap3A_418] {strides = array<i32>} : memref<128xf32, #tpu.memory_space<vmem>>, vector<16xf32>,
    tpu.vector_store %arg6[%swap3A_418], %add3A_417 {strides = array<i32>} : memref<128xf32, #tpu.memory_space<vmem>>, vector<16xf32>,
    %mul3A_420 = arith.constant 80 : i32
    %mul3A_421 = arith.muli %add3A, %mul3A_420 : i32
    "tpu.region"() ({
      %run_scoped3A = tpu.sem_alloc : memref<!tpu.dma_semaphore, #tpu.memory_space<semaphore_mem>>
      %dma_start3A = arith.constant 0 : i32
      %dma_start3A_424 = tpu.memref_slice %arg6[%dma_start3A] : memref<128xf32, #tpu.memory_space<vmem>> -> memref<80xf32, #tpu.memory_space<vmem>>
      %dma_start3A_425 = tpu.memref_slice %arg8[%mul3A_421] : memref<1280xf32, #tpu.memory_space<vmem_shared>> -> memref<80xf32, #tpu.memory_space<vmem_shared>>
      %dma_start3A_426 = tpu.memref_slice %arg8[%mul3A_421] : memref<1280xf32, #tpu.memory_space<vmem_shared>> -> memref<80xf32, #tpu.memory_space<vmem_shared>>
      %dma_start3A_427 = arith.constant 0 : i32
      %dma_start3A_428 = tpu.memref_slice %arg6[%dma_start3A_427] : memref<128xf32, #tpu.memory_space<vmem>> -> memref<80xf32, #tpu.memory_space<vmem>>
      tpu.enqueue_dma source(%dma_start3A_428 : memref<80xf32, #tpu.memory_space<vmem>>) target(%dma_start3A_426 : memref<80xf32, #tpu.memory_space<vmem_shared>>) target_semaphore(%run_scoped3A : memref<!tpu.dma_semaphore, #tpu.memory_space<semaphore_mem>>)
      %dma_wait3A = arith.constant 0 : i32
      %dma_wait3A_429 = tpu.memref_slice %arg6[%dma_wait3A] : memref<128xf32, #tpu.memory_space<vmem>> -> memref<80xf32, #tpu.memory_space<vmem>>
      %dma_wait3A_430 = tpu.memref_slice %arg8[%mul3A_421] : memref<1280xf32, #tpu.memory_space<vmem_shared>> -> memref<80xf32, #tpu.memory_space<vmem_shared>>
      %dma_wait3A_431 = tpu.memref_slice %arg8[%mul3A_421] : memref<1280xf32, #tpu.memory_space<vmem_shared>> -> memref<80xf32, #tpu.memory_space<vmem_shared>>
      %dma_wait3A_432 = arith.constant 0 : i32
      %dma_wait3A_433 = tpu.memref_slice %arg6[%dma_wait3A_432] : memref<128xf32, #tpu.memory_space<vmem>> -> memref<80xf32, #tpu.memory_space<vmem>>
      tpu.wait_dma2 semaphore(%run_scoped3A : memref<!tpu.dma_semaphore, #tpu.memory_space<semaphore_mem>>) src(%dma_wait3A_433 : memref<80xf32, #tpu.memory_space<vmem>>) dst(%dma_wait3A_431 : memref<80xf32, #tpu.memory_space<vmem_shared>>)
      tpu.yield
    }) : () -> ()
    %barrier3A = arith.constant 0 : index
    tpu.barrier barrier_id(%barrier3A)
    %eq3A = arith.constant 0 : i32
    %eq3A_422 = arith.cmpi eq, %add3A, %eq3A : i32
    %convert_element_type3A = arith.extui %eq3A_422 : i1 to i32
    %cond3A = arith.constant 0 : i32
    %cond3A_423 = arith.cmpi ne, %convert_element_type3A, %cond3A : i32
    scf.if %cond3A_423 {
      "tpu.region"() ({
        %run_scoped3A = tpu.sem_alloc : memref<!tpu.dma_semaphore, #tpu.memory_space<semaphore_mem>>
        tpu.enqueue_dma source(%arg8 : memref<1280xf32, #tpu.memory_space<vmem_shared>>) target(%arg7 : memref<1280xf32, #tpu.memory_space<vmem>>) target_semaphore(%run_scoped3A : memref<!tpu.dma_semaphore, #tpu.memory_space<semaphore_mem>>)
        tpu.wait_dma2 semaphore(%run_scoped3A : memref<!tpu.dma_semaphore, #tpu.memory_space<semaphore_mem>>) src(%arg8 : memref<1280xf32, #tpu.memory_space<vmem_shared>>) dst(%arg7 : memref<1280xf32, #tpu.memory_space<vmem>>)
        tpu.yield
      }) : () -> ()
      %get3A_424 = arith.constant 0 : index
      %get3A_425 = tpu.vector_load %arg7[%get3A_424] {strides = array<i32>} : memref<1280xf32, #tpu.memory_space<vmem>>, vector<16xf32>,
      %get3A_426 = arith.constant 80 : index
      %get3A_427 = tpu.vector_load %arg7[%get3A_426] {strides = array<i32>} : memref<1280xf32, #tpu.memory_space<vmem>>, vector<16xf32>,
      %add3A_428 = arith.addf %get3A_425, %get3A_427 : vector<16xf32>
      %get3A_429 = arith.constant 160 : index
      %get3A_430 = tpu.vector_load %arg7[%get3A_429] {strides = array<i32>} : memref<1280xf32, #tpu.memory_space<vmem>>, vector<16xf32>,
      %add3A_431 = arith.addf %add3A_428, %get3A_430 : vector<16xf32>
      %get3A_432 = arith.constant 240 : index
      %get3A_433 = tpu.vector_load %arg7[%get3A_432] {strides = array<i32>} : memref<1280xf32, #tpu.memory_space<vmem>>, vector<16xf32>,
      %add3A_434 = arith.addf %add3A_431, %get3A_433 : vector<16xf32>
      %get3A_435 = arith.constant 320 : index
      %get3A_436 = tpu.vector_load %arg7[%get3A_435] {strides = array<i32>} : memref<1280xf32, #tpu.memory_space<vmem>>, vector<16xf32>,
      %add3A_437 = arith.addf %add3A_434, %get3A_436 : vector<16xf32>
      %get3A_438 = arith.constant 400 : index
      %get3A_439 = tpu.vector_load %arg7[%get3A_438] {strides = array<i32>} : memref<1280xf32, #tpu.memory_space<vmem>>, vector<16xf32>,
      %add3A_440 = arith.addf %add3A_437, %get3A_439 : vector<16xf32>
      %get3A_441 = arith.constant 480 : index
      %get3A_442 = tpu.vector_load %arg7[%get3A_441] {strides = array<i32>} : memref<1280xf32, #tpu.memory_space<vmem>>, vector<16xf32>,
      %add3A_443 = arith.addf %add3A_440, %get3A_442 : vector<16xf32>
      %get3A_444 = arith.constant 560 : index
      %get3A_445 = tpu.vector_load %arg7[%get3A_444] {strides = array<i32>} : memref<1280xf32, #tpu.memory_space<vmem>>, vector<16xf32>,
      %add3A_446 = arith.addf %add3A_443, %get3A_445 : vector<16xf32>
      %get3A_447 = arith.constant 640 : index
      %get3A_448 = tpu.vector_load %arg7[%get3A_447] {strides = array<i32>} : memref<1280xf32, #tpu.memory_space<vmem>>, vector<16xf32>,
      %add3A_449 = arith.addf %add3A_446, %get3A_448 : vector<16xf32>
      %get3A_450 = arith.constant 720 : index
      %get3A_451 = tpu.vector_load %arg7[%get3A_450] {strides = array<i32>} : memref<1280xf32, #tpu.memory_space<vmem>>, vector<16xf32>,
      %add3A_452 = arith.addf %add3A_449, %get3A_451 : vector<16xf32>
      %get3A_453 = arith.constant 800 : index
      %get3A_454 = tpu.vector_load %arg7[%get3A_453] {strides = array<i32>} : memref<1280xf32, #tpu.memory_space<vmem>>, vector<16xf32>,
      %add3A_455 = arith.addf %add3A_452, %get3A_454 : vector<16xf32>
      %get3A_456 = arith.constant 880 : index
      %get3A_457 = tpu.vector_load %arg7[%get3A_456] {strides = array<i32>} : memref<1280xf32, #tpu.memory_space<vmem>>, vector<16xf32>,
      %add3A_458 = arith.addf %add3A_455, %get3A_457 : vector<16xf32>
      %get3A_459 = arith.constant 960 : index
      %get3A_460 = tpu.vector_load %arg7[%get3A_459] {strides = array<i32>} : memref<1280xf32, #tpu.memory_space<vmem>>, vector<16xf32>,
      %add3A_461 = arith.addf %add3A_458, %get3A_460 : vector<16xf32>
      %get3A_462 = arith.constant 1040 : index
      %get3A_463 = tpu.vector_load %arg7[%get3A_462] {strides = array<i32>} : memref<1280xf32, #tpu.memory_space<vmem>>, vector<16xf32>,
      %add3A_464 = arith.addf %add3A_461, %get3A_463 : vector<16xf32>
      %get3A_465 = arith.constant 1120 : index
      %get3A_466 = tpu.vector_load %arg7[%get3A_465] {strides = array<i32>} : memref<1280xf32, #tpu.memory_space<vmem>>, vector<16xf32>,
      %add3A_467 = arith.addf %add3A_464, %get3A_466 : vector<16xf32>
      %get3A_468 = arith.constant 1200 : index
      %get3A_469 = tpu.vector_load %arg7[%get3A_468] {strides = array<i32>} : memref<1280xf32, #tpu.memory_space<vmem>>, vector<16xf32>,
      %add3A_470 = arith.addf %add3A_467, %get3A_469 : vector<16xf32>
      %max3A = arith.constant 1.000000e+00 : f32
      %max3A_471 = vector.broadcast %max3A : f32 to vector<16xf32>
      %max3A_472 = arith.maximumf %add3A_470, %max3A_471 : vector<16xf32>
      %get3A_473 = arith.constant 16 : index
      %get3A_474 = tpu.vector_load %arg7[%get3A_473] {strides = array<i32>} : memref<1280xf32, #tpu.memory_space<vmem>>, vector<16xf32>,
      %get3A_475 = arith.constant 96 : index
      %get3A_476 = tpu.vector_load %arg7[%get3A_475] {strides = array<i32>} : memref<1280xf32, #tpu.memory_space<vmem>>, vector<16xf32>,
      %add3A_477 = arith.addf %get3A_474, %get3A_476 : vector<16xf32>
      %get3A_478 = arith.constant 176 : index
      %get3A_479 = tpu.vector_load %arg7[%get3A_478] {strides = array<i32>} : memref<1280xf32, #tpu.memory_space<vmem>>, vector<16xf32>,
      %add3A_480 = arith.addf %add3A_477, %get3A_479 : vector<16xf32>
      %get3A_481 = arith.constant 256 : index
      %get3A_482 = tpu.vector_load %arg7[%get3A_481] {strides = array<i32>} : memref<1280xf32, #tpu.memory_space<vmem>>, vector<16xf32>,
      %add3A_483 = arith.addf %add3A_480, %get3A_482 : vector<16xf32>
      %get3A_484 = arith.constant 336 : index
      %get3A_485 = tpu.vector_load %arg7[%get3A_484] {strides = array<i32>} : memref<1280xf32, #tpu.memory_space<vmem>>, vector<16xf32>,
      %add3A_486 = arith.addf %add3A_483, %get3A_485 : vector<16xf32>
      %get3A_487 = arith.constant 416 : index
      %get3A_488 = tpu.vector_load %arg7[%get3A_487] {strides = array<i32>} : memref<1280xf32, #tpu.memory_space<vmem>>, vector<16xf32>,
      %add3A_489 = arith.addf %add3A_486, %get3A_488 : vector<16xf32>
      %get3A_490 = arith.constant 496 : index
      %get3A_491 = tpu.vector_load %arg7[%get3A_490] {strides = array<i32>} : memref<1280xf32, #tpu.memory_space<vmem>>, vector<16xf32>,
      %add3A_492 = arith.addf %add3A_489, %get3A_491 : vector<16xf32>
      %get3A_493 = arith.constant 576 : index
      %get3A_494 = tpu.vector_load %arg7[%get3A_493] {strides = array<i32>} : memref<1280xf32, #tpu.memory_space<vmem>>, vector<16xf32>,
      %add3A_495 = arith.addf %add3A_492, %get3A_494 : vector<16xf32>
      %get3A_496 = arith.constant 656 : index
      %get3A_497 = tpu.vector_load %arg7[%get3A_496] {strides = array<i32>} : memref<1280xf32, #tpu.memory_space<vmem>>, vector<16xf32>,
      %add3A_498 = arith.addf %add3A_495, %get3A_497 : vector<16xf32>
      %get3A_499 = arith.constant 736 : index
      %get3A_500 = tpu.vector_load %arg7[%get3A_499] {strides = array<i32>} : memref<1280xf32, #tpu.memory_space<vmem>>, vector<16xf32>,
      %add3A_501 = arith.addf %add3A_498, %get3A_500 : vector<16xf32>
      %get3A_502 = arith.constant 816 : index
      %get3A_503 = tpu.vector_load %arg7[%get3A_502] {strides = array<i32>} : memref<1280xf32, #tpu.memory_space<vmem>>, vector<16xf32>,
      %add3A_504 = arith.addf %add3A_501, %get3A_503 : vector<16xf32>
      %get3A_505 = arith.constant 896 : index
      %get3A_506 = tpu.vector_load %arg7[%get3A_505] {strides = array<i32>} : memref<1280xf32, #tpu.memory_space<vmem>>, vector<16xf32>,
      %add3A_507 = arith.addf %add3A_504, %get3A_506 : vector<16xf32>
      %get3A_508 = arith.constant 976 : index
      %get3A_509 = tpu.vector_load %arg7[%get3A_508] {strides = array<i32>} : memref<1280xf32, #tpu.memory_space<vmem>>, vector<16xf32>,
      %add3A_510 = arith.addf %add3A_507, %get3A_509 : vector<16xf32>
      %get3A_511 = arith.constant 1056 : index
      %get3A_512 = tpu.vector_load %arg7[%get3A_511] {strides = array<i32>} : memref<1280xf32, #tpu.memory_space<vmem>>, vector<16xf32>,
      %add3A_513 = arith.addf %add3A_510, %get3A_512 : vector<16xf32>
      %get3A_514 = arith.constant 1136 : index
      %get3A_515 = tpu.vector_load %arg7[%get3A_514] {strides = array<i32>} : memref<1280xf32, #tpu.memory_space<vmem>>, vector<16xf32>,
      %add3A_516 = arith.addf %add3A_513, %get3A_515 : vector<16xf32>
      %get3A_517 = arith.constant 1216 : index
      %get3A_518 = tpu.vector_load %arg7[%get3A_517] {strides = array<i32>} : memref<1280xf32, #tpu.memory_space<vmem>>, vector<16xf32>,
      %add3A_519 = arith.addf %add3A_516, %get3A_518 : vector<16xf32>
      %max3A_520 = arith.constant 1.000000e+00 : f32
      %max3A_521 = vector.broadcast %max3A_520 : f32 to vector<16xf32>
      %max3A_522 = arith.maximumf %add3A_519, %max3A_521 : vector<16xf32>
      %get3A_523 = arith.constant 32 : index
      %get3A_524 = tpu.vector_load %arg7[%get3A_523] {strides = array<i32>} : memref<1280xf32, #tpu.memory_space<vmem>>, vector<16xf32>,
      %get3A_525 = arith.constant 112 : index
      %get3A_526 = tpu.vector_load %arg7[%get3A_525] {strides = array<i32>} : memref<1280xf32, #tpu.memory_space<vmem>>, vector<16xf32>,
      %add3A_527 = arith.addf %get3A_524, %get3A_526 : vector<16xf32>
      %get3A_528 = arith.constant 192 : index
      %get3A_529 = tpu.vector_load %arg7[%get3A_528] {strides = array<i32>} : memref<1280xf32, #tpu.memory_space<vmem>>, vector<16xf32>,
      %add3A_530 = arith.addf %add3A_527, %get3A_529 : vector<16xf32>
      %get3A_531 = arith.constant 272 : index
      %get3A_532 = tpu.vector_load %arg7[%get3A_531] {strides = array<i32>} : memref<1280xf32, #tpu.memory_space<vmem>>, vector<16xf32>,
      %add3A_533 = arith.addf %add3A_530, %get3A_532 : vector<16xf32>
      %get3A_534 = arith.constant 352 : index
      %get3A_535 = tpu.vector_load %arg7[%get3A_534] {strides = array<i32>} : memref<1280xf32, #tpu.memory_space<vmem>>, vector<16xf32>,
      %add3A_536 = arith.addf %add3A_533, %get3A_535 : vector<16xf32>
      %get3A_537 = arith.constant 432 : index
      %get3A_538 = tpu.vector_load %arg7[%get3A_537] {strides = array<i32>} : memref<1280xf32, #tpu.memory_space<vmem>>, vector<16xf32>,
      %add3A_539 = arith.addf %add3A_536, %get3A_538 : vector<16xf32>
      %get3A_540 = arith.constant 512 : index
      %get3A_541 = tpu.vector_load %arg7[%get3A_540] {strides = array<i32>} : memref<1280xf32, #tpu.memory_space<vmem>>, vector<16xf32>,
      %add3A_542 = arith.addf %add3A_539, %get3A_541 : vector<16xf32>
      %get3A_543 = arith.constant 592 : index
      %get3A_544 = tpu.vector_load %arg7[%get3A_543] {strides = array<i32>} : memref<1280xf32, #tpu.memory_space<vmem>>, vector<16xf32>,
      %add3A_545 = arith.addf %add3A_542, %get3A_544 : vector<16xf32>
      %get3A_546 = arith.constant 672 : index
      %get3A_547 = tpu.vector_load %arg7[%get3A_546] {strides = array<i32>} : memref<1280xf32, #tpu.memory_space<vmem>>, vector<16xf32>,
      %add3A_548 = arith.addf %add3A_545, %get3A_547 : vector<16xf32>
      %get3A_549 = arith.constant 752 : index
      %get3A_550 = tpu.vector_load %arg7[%get3A_549] {strides = array<i32>} : memref<1280xf32, #tpu.memory_space<vmem>>, vector<16xf32>,
      %add3A_551 = arith.addf %add3A_548, %get3A_550 : vector<16xf32>
      %get3A_552 = arith.constant 832 : index
      %get3A_553 = tpu.vector_load %arg7[%get3A_552] {strides = array<i32>} : memref<1280xf32, #tpu.memory_space<vmem>>, vector<16xf32>,
      %add3A_554 = arith.addf %add3A_551, %get3A_553 : vector<16xf32>
      %get3A_555 = arith.constant 912 : index
      %get3A_556 = tpu.vector_load %arg7[%get3A_555] {strides = array<i32>} : memref<1280xf32, #tpu.memory_space<vmem>>, vector<16xf32>,
      %add3A_557 = arith.addf %add3A_554, %get3A_556 : vector<16xf32>
      %get3A_558 = arith.constant 992 : index
      %get3A_559 = tpu.vector_load %arg7[%get3A_558] {strides = array<i32>} : memref<1280xf32, #tpu.memory_space<vmem>>, vector<16xf32>,
      %add3A_560 = arith.addf %add3A_557, %get3A_559 : vector<16xf32>
      %get3A_561 = arith.constant 1072 : index
      %get3A_562 = tpu.vector_load %arg7[%get3A_561] {strides = array<i32>} : memref<1280xf32, #tpu.memory_space<vmem>>, vector<16xf32>,
      %add3A_563 = arith.addf %add3A_560, %get3A_562 : vector<16xf32>
      %get3A_564 = arith.constant 1152 : index
      %get3A_565 = tpu.vector_load %arg7[%get3A_564] {strides = array<i32>} : memref<1280xf32, #tpu.memory_space<vmem>>, vector<16xf32>,
      %add3A_566 = arith.addf %add3A_563, %get3A_565 : vector<16xf32>
      %get3A_567 = arith.constant 1232 : index
      %get3A_568 = tpu.vector_load %arg7[%get3A_567] {strides = array<i32>} : memref<1280xf32, #tpu.memory_space<vmem>>, vector<16xf32>,
      %add3A_569 = arith.addf %add3A_566, %get3A_568 : vector<16xf32>
      %max3A_570 = arith.constant 1.000000e+00 : f32
      %max3A_571 = vector.broadcast %max3A_570 : f32 to vector<16xf32>
      %max3A_572 = arith.maximumf %add3A_569, %max3A_571 : vector<16xf32>
      %get3A_573 = arith.constant 48 : index
      %get3A_574 = tpu.vector_load %arg7[%get3A_573] {strides = array<i32>} : memref<1280xf32, #tpu.memory_space<vmem>>, vector<16xf32>,
      %get3A_575 = arith.constant 128 : index
      %get3A_576 = tpu.vector_load %arg7[%get3A_575] {strides = array<i32>} : memref<1280xf32, #tpu.memory_space<vmem>>, vector<16xf32>,
      %add3A_577 = arith.addf %get3A_574, %get3A_576 : vector<16xf32>
      %get3A_578 = arith.constant 208 : index
      %get3A_579 = tpu.vector_load %arg7[%get3A_578] {strides = array<i32>} : memref<1280xf32, #tpu.memory_space<vmem>>, vector<16xf32>,
      %add3A_580 = arith.addf %add3A_577, %get3A_579 : vector<16xf32>
      %get3A_581 = arith.constant 288 : index
      %get3A_582 = tpu.vector_load %arg7[%get3A_581] {strides = array<i32>} : memref<1280xf32, #tpu.memory_space<vmem>>, vector<16xf32>,
      %add3A_583 = arith.addf %add3A_580, %get3A_582 : vector<16xf32>
      %get3A_584 = arith.constant 368 : index
      %get3A_585 = tpu.vector_load %arg7[%get3A_584] {strides = array<i32>} : memref<1280xf32, #tpu.memory_space<vmem>>, vector<16xf32>,
      %add3A_586 = arith.addf %add3A_583, %get3A_585 : vector<16xf32>
      %get3A_587 = arith.constant 448 : index
      %get3A_588 = tpu.vector_load %arg7[%get3A_587] {strides = array<i32>} : memref<1280xf32, #tpu.memory_space<vmem>>, vector<16xf32>,
      %add3A_589 = arith.addf %add3A_586, %get3A_588 : vector<16xf32>
      %get3A_590 = arith.constant 528 : index
      %get3A_591 = tpu.vector_load %arg7[%get3A_590] {strides = array<i32>} : memref<1280xf32, #tpu.memory_space<vmem>>, vector<16xf32>,
      %add3A_592 = arith.addf %add3A_589, %get3A_591 : vector<16xf32>
      %get3A_593 = arith.constant 608 : index
      %get3A_594 = tpu.vector_load %arg7[%get3A_593] {strides = array<i32>} : memref<1280xf32, #tpu.memory_space<vmem>>, vector<16xf32>,
      %add3A_595 = arith.addf %add3A_592, %get3A_594 : vector<16xf32>
      %get3A_596 = arith.constant 688 : index
      %get3A_597 = tpu.vector_load %arg7[%get3A_596] {strides = array<i32>} : memref<1280xf32, #tpu.memory_space<vmem>>, vector<16xf32>,
      %add3A_598 = arith.addf %add3A_595, %get3A_597 : vector<16xf32>
      %get3A_599 = arith.constant 768 : index
      %get3A_600 = tpu.vector_load %arg7[%get3A_599] {strides = array<i32>} : memref<1280xf32, #tpu.memory_space<vmem>>, vector<16xf32>,
      %add3A_601 = arith.addf %add3A_598, %get3A_600 : vector<16xf32>
      %get3A_602 = arith.constant 848 : index
      %get3A_603 = tpu.vector_load %arg7[%get3A_602] {strides = array<i32>} : memref<1280xf32, #tpu.memory_space<vmem>>, vector<16xf32>,
      %add3A_604 = arith.addf %add3A_601, %get3A_603 : vector<16xf32>
      %get3A_605 = arith.constant 928 : index
      %get3A_606 = tpu.vector_load %arg7[%get3A_605] {strides = array<i32>} : memref<1280xf32, #tpu.memory_space<vmem>>, vector<16xf32>,
      %add3A_607 = arith.addf %add3A_604, %get3A_606 : vector<16xf32>
      %get3A_608 = arith.constant 1008 : index
      %get3A_609 = tpu.vector_load %arg7[%get3A_608] {strides = array<i32>} : memref<1280xf32, #tpu.memory_space<vmem>>, vector<16xf32>,
      %add3A_610 = arith.addf %add3A_607, %get3A_609 : vector<16xf32>
      %get3A_611 = arith.constant 1088 : index
      %get3A_612 = tpu.vector_load %arg7[%get3A_611] {strides = array<i32>} : memref<1280xf32, #tpu.memory_space<vmem>>, vector<16xf32>,
      %add3A_613 = arith.addf %add3A_610, %get3A_612 : vector<16xf32>
      %get3A_614 = arith.constant 1168 : index
      %get3A_615 = tpu.vector_load %arg7[%get3A_614] {strides = array<i32>} : memref<1280xf32, #tpu.memory_space<vmem>>, vector<16xf32>,
      %add3A_616 = arith.addf %add3A_613, %get3A_615 : vector<16xf32>
      %get3A_617 = arith.constant 1248 : index
      %get3A_618 = tpu.vector_load %arg7[%get3A_617] {strides = array<i32>} : memref<1280xf32, #tpu.memory_space<vmem>>, vector<16xf32>,
      %add3A_619 = arith.addf %add3A_616, %get3A_618 : vector<16xf32>
      %max3A_620 = arith.constant 1.000000e+00 : f32
      %max3A_621 = vector.broadcast %max3A_620 : f32 to vector<16xf32>
      %max3A_622 = arith.maximumf %add3A_619, %max3A_621 : vector<16xf32>
      %get3A_623 = arith.constant 64 : index
      %get3A_624 = tpu.vector_load %arg7[%get3A_623] {strides = array<i32>} : memref<1280xf32, #tpu.memory_space<vmem>>, vector<16xf32>,
      %get3A_625 = arith.constant 144 : index
      %get3A_626 = tpu.vector_load %arg7[%get3A_625] {strides = array<i32>} : memref<1280xf32, #tpu.memory_space<vmem>>, vector<16xf32>,
      %add3A_627 = arith.addf %get3A_624, %get3A_626 : vector<16xf32>
      %get3A_628 = arith.constant 224 : index
      %get3A_629 = tpu.vector_load %arg7[%get3A_628] {strides = array<i32>} : memref<1280xf32, #tpu.memory_space<vmem>>, vector<16xf32>,
      %add3A_630 = arith.addf %add3A_627, %get3A_629 : vector<16xf32>
      %get3A_631 = arith.constant 304 : index
      %get3A_632 = tpu.vector_load %arg7[%get3A_631] {strides = array<i32>} : memref<1280xf32, #tpu.memory_space<vmem>>, vector<16xf32>,
      %add3A_633 = arith.addf %add3A_630, %get3A_632 : vector<16xf32>
      %get3A_634 = arith.constant 384 : index
      %get3A_635 = tpu.vector_load %arg7[%get3A_634] {strides = array<i32>} : memref<1280xf32, #tpu.memory_space<vmem>>, vector<16xf32>,
      %add3A_636 = arith.addf %add3A_633, %get3A_635 : vector<16xf32>
      %get3A_637 = arith.constant 464 : index
      %get3A_638 = tpu.vector_load %arg7[%get3A_637] {strides = array<i32>} : memref<1280xf32, #tpu.memory_space<vmem>>, vector<16xf32>,
      %add3A_639 = arith.addf %add3A_636, %get3A_638 : vector<16xf32>
      %get3A_640 = arith.constant 544 : index
      %get3A_641 = tpu.vector_load %arg7[%get3A_640] {strides = array<i32>} : memref<1280xf32, #tpu.memory_space<vmem>>, vector<16xf32>,
      %add3A_642 = arith.addf %add3A_639, %get3A_641 : vector<16xf32>
      %get3A_643 = arith.constant 624 : index
      %get3A_644 = tpu.vector_load %arg7[%get3A_643] {strides = array<i32>} : memref<1280xf32, #tpu.memory_space<vmem>>, vector<16xf32>,
      %add3A_645 = arith.addf %add3A_642, %get3A_644 : vector<16xf32>
      %get3A_646 = arith.constant 704 : index
      %get3A_647 = tpu.vector_load %arg7[%get3A_646] {strides = array<i32>} : memref<1280xf32, #tpu.memory_space<vmem>>, vector<16xf32>,
      %add3A_648 = arith.addf %add3A_645, %get3A_647 : vector<16xf32>
      %get3A_649 = arith.constant 784 : index
      %get3A_650 = tpu.vector_load %arg7[%get3A_649] {strides = array<i32>} : memref<1280xf32, #tpu.memory_space<vmem>>, vector<16xf32>,
      %add3A_651 = arith.addf %add3A_648, %get3A_650 : vector<16xf32>
      %get3A_652 = arith.constant 864 : index
      %get3A_653 = tpu.vector_load %arg7[%get3A_652] {strides = array<i32>} : memref<1280xf32, #tpu.memory_space<vmem>>, vector<16xf32>,
      %add3A_654 = arith.addf %add3A_651, %get3A_653 : vector<16xf32>
      %get3A_655 = arith.constant 944 : index
      %get3A_656 = tpu.vector_load %arg7[%get3A_655] {strides = array<i32>} : memref<1280xf32, #tpu.memory_space<vmem>>, vector<16xf32>,
      %add3A_657 = arith.addf %add3A_654, %get3A_656 : vector<16xf32>
      %get3A_658 = arith.constant 1024 : index
      %get3A_659 = tpu.vector_load %arg7[%get3A_658] {strides = array<i32>} : memref<1280xf32, #tpu.memory_space<vmem>>, vector<16xf32>,
      %add3A_660 = arith.addf %add3A_657, %get3A_659 : vector<16xf32>
      %get3A_661 = arith.constant 1104 : index
      %get3A_662 = tpu.vector_load %arg7[%get3A_661] {strides = array<i32>} : memref<1280xf32, #tpu.memory_space<vmem>>, vector<16xf32>,
      %add3A_663 = arith.addf %add3A_660, %get3A_662 : vector<16xf32>
      %get3A_664 = arith.constant 1184 : index
      %get3A_665 = tpu.vector_load %arg7[%get3A_664] {strides = array<i32>} : memref<1280xf32, #tpu.memory_space<vmem>>, vector<16xf32>,
      %add3A_666 = arith.addf %add3A_663, %get3A_665 : vector<16xf32>
      %get3A_667 = arith.constant 1264 : index
      %get3A_668 = tpu.vector_load %arg7[%get3A_667] {strides = array<i32>} : memref<1280xf32, #tpu.memory_space<vmem>>, vector<16xf32>,
      %add3A_669 = arith.addf %add3A_666, %get3A_668 : vector<16xf32>
      %max3A_670 = arith.constant 1.000000e+00 : f32
      %max3A_671 = vector.broadcast %max3A_670 : f32 to vector<16xf32>
      %max3A_672 = arith.maximumf %add3A_669, %max3A_671 : vector<16xf32>
      %max3A_673 = arith.maximumf %max3A_472, %max3A_522 : vector<16xf32>
      %max3A_674 = arith.maximumf %max3A_673, %max3A_572 : vector<16xf32>
      %max3A_675 = arith.maximumf %max3A_674, %max3A_622 : vector<16xf32>
      %max3A_676 = arith.maximumf %max3A_675, %max3A_672 : vector<16xf32>
      %reduce_max3A = arith.constant true
      %reduce_max3A_677 = vector.broadcast %reduce_max3A : i1 to vector<16xi1>
      %reduce_max3A_678 = tpu.scan <max>, %max3A_676 masked %reduce_max3A_677 : vector<16xf32>, vector<16xi1> -> vector<16xf32>
      %reduce_max3A_679 = vector.extract %reduce_max3A_678[15] : f32 from vector<16xf32>
      %broadcast_in_dim3A_680 = arith.constant 1.000000e+00 : f32
      %broadcast_in_dim3A_681 = vector.broadcast %broadcast_in_dim3A_680 : f32 to vector<16xf32>
      %mul3A_682 = vector.broadcast %reduce_max3A_679 : f32 to vector<16xf32>
      %mul3A_683 = arith.mulf %mul3A_682, %broadcast_in_dim3A_681 : vector<16xf32>
      %div3A = arith.divf %mul3A_683, %max3A_472 : vector<16xf32>
      %div3A_684 = arith.divf %div3A, %div3A : vector<16xf32>
      %add3A_685 = arith.addf %div3A, %div3A_684 : vector<16xf32>
      %mul3A_686 = arith.constant 5.000000e-01 : f32
      %mul3A_687 = vector.broadcast %mul3A_686 : f32 to vector<16xf32>
      %mul3A_688 = arith.mulf %mul3A_687, %add3A_685 : vector<16xf32>
      %div3A_689 = arith.divf %div3A, %mul3A_688 : vector<16xf32>
      %add3A_690 = arith.addf %mul3A_688, %div3A_689 : vector<16xf32>
      %mul3A_691 = arith.constant 5.000000e-01 : f32
      %mul3A_692 = vector.broadcast %mul3A_691 : f32 to vector<16xf32>
      %mul3A_693 = arith.mulf %mul3A_692, %add3A_690 : vector<16xf32>
      %div3A_694 = arith.divf %div3A, %mul3A_693 : vector<16xf32>
      %add3A_695 = arith.addf %mul3A_693, %div3A_694 : vector<16xf32>
      %mul3A_696 = arith.constant 5.000000e-01 : f32
      %mul3A_697 = vector.broadcast %mul3A_696 : f32 to vector<16xf32>
      %mul3A_698 = arith.mulf %mul3A_697, %add3A_695 : vector<16xf32>
      %div3A_699 = arith.divf %div3A, %mul3A_698 : vector<16xf32>
      %add3A_700 = arith.addf %mul3A_698, %div3A_699 : vector<16xf32>
      %mul3A_701 = arith.constant 5.000000e-01 : f32
      %mul3A_702 = vector.broadcast %mul3A_701 : f32 to vector<16xf32>
      %mul3A_703 = arith.mulf %mul3A_702, %add3A_700 : vector<16xf32>
      %div3A_704 = arith.divf %div3A, %mul3A_703 : vector<16xf32>
      %add3A_705 = arith.addf %mul3A_703, %div3A_704 : vector<16xf32>
      %mul3A_706 = arith.constant 5.000000e-01 : f32
      %mul3A_707 = vector.broadcast %mul3A_706 : f32 to vector<16xf32>
      %mul3A_708 = arith.mulf %mul3A_707, %add3A_705 : vector<16xf32>
      %div3A_709 = arith.divf %div3A, %mul3A_708 : vector<16xf32>
      %add3A_710 = arith.addf %mul3A_708, %div3A_709 : vector<16xf32>
      %mul3A_711 = arith.constant 5.000000e-01 : f32
      %mul3A_712 = vector.broadcast %mul3A_711 : f32 to vector<16xf32>
      %mul3A_713 = arith.mulf %mul3A_712, %add3A_710 : vector<16xf32>
      %div3A_714 = arith.divf %div3A, %mul3A_713 : vector<16xf32>
      %add3A_715 = arith.addf %mul3A_713, %div3A_714 : vector<16xf32>
      %mul3A_716 = arith.constant 5.000000e-01 : f32
      %mul3A_717 = vector.broadcast %mul3A_716 : f32 to vector<16xf32>
      %mul3A_718 = arith.mulf %mul3A_717, %add3A_715 : vector<16xf32>
      %div3A_719 = arith.divf %div3A, %mul3A_718 : vector<16xf32>
      %add3A_720 = arith.addf %mul3A_718, %div3A_719 : vector<16xf32>
      %mul3A_721 = arith.constant 5.000000e-01 : f32
      %mul3A_722 = vector.broadcast %mul3A_721 : f32 to vector<16xf32>
      %mul3A_723 = arith.mulf %mul3A_722, %add3A_720 : vector<16xf32>
      %div3A_724 = arith.divf %div3A, %mul3A_723 : vector<16xf32>
      %add3A_725 = arith.addf %mul3A_723, %div3A_724 : vector<16xf32>
      %mul3A_726 = arith.constant 5.000000e-01 : f32
      %mul3A_727 = vector.broadcast %mul3A_726 : f32 to vector<16xf32>
      %mul3A_728 = arith.mulf %mul3A_727, %add3A_725 : vector<16xf32>
      %div3A_729 = arith.divf %div3A, %mul3A_728 : vector<16xf32>
      %add3A_730 = arith.addf %mul3A_728, %div3A_729 : vector<16xf32>
      %mul3A_731 = arith.constant 5.000000e-01 : f32
      %mul3A_732 = vector.broadcast %mul3A_731 : f32 to vector<16xf32>
      %mul3A_733 = arith.mulf %mul3A_732, %add3A_730 : vector<16xf32>
      %div3A_734 = arith.divf %div3A, %mul3A_733 : vector<16xf32>
      %add3A_735 = arith.addf %mul3A_733, %div3A_734 : vector<16xf32>
      %mul3A_736 = arith.constant 5.000000e-01 : f32
      %mul3A_737 = vector.broadcast %mul3A_736 : f32 to vector<16xf32>
      %mul3A_738 = arith.mulf %mul3A_737, %add3A_735 : vector<16xf32>
      %div3A_739 = arith.divf %div3A, %mul3A_738 : vector<16xf32>
      %add3A_740 = arith.addf %mul3A_738, %div3A_739 : vector<16xf32>
      %mul3A_741 = arith.constant 5.000000e-01 : f32
      %mul3A_742 = vector.broadcast %mul3A_741 : f32 to vector<16xf32>
      %mul3A_743 = arith.mulf %mul3A_742, %add3A_740 : vector<16xf32>
      %div3A_744 = arith.divf %div3A, %mul3A_743 : vector<16xf32>
      %add3A_745 = arith.addf %mul3A_743, %div3A_744 : vector<16xf32>
      %mul3A_746 = arith.constant 5.000000e-01 : f32
      %mul3A_747 = vector.broadcast %mul3A_746 : f32 to vector<16xf32>
      %mul3A_748 = arith.mulf %mul3A_747, %add3A_745 : vector<16xf32>
      %div3A_749 = arith.divf %div3A, %mul3A_748 : vector<16xf32>
      %add3A_750 = arith.addf %mul3A_748, %div3A_749 : vector<16xf32>
      %mul3A_751 = arith.constant 5.000000e-01 : f32
      %mul3A_752 = vector.broadcast %mul3A_751 : f32 to vector<16xf32>
      %mul3A_753 = arith.mulf %mul3A_752, %add3A_750 : vector<16xf32>
      %div3A_754 = arith.divf %div3A, %mul3A_753 : vector<16xf32>
      %add3A_755 = arith.addf %mul3A_753, %div3A_754 : vector<16xf32>
      %mul3A_756 = arith.constant 5.000000e-01 : f32
      %mul3A_757 = vector.broadcast %mul3A_756 : f32 to vector<16xf32>
      %mul3A_758 = arith.mulf %mul3A_757, %add3A_755 : vector<16xf32>
      %div3A_759 = arith.divf %div3A, %mul3A_758 : vector<16xf32>
      %add3A_760 = arith.addf %mul3A_758, %div3A_759 : vector<16xf32>
      %mul3A_761 = arith.constant 5.000000e-01 : f32
      %mul3A_762 = vector.broadcast %mul3A_761 : f32 to vector<16xf32>
      %mul3A_763 = arith.mulf %mul3A_762, %add3A_760 : vector<16xf32>
      %swap3A_764 = arith.constant 0 : index
      %swap3A_765 = tpu.vector_load %arg6[%swap3A_764] {strides = array<i32>} : memref<128xf32, #tpu.memory_space<vmem>>, vector<16xf32>,
      tpu.vector_store %arg6[%swap3A_764], %mul3A_763 {strides = array<i32>} : memref<128xf32, #tpu.memory_space<vmem>>, vector<16xf32>,
      %mul3A_766 = vector.broadcast %reduce_max3A_679 : f32 to vector<16xf32>
      %mul3A_767 = arith.mulf %mul3A_766, %broadcast_in_dim3A_681 : vector<16xf32>
      %div3A_768 = arith.divf %mul3A_767, %max3A_522 : vector<16xf32>
      %div3A_769 = arith.divf %div3A_768, %div3A_768 : vector<16xf32>
      %add3A_770 = arith.addf %div3A_768, %div3A_769 : vector<16xf32>
      %mul3A_771 = arith.constant 5.000000e-01 : f32
      %mul3A_772 = vector.broadcast %mul3A_771 : f32 to vector<16xf32>
      %mul3A_773 = arith.mulf %mul3A_772, %add3A_770 : vector<16xf32>
      %div3A_774 = arith.divf %div3A_768, %mul3A_773 : vector<16xf32>
      %add3A_775 = arith.addf %mul3A_773, %div3A_774 : vector<16xf32>
      %mul3A_776 = arith.constant 5.000000e-01 : f32
      %mul3A_777 = vector.broadcast %mul3A_776 : f32 to vector<16xf32>
      %mul3A_778 = arith.mulf %mul3A_777, %add3A_775 : vector<16xf32>
      %div3A_779 = arith.divf %div3A_768, %mul3A_778 : vector<16xf32>
      %add3A_780 = arith.addf %mul3A_778, %div3A_779 : vector<16xf32>
      %mul3A_781 = arith.constant 5.000000e-01 : f32
      %mul3A_782 = vector.broadcast %mul3A_781 : f32 to vector<16xf32>
      %mul3A_783 = arith.mulf %mul3A_782, %add3A_780 : vector<16xf32>
      %div3A_784 = arith.divf %div3A_768, %mul3A_783 : vector<16xf32>
      %add3A_785 = arith.addf %mul3A_783, %div3A_784 : vector<16xf32>
      %mul3A_786 = arith.constant 5.000000e-01 : f32
      %mul3A_787 = vector.broadcast %mul3A_786 : f32 to vector<16xf32>
      %mul3A_788 = arith.mulf %mul3A_787, %add3A_785 : vector<16xf32>
      %div3A_789 = arith.divf %div3A_768, %mul3A_788 : vector<16xf32>
      %add3A_790 = arith.addf %mul3A_788, %div3A_789 : vector<16xf32>
      %mul3A_791 = arith.constant 5.000000e-01 : f32
      %mul3A_792 = vector.broadcast %mul3A_791 : f32 to vector<16xf32>
      %mul3A_793 = arith.mulf %mul3A_792, %add3A_790 : vector<16xf32>
      %div3A_794 = arith.divf %div3A_768, %mul3A_793 : vector<16xf32>
      %add3A_795 = arith.addf %mul3A_793, %div3A_794 : vector<16xf32>
      %mul3A_796 = arith.constant 5.000000e-01 : f32
      %mul3A_797 = vector.broadcast %mul3A_796 : f32 to vector<16xf32>
      %mul3A_798 = arith.mulf %mul3A_797, %add3A_795 : vector<16xf32>
      %div3A_799 = arith.divf %div3A_768, %mul3A_798 : vector<16xf32>
      %add3A_800 = arith.addf %mul3A_798, %div3A_799 : vector<16xf32>
      %mul3A_801 = arith.constant 5.000000e-01 : f32
      %mul3A_802 = vector.broadcast %mul3A_801 : f32 to vector<16xf32>
      %mul3A_803 = arith.mulf %mul3A_802, %add3A_800 : vector<16xf32>
      %div3A_804 = arith.divf %div3A_768, %mul3A_803 : vector<16xf32>
      %add3A_805 = arith.addf %mul3A_803, %div3A_804 : vector<16xf32>
      %mul3A_806 = arith.constant 5.000000e-01 : f32
      %mul3A_807 = vector.broadcast %mul3A_806 : f32 to vector<16xf32>
      %mul3A_808 = arith.mulf %mul3A_807, %add3A_805 : vector<16xf32>
      %div3A_809 = arith.divf %div3A_768, %mul3A_808 : vector<16xf32>
      %add3A_810 = arith.addf %mul3A_808, %div3A_809 : vector<16xf32>
      %mul3A_811 = arith.constant 5.000000e-01 : f32
      %mul3A_812 = vector.broadcast %mul3A_811 : f32 to vector<16xf32>
      %mul3A_813 = arith.mulf %mul3A_812, %add3A_810 : vector<16xf32>
      %div3A_814 = arith.divf %div3A_768, %mul3A_813 : vector<16xf32>
      %add3A_815 = arith.addf %mul3A_813, %div3A_814 : vector<16xf32>
      %mul3A_816 = arith.constant 5.000000e-01 : f32
      %mul3A_817 = vector.broadcast %mul3A_816 : f32 to vector<16xf32>
      %mul3A_818 = arith.mulf %mul3A_817, %add3A_815 : vector<16xf32>
      %div3A_819 = arith.divf %div3A_768, %mul3A_818 : vector<16xf32>
      %add3A_820 = arith.addf %mul3A_818, %div3A_819 : vector<16xf32>
      %mul3A_821 = arith.constant 5.000000e-01 : f32
      %mul3A_822 = vector.broadcast %mul3A_821 : f32 to vector<16xf32>
      %mul3A_823 = arith.mulf %mul3A_822, %add3A_820 : vector<16xf32>
      %div3A_824 = arith.divf %div3A_768, %mul3A_823 : vector<16xf32>
      %add3A_825 = arith.addf %mul3A_823, %div3A_824 : vector<16xf32>
      %mul3A_826 = arith.constant 5.000000e-01 : f32
      %mul3A_827 = vector.broadcast %mul3A_826 : f32 to vector<16xf32>
      %mul3A_828 = arith.mulf %mul3A_827, %add3A_825 : vector<16xf32>
      %div3A_829 = arith.divf %div3A_768, %mul3A_828 : vector<16xf32>
      %add3A_830 = arith.addf %mul3A_828, %div3A_829 : vector<16xf32>
      %mul3A_831 = arith.constant 5.000000e-01 : f32
      %mul3A_832 = vector.broadcast %mul3A_831 : f32 to vector<16xf32>
      %mul3A_833 = arith.mulf %mul3A_832, %add3A_830 : vector<16xf32>
      %div3A_834 = arith.divf %div3A_768, %mul3A_833 : vector<16xf32>
      %add3A_835 = arith.addf %mul3A_833, %div3A_834 : vector<16xf32>
      %mul3A_836 = arith.constant 5.000000e-01 : f32
      %mul3A_837 = vector.broadcast %mul3A_836 : f32 to vector<16xf32>
      %mul3A_838 = arith.mulf %mul3A_837, %add3A_835 : vector<16xf32>
      %div3A_839 = arith.divf %div3A_768, %mul3A_838 : vector<16xf32>
      %add3A_840 = arith.addf %mul3A_838, %div3A_839 : vector<16xf32>
      %mul3A_841 = arith.constant 5.000000e-01 : f32
      %mul3A_842 = vector.broadcast %mul3A_841 : f32 to vector<16xf32>
      %mul3A_843 = arith.mulf %mul3A_842, %add3A_840 : vector<16xf32>
      %div3A_844 = arith.divf %div3A_768, %mul3A_843 : vector<16xf32>
      %add3A_845 = arith.addf %mul3A_843, %div3A_844 : vector<16xf32>
      %mul3A_846 = arith.constant 5.000000e-01 : f32
      %mul3A_847 = vector.broadcast %mul3A_846 : f32 to vector<16xf32>
      %mul3A_848 = arith.mulf %mul3A_847, %add3A_845 : vector<16xf32>
      %swap3A_849 = arith.constant 16 : index
      %swap3A_850 = tpu.vector_load %arg6[%swap3A_849] {strides = array<i32>} : memref<128xf32, #tpu.memory_space<vmem>>, vector<16xf32>,
      tpu.vector_store %arg6[%swap3A_849], %mul3A_848 {strides = array<i32>} : memref<128xf32, #tpu.memory_space<vmem>>, vector<16xf32>,
      %mul3A_851 = vector.broadcast %reduce_max3A_679 : f32 to vector<16xf32>
      %mul3A_852 = arith.mulf %mul3A_851, %broadcast_in_dim3A_681 : vector<16xf32>
      %div3A_853 = arith.divf %mul3A_852, %max3A_572 : vector<16xf32>
      %div3A_854 = arith.divf %div3A_853, %div3A_853 : vector<16xf32>
      %add3A_855 = arith.addf %div3A_853, %div3A_854 : vector<16xf32>
      %mul3A_856 = arith.constant 5.000000e-01 : f32
      %mul3A_857 = vector.broadcast %mul3A_856 : f32 to vector<16xf32>
      %mul3A_858 = arith.mulf %mul3A_857, %add3A_855 : vector<16xf32>
      %div3A_859 = arith.divf %div3A_853, %mul3A_858 : vector<16xf32>
      %add3A_860 = arith.addf %mul3A_858, %div3A_859 : vector<16xf32>
      %mul3A_861 = arith.constant 5.000000e-01 : f32
      %mul3A_862 = vector.broadcast %mul3A_861 : f32 to vector<16xf32>
      %mul3A_863 = arith.mulf %mul3A_862, %add3A_860 : vector<16xf32>
      %div3A_864 = arith.divf %div3A_853, %mul3A_863 : vector<16xf32>
      %add3A_865 = arith.addf %mul3A_863, %div3A_864 : vector<16xf32>
      %mul3A_866 = arith.constant 5.000000e-01 : f32
      %mul3A_867 = vector.broadcast %mul3A_866 : f32 to vector<16xf32>
      %mul3A_868 = arith.mulf %mul3A_867, %add3A_865 : vector<16xf32>
      %div3A_869 = arith.divf %div3A_853, %mul3A_868 : vector<16xf32>
      %add3A_870 = arith.addf %mul3A_868, %div3A_869 : vector<16xf32>
      %mul3A_871 = arith.constant 5.000000e-01 : f32
      %mul3A_872 = vector.broadcast %mul3A_871 : f32 to vector<16xf32>
      %mul3A_873 = arith.mulf %mul3A_872, %add3A_870 : vector<16xf32>
      %div3A_874 = arith.divf %div3A_853, %mul3A_873 : vector<16xf32>
      %add3A_875 = arith.addf %mul3A_873, %div3A_874 : vector<16xf32>
      %mul3A_876 = arith.constant 5.000000e-01 : f32
      %mul3A_877 = vector.broadcast %mul3A_876 : f32 to vector<16xf32>
      %mul3A_878 = arith.mulf %mul3A_877, %add3A_875 : vector<16xf32>
      %div3A_879 = arith.divf %div3A_853, %mul3A_878 : vector<16xf32>
      %add3A_880 = arith.addf %mul3A_878, %div3A_879 : vector<16xf32>
      %mul3A_881 = arith.constant 5.000000e-01 : f32
      %mul3A_882 = vector.broadcast %mul3A_881 : f32 to vector<16xf32>
      %mul3A_883 = arith.mulf %mul3A_882, %add3A_880 : vector<16xf32>
      %div3A_884 = arith.divf %div3A_853, %mul3A_883 : vector<16xf32>
      %add3A_885 = arith.addf %mul3A_883, %div3A_884 : vector<16xf32>
      %mul3A_886 = arith.constant 5.000000e-01 : f32
      %mul3A_887 = vector.broadcast %mul3A_886 : f32 to vector<16xf32>
      %mul3A_888 = arith.mulf %mul3A_887, %add3A_885 : vector<16xf32>
      %div3A_889 = arith.divf %div3A_853, %mul3A_888 : vector<16xf32>
      %add3A_890 = arith.addf %mul3A_888, %div3A_889 : vector<16xf32>
      %mul3A_891 = arith.constant 5.000000e-01 : f32
      %mul3A_892 = vector.broadcast %mul3A_891 : f32 to vector<16xf32>
      %mul3A_893 = arith.mulf %mul3A_892, %add3A_890 : vector<16xf32>
      %div3A_894 = arith.divf %div3A_853, %mul3A_893 : vector<16xf32>
      %add3A_895 = arith.addf %mul3A_893, %div3A_894 : vector<16xf32>
      %mul3A_896 = arith.constant 5.000000e-01 : f32
      %mul3A_897 = vector.broadcast %mul3A_896 : f32 to vector<16xf32>
      %mul3A_898 = arith.mulf %mul3A_897, %add3A_895 : vector<16xf32>
      %div3A_899 = arith.divf %div3A_853, %mul3A_898 : vector<16xf32>
      %add3A_900 = arith.addf %mul3A_898, %div3A_899 : vector<16xf32>
      %mul3A_901 = arith.constant 5.000000e-01 : f32
      %mul3A_902 = vector.broadcast %mul3A_901 : f32 to vector<16xf32>
      %mul3A_903 = arith.mulf %mul3A_902, %add3A_900 : vector<16xf32>
      %div3A_904 = arith.divf %div3A_853, %mul3A_903 : vector<16xf32>
      %add3A_905 = arith.addf %mul3A_903, %div3A_904 : vector<16xf32>
      %mul3A_906 = arith.constant 5.000000e-01 : f32
      %mul3A_907 = vector.broadcast %mul3A_906 : f32 to vector<16xf32>
      %mul3A_908 = arith.mulf %mul3A_907, %add3A_905 : vector<16xf32>
      %div3A_909 = arith.divf %div3A_853, %mul3A_908 : vector<16xf32>
      %add3A_910 = arith.addf %mul3A_908, %div3A_909 : vector<16xf32>
      %mul3A_911 = arith.constant 5.000000e-01 : f32
      %mul3A_912 = vector.broadcast %mul3A_911 : f32 to vector<16xf32>
      %mul3A_913 = arith.mulf %mul3A_912, %add3A_910 : vector<16xf32>
      %div3A_914 = arith.divf %div3A_853, %mul3A_913 : vector<16xf32>
      %add3A_915 = arith.addf %mul3A_913, %div3A_914 : vector<16xf32>
      %mul3A_916 = arith.constant 5.000000e-01 : f32
      %mul3A_917 = vector.broadcast %mul3A_916 : f32 to vector<16xf32>
      %mul3A_918 = arith.mulf %mul3A_917, %add3A_915 : vector<16xf32>
      %div3A_919 = arith.divf %div3A_853, %mul3A_918 : vector<16xf32>
      %add3A_920 = arith.addf %mul3A_918, %div3A_919 : vector<16xf32>
      %mul3A_921 = arith.constant 5.000000e-01 : f32
      %mul3A_922 = vector.broadcast %mul3A_921 : f32 to vector<16xf32>
      %mul3A_923 = arith.mulf %mul3A_922, %add3A_920 : vector<16xf32>
      %div3A_924 = arith.divf %div3A_853, %mul3A_923 : vector<16xf32>
      %add3A_925 = arith.addf %mul3A_923, %div3A_924 : vector<16xf32>
      %mul3A_926 = arith.constant 5.000000e-01 : f32
      %mul3A_927 = vector.broadcast %mul3A_926 : f32 to vector<16xf32>
      %mul3A_928 = arith.mulf %mul3A_927, %add3A_925 : vector<16xf32>
      %div3A_929 = arith.divf %div3A_853, %mul3A_928 : vector<16xf32>
      %add3A_930 = arith.addf %mul3A_928, %div3A_929 : vector<16xf32>
      %mul3A_931 = arith.constant 5.000000e-01 : f32
      %mul3A_932 = vector.broadcast %mul3A_931 : f32 to vector<16xf32>
      %mul3A_933 = arith.mulf %mul3A_932, %add3A_930 : vector<16xf32>
      %swap3A_934 = arith.constant 32 : index
      %swap3A_935 = tpu.vector_load %arg6[%swap3A_934] {strides = array<i32>} : memref<128xf32, #tpu.memory_space<vmem>>, vector<16xf32>,
      tpu.vector_store %arg6[%swap3A_934], %mul3A_933 {strides = array<i32>} : memref<128xf32, #tpu.memory_space<vmem>>, vector<16xf32>,
      %mul3A_936 = vector.broadcast %reduce_max3A_679 : f32 to vector<16xf32>
      %mul3A_937 = arith.mulf %mul3A_936, %broadcast_in_dim3A_681 : vector<16xf32>
      %div3A_938 = arith.divf %mul3A_937, %max3A_622 : vector<16xf32>
      %div3A_939 = arith.divf %div3A_938, %div3A_938 : vector<16xf32>
      %add3A_940 = arith.addf %div3A_938, %div3A_939 : vector<16xf32>
      %mul3A_941 = arith.constant 5.000000e-01 : f32
      %mul3A_942 = vector.broadcast %mul3A_941 : f32 to vector<16xf32>
      %mul3A_943 = arith.mulf %mul3A_942, %add3A_940 : vector<16xf32>
      %div3A_944 = arith.divf %div3A_938, %mul3A_943 : vector<16xf32>
      %add3A_945 = arith.addf %mul3A_943, %div3A_944 : vector<16xf32>
      %mul3A_946 = arith.constant 5.000000e-01 : f32
      %mul3A_947 = vector.broadcast %mul3A_946 : f32 to vector<16xf32>
      %mul3A_948 = arith.mulf %mul3A_947, %add3A_945 : vector<16xf32>
      %div3A_949 = arith.divf %div3A_938, %mul3A_948 : vector<16xf32>
      %add3A_950 = arith.addf %mul3A_948, %div3A_949 : vector<16xf32>
      %mul3A_951 = arith.constant 5.000000e-01 : f32
      %mul3A_952 = vector.broadcast %mul3A_951 : f32 to vector<16xf32>
      %mul3A_953 = arith.mulf %mul3A_952, %add3A_950 : vector<16xf32>
      %div3A_954 = arith.divf %div3A_938, %mul3A_953 : vector<16xf32>
      %add3A_955 = arith.addf %mul3A_953, %div3A_954 : vector<16xf32>
      %mul3A_956 = arith.constant 5.000000e-01 : f32
      %mul3A_957 = vector.broadcast %mul3A_956 : f32 to vector<16xf32>
      %mul3A_958 = arith.mulf %mul3A_957, %add3A_955 : vector<16xf32>
      %div3A_959 = arith.divf %div3A_938, %mul3A_958 : vector<16xf32>
      %add3A_960 = arith.addf %mul3A_958, %div3A_959 : vector<16xf32>
      %mul3A_961 = arith.constant 5.000000e-01 : f32
      %mul3A_962 = vector.broadcast %mul3A_961 : f32 to vector<16xf32>
      %mul3A_963 = arith.mulf %mul3A_962, %add3A_960 : vector<16xf32>
      %div3A_964 = arith.divf %div3A_938, %mul3A_963 : vector<16xf32>
      %add3A_965 = arith.addf %mul3A_963, %div3A_964 : vector<16xf32>
      %mul3A_966 = arith.constant 5.000000e-01 : f32
      %mul3A_967 = vector.broadcast %mul3A_966 : f32 to vector<16xf32>
      %mul3A_968 = arith.mulf %mul3A_967, %add3A_965 : vector<16xf32>
      %div3A_969 = arith.divf %div3A_938, %mul3A_968 : vector<16xf32>
      %add3A_970 = arith.addf %mul3A_968, %div3A_969 : vector<16xf32>
      %mul3A_971 = arith.constant 5.000000e-01 : f32
      %mul3A_972 = vector.broadcast %mul3A_971 : f32 to vector<16xf32>
      %mul3A_973 = arith.mulf %mul3A_972, %add3A_970 : vector<16xf32>
      %div3A_974 = arith.divf %div3A_938, %mul3A_973 : vector<16xf32>
      %add3A_975 = arith.addf %mul3A_973, %div3A_974 : vector<16xf32>
      %mul3A_976 = arith.constant 5.000000e-01 : f32
      %mul3A_977 = vector.broadcast %mul3A_976 : f32 to vector<16xf32>
      %mul3A_978 = arith.mulf %mul3A_977, %add3A_975 : vector<16xf32>
      %div3A_979 = arith.divf %div3A_938, %mul3A_978 : vector<16xf32>
      %add3A_980 = arith.addf %mul3A_978, %div3A_979 : vector<16xf32>
      %mul3A_981 = arith.constant 5.000000e-01 : f32
      %mul3A_982 = vector.broadcast %mul3A_981 : f32 to vector<16xf32>
      %mul3A_983 = arith.mulf %mul3A_982, %add3A_980 : vector<16xf32>
      %div3A_984 = arith.divf %div3A_938, %mul3A_983 : vector<16xf32>
      %add3A_985 = arith.addf %mul3A_983, %div3A_984 : vector<16xf32>
      %mul3A_986 = arith.constant 5.000000e-01 : f32
      %mul3A_987 = vector.broadcast %mul3A_986 : f32 to vector<16xf32>
      %mul3A_988 = arith.mulf %mul3A_987, %add3A_985 : vector<16xf32>
      %div3A_989 = arith.divf %div3A_938, %mul3A_988 : vector<16xf32>
      %add3A_990 = arith.addf %mul3A_988, %div3A_989 : vector<16xf32>
      %mul3A_991 = arith.constant 5.000000e-01 : f32
      %mul3A_992 = vector.broadcast %mul3A_991 : f32 to vector<16xf32>
      %mul3A_993 = arith.mulf %mul3A_992, %add3A_990 : vector<16xf32>
      %div3A_994 = arith.divf %div3A_938, %mul3A_993 : vector<16xf32>
      %add3A_995 = arith.addf %mul3A_993, %div3A_994 : vector<16xf32>
      %mul3A_996 = arith.constant 5.000000e-01 : f32
      %mul3A_997 = vector.broadcast %mul3A_996 : f32 to vector<16xf32>
      %mul3A_998 = arith.mulf %mul3A_997, %add3A_995 : vector<16xf32>
      %div3A_999 = arith.divf %div3A_938, %mul3A_998 : vector<16xf32>
      %add3A_1000 = arith.addf %mul3A_998, %div3A_999 : vector<16xf32>
      %mul3A_1001 = arith.constant 5.000000e-01 : f32
      %mul3A_1002 = vector.broadcast %mul3A_1001 : f32 to vector<16xf32>
      %mul3A_1003 = arith.mulf %mul3A_1002, %add3A_1000 : vector<16xf32>
      %div3A_1004 = arith.divf %div3A_938, %mul3A_1003 : vector<16xf32>
      %add3A_1005 = arith.addf %mul3A_1003, %div3A_1004 : vector<16xf32>
      %mul3A_1006 = arith.constant 5.000000e-01 : f32
      %mul3A_1007 = vector.broadcast %mul3A_1006 : f32 to vector<16xf32>
      %mul3A_1008 = arith.mulf %mul3A_1007, %add3A_1005 : vector<16xf32>
      %div3A_1009 = arith.divf %div3A_938, %mul3A_1008 : vector<16xf32>
      %add3A_1010 = arith.addf %mul3A_1008, %div3A_1009 : vector<16xf32>
      %mul3A_1011 = arith.constant 5.000000e-01 : f32
      %mul3A_1012 = vector.broadcast %mul3A_1011 : f32 to vector<16xf32>
      %mul3A_1013 = arith.mulf %mul3A_1012, %add3A_1010 : vector<16xf32>
      %div3A_1014 = arith.divf %div3A_938, %mul3A_1013 : vector<16xf32>
      %add3A_1015 = arith.addf %mul3A_1013, %div3A_1014 : vector<16xf32>
      %mul3A_1016 = arith.constant 5.000000e-01 : f32
      %mul3A_1017 = vector.broadcast %mul3A_1016 : f32 to vector<16xf32>
      %mul3A_1018 = arith.mulf %mul3A_1017, %add3A_1015 : vector<16xf32>
      %swap3A_1019 = arith.constant 48 : index
      %swap3A_1020 = tpu.vector_load %arg6[%swap3A_1019] {strides = array<i32>} : memref<128xf32, #tpu.memory_space<vmem>>, vector<16xf32>,
      tpu.vector_store %arg6[%swap3A_1019], %mul3A_1018 {strides = array<i32>} : memref<128xf32, #tpu.memory_space<vmem>>, vector<16xf32>,
      %mul3A_1021 = vector.broadcast %reduce_max3A_679 : f32 to vector<16xf32>
      %mul3A_1022 = arith.mulf %mul3A_1021, %broadcast_in_dim3A_681 : vector<16xf32>
      %div3A_1023 = arith.divf %mul3A_1022, %max3A_672 : vector<16xf32>
      %div3A_1024 = arith.divf %div3A_1023, %div3A_1023 : vector<16xf32>
      %add3A_1025 = arith.addf %div3A_1023, %div3A_1024 : vector<16xf32>
      %mul3A_1026 = arith.constant 5.000000e-01 : f32
      %mul3A_1027 = vector.broadcast %mul3A_1026 : f32 to vector<16xf32>
      %mul3A_1028 = arith.mulf %mul3A_1027, %add3A_1025 : vector<16xf32>
      %div3A_1029 = arith.divf %div3A_1023, %mul3A_1028 : vector<16xf32>
      %add3A_1030 = arith.addf %mul3A_1028, %div3A_1029 : vector<16xf32>
      %mul3A_1031 = arith.constant 5.000000e-01 : f32
      %mul3A_1032 = vector.broadcast %mul3A_1031 : f32 to vector<16xf32>
      %mul3A_1033 = arith.mulf %mul3A_1032, %add3A_1030 : vector<16xf32>
      %div3A_1034 = arith.divf %div3A_1023, %mul3A_1033 : vector<16xf32>
      %add3A_1035 = arith.addf %mul3A_1033, %div3A_1034 : vector<16xf32>
      %mul3A_1036 = arith.constant 5.000000e-01 : f32
      %mul3A_1037 = vector.broadcast %mul3A_1036 : f32 to vector<16xf32>
      %mul3A_1038 = arith.mulf %mul3A_1037, %add3A_1035 : vector<16xf32>
      %div3A_1039 = arith.divf %div3A_1023, %mul3A_1038 : vector<16xf32>
      %add3A_1040 = arith.addf %mul3A_1038, %div3A_1039 : vector<16xf32>
      %mul3A_1041 = arith.constant 5.000000e-01 : f32
      %mul3A_1042 = vector.broadcast %mul3A_1041 : f32 to vector<16xf32>
      %mul3A_1043 = arith.mulf %mul3A_1042, %add3A_1040 : vector<16xf32>
      %div3A_1044 = arith.divf %div3A_1023, %mul3A_1043 : vector<16xf32>
      %add3A_1045 = arith.addf %mul3A_1043, %div3A_1044 : vector<16xf32>
      %mul3A_1046 = arith.constant 5.000000e-01 : f32
      %mul3A_1047 = vector.broadcast %mul3A_1046 : f32 to vector<16xf32>
      %mul3A_1048 = arith.mulf %mul3A_1047, %add3A_1045 : vector<16xf32>
      %div3A_1049 = arith.divf %div3A_1023, %mul3A_1048 : vector<16xf32>
      %add3A_1050 = arith.addf %mul3A_1048, %div3A_1049 : vector<16xf32>
      %mul3A_1051 = arith.constant 5.000000e-01 : f32
      %mul3A_1052 = vector.broadcast %mul3A_1051 : f32 to vector<16xf32>
      %mul3A_1053 = arith.mulf %mul3A_1052, %add3A_1050 : vector<16xf32>
      %div3A_1054 = arith.divf %div3A_1023, %mul3A_1053 : vector<16xf32>
      %add3A_1055 = arith.addf %mul3A_1053, %div3A_1054 : vector<16xf32>
      %mul3A_1056 = arith.constant 5.000000e-01 : f32
      %mul3A_1057 = vector.broadcast %mul3A_1056 : f32 to vector<16xf32>
      %mul3A_1058 = arith.mulf %mul3A_1057, %add3A_1055 : vector<16xf32>
      %div3A_1059 = arith.divf %div3A_1023, %mul3A_1058 : vector<16xf32>
      %add3A_1060 = arith.addf %mul3A_1058, %div3A_1059 : vector<16xf32>
      %mul3A_1061 = arith.constant 5.000000e-01 : f32
      %mul3A_1062 = vector.broadcast %mul3A_1061 : f32 to vector<16xf32>
      %mul3A_1063 = arith.mulf %mul3A_1062, %add3A_1060 : vector<16xf32>
      %div3A_1064 = arith.divf %div3A_1023, %mul3A_1063 : vector<16xf32>
      %add3A_1065 = arith.addf %mul3A_1063, %div3A_1064 : vector<16xf32>
      %mul3A_1066 = arith.constant 5.000000e-01 : f32
      %mul3A_1067 = vector.broadcast %mul3A_1066 : f32 to vector<16xf32>
      %mul3A_1068 = arith.mulf %mul3A_1067, %add3A_1065 : vector<16xf32>
      %div3A_1069 = arith.divf %div3A_1023, %mul3A_1068 : vector<16xf32>
      %add3A_1070 = arith.addf %mul3A_1068, %div3A_1069 : vector<16xf32>
      %mul3A_1071 = arith.constant 5.000000e-01 : f32
      %mul3A_1072 = vector.broadcast %mul3A_1071 : f32 to vector<16xf32>
      %mul3A_1073 = arith.mulf %mul3A_1072, %add3A_1070 : vector<16xf32>
      %div3A_1074 = arith.divf %div3A_1023, %mul3A_1073 : vector<16xf32>
      %add3A_1075 = arith.addf %mul3A_1073, %div3A_1074 : vector<16xf32>
      %mul3A_1076 = arith.constant 5.000000e-01 : f32
      %mul3A_1077 = vector.broadcast %mul3A_1076 : f32 to vector<16xf32>
      %mul3A_1078 = arith.mulf %mul3A_1077, %add3A_1075 : vector<16xf32>
      %div3A_1079 = arith.divf %div3A_1023, %mul3A_1078 : vector<16xf32>
      %add3A_1080 = arith.addf %mul3A_1078, %div3A_1079 : vector<16xf32>
      %mul3A_1081 = arith.constant 5.000000e-01 : f32
      %mul3A_1082 = vector.broadcast %mul3A_1081 : f32 to vector<16xf32>
      %mul3A_1083 = arith.mulf %mul3A_1082, %add3A_1080 : vector<16xf32>
      %div3A_1084 = arith.divf %div3A_1023, %mul3A_1083 : vector<16xf32>
      %add3A_1085 = arith.addf %mul3A_1083, %div3A_1084 : vector<16xf32>
      %mul3A_1086 = arith.constant 5.000000e-01 : f32
      %mul3A_1087 = vector.broadcast %mul3A_1086 : f32 to vector<16xf32>
      %mul3A_1088 = arith.mulf %mul3A_1087, %add3A_1085 : vector<16xf32>
      %div3A_1089 = arith.divf %div3A_1023, %mul3A_1088 : vector<16xf32>
      %add3A_1090 = arith.addf %mul3A_1088, %div3A_1089 : vector<16xf32>
      %mul3A_1091 = arith.constant 5.000000e-01 : f32
      %mul3A_1092 = vector.broadcast %mul3A_1091 : f32 to vector<16xf32>
      %mul3A_1093 = arith.mulf %mul3A_1092, %add3A_1090 : vector<16xf32>
      %div3A_1094 = arith.divf %div3A_1023, %mul3A_1093 : vector<16xf32>
      %add3A_1095 = arith.addf %mul3A_1093, %div3A_1094 : vector<16xf32>
      %mul3A_1096 = arith.constant 5.000000e-01 : f32
      %mul3A_1097 = vector.broadcast %mul3A_1096 : f32 to vector<16xf32>
      %mul3A_1098 = arith.mulf %mul3A_1097, %add3A_1095 : vector<16xf32>
      %div3A_1099 = arith.divf %div3A_1023, %mul3A_1098 : vector<16xf32>
      %add3A_1100 = arith.addf %mul3A_1098, %div3A_1099 : vector<16xf32>
      %mul3A_1101 = arith.constant 5.000000e-01 : f32
      %mul3A_1102 = vector.broadcast %mul3A_1101 : f32 to vector<16xf32>
      %mul3A_1103 = arith.mulf %mul3A_1102, %add3A_1100 : vector<16xf32>
      %swap3A_1104 = arith.constant 64 : index
      %swap3A_1105 = tpu.vector_load %arg6[%swap3A_1104] {strides = array<i32>} : memref<128xf32, #tpu.memory_space<vmem>>, vector<16xf32>,
      tpu.vector_store %arg6[%swap3A_1104], %mul3A_1103 {strides = array<i32>} : memref<128xf32, #tpu.memory_space<vmem>>, vector<16xf32>,
      "tpu.region"() ({
        %run_scoped3A = tpu.sem_alloc : memref<!tpu.dma_semaphore, #tpu.memory_space<semaphore_mem>>
        %dma_start3A = arith.constant 0 : i32
        %dma_start3A_1106 = tpu.memref_slice %arg6[%dma_start3A] : memref<128xf32, #tpu.memory_space<vmem>> -> memref<80xf32, #tpu.memory_space<vmem>>
        %dma_start3A_1107 = arith.constant 0 : i32
        %dma_start3A_1108 = tpu.memref_slice %arg6[%dma_start3A_1107] : memref<128xf32, #tpu.memory_space<vmem>> -> memref<80xf32, #tpu.memory_space<vmem>>
        tpu.enqueue_dma source(%dma_start3A_1108 : memref<80xf32, #tpu.memory_space<vmem>>) target(%arg3 : memref<80xf32, #tpu.memory_space<hbm>>) target_semaphore(%run_scoped3A : memref<!tpu.dma_semaphore, #tpu.memory_space<semaphore_mem>>)
        %dma_wait3A = arith.constant 0 : i32
        %dma_wait3A_1109 = tpu.memref_slice %arg6[%dma_wait3A] : memref<128xf32, #tpu.memory_space<vmem>> -> memref<80xf32, #tpu.memory_space<vmem>>
        %dma_wait3A_1110 = arith.constant 0 : i32
        %dma_wait3A_1111 = tpu.memref_slice %arg6[%dma_wait3A_1110] : memref<128xf32, #tpu.memory_space<vmem>> -> memref<80xf32, #tpu.memory_space<vmem>>
        tpu.wait_dma2 semaphore(%run_scoped3A : memref<!tpu.dma_semaphore, #tpu.memory_space<semaphore_mem>>) src(%dma_wait3A_1111 : memref<80xf32, #tpu.memory_space<vmem>>) dst(%arg3 : memref<80xf32, #tpu.memory_space<hbm>>)
        tpu.yield
      }) : () -> ()
    } else {
    }
    return
  }
}

module attributes {stable_mosaic.version = 14 : i64} {
  func.func @_join_body(%arg0: memref<3x80xf32, #tpu.memory_space<vmem>>, %arg1: memref<1x80xf32, #tpu.memory_space<vmem>>, %arg2: memref<1x1xf32, #tpu.memory_space<vmem>>) attributes {dimension_semantics = [], scalar_prefetch = 0 : i64, scratch_operands = 0 : i64, tpu.core_type = #tpu.core_type<tc>} {
    %get3A = arith.constant 0 : index
    %get3A_0 = arith.constant 0 : index
    %get3A_1 = vector.load %arg0[%get3A, %get3A_0] : memref<3x80xf32, #tpu.memory_space<vmem>>, vector<3x80xf32>
    %get3A_2 = arith.constant 0 : index
    %get3A_3 = arith.constant 0 : index
    %get3A_4 = vector.load %arg1[%get3A_2, %get3A_3] : memref<1x80xf32, #tpu.memory_space<vmem>>, vector<1x80xf32>
    %slice3A = vector.extract_strided_slice %get3A_1 {offsets = [1, 0], sizes = [1, 80], strides = [1, 1]} : vector<3x80xf32> to vector<1x80xf32>
    %mul3A = arith.mulf %get3A_4, %slice3A : vector<1x80xf32>
    %reduce_sum3A = vector.shape_cast %mul3A : vector<1x80xf32> to vector<1x1x80xf32>
    %reduce_sum3A_5 = arith.constant dense<0.000000e+00> : vector<1xf32>
    %reduce_sum3A_6 = vector.multi_reduction <add>, %reduce_sum3A, %reduce_sum3A_5 [1, 2] : vector<1x1x80xf32> to vector<1xf32>
    %reduce_sum3A_7 = vector.shape_cast %reduce_sum3A_6 : vector<1xf32> to vector<1x1x1xf32>
    %reduce_sum3A_8 = vector.extract %reduce_sum3A_7[0, 0, 0] : f32 from vector<1x1x1xf32>
    %slice3A_9 = vector.extract_strided_slice %get3A_1 {offsets = [0, 0], sizes = [1, 80], strides = [1, 1]} : vector<3x80xf32> to vector<1x80xf32>
    %mul3A_10 = arith.mulf %get3A_4, %slice3A_9 : vector<1x80xf32>
    %reduce_sum3A_11 = vector.shape_cast %mul3A_10 : vector<1x80xf32> to vector<1x1x80xf32>
    %reduce_sum3A_12 = arith.constant dense<0.000000e+00> : vector<1xf32>
    %reduce_sum3A_13 = vector.multi_reduction <add>, %reduce_sum3A_11, %reduce_sum3A_12 [1, 2] : vector<1x1x80xf32> to vector<1xf32>
    %reduce_sum3A_14 = vector.shape_cast %reduce_sum3A_13 : vector<1xf32> to vector<1x1x1xf32>
    %reduce_sum3A_15 = vector.extract %reduce_sum3A_14[0, 0, 0] : f32 from vector<1x1x1xf32>
    %div3A = arith.divf %reduce_sum3A_8, %reduce_sum3A_15 : f32
    %slice3A_16 = vector.extract_strided_slice %get3A_1 {offsets = [2, 0], sizes = [1, 1], strides = [1, 1]} : vector<3x80xf32> to vector<1x1xf32>
    %squeeze3A = vector.extract %slice3A_16[0, 0] : f32 from vector<1x1xf32>
    %add3A = arith.addf %div3A, %squeeze3A : f32
    %reshape3A = vector.broadcast %add3A : f32 to vector<1x1xf32>
    %swap3A = arith.constant 0 : index
    %swap3A_17 = arith.constant 0 : index
    %swap3A_18 = vector.load %arg2[%swap3A, %swap3A_17] : memref<1x1xf32, #tpu.memory_space<vmem>>, vector<1x1xf32>
    tpu.vector_store %arg2[%swap3A, %swap3A_17], %reshape3A {strides = array<i32>} : memref<1x1xf32, #tpu.memory_space<vmem>>, vector<1x1xf32>,
    return
  }
}

module attributes {stable_mosaic.version = 14 : i64} {
  func.func @_tc_body(%arg0: i32, %arg1: memref<80x16384xf32, #tpu.memory_space<vmem>>, %arg2: memref<1x1x16384xi32, #tpu.memory_space<vmem>>, %arg3: memref<1x1x16384xf32, #tpu.memory_space<vmem>>, %arg4: memref<64x80xf32, #tpu.memory_space<vmem>>, %arg5: memref<3x80xf32, #tpu.memory_space<vmem>>, %arg6: memref<80x128xf32, #tpu.memory_space<vmem>>, %arg7: memref<80x128xf32, #tpu.memory_space<vmem>>, %arg8: memref<1x128xf32, #tpu.memory_space<vmem>>) attributes {dimension_semantics = [#tpu.dimension_semantics<arbitrary>], iteration_bounds = array<i64: 4>, scalar_prefetch = 0 : i64, scratch_operands = 3 : i64, tpu.core_type = #tpu.core_type<tc>, window_params = [{transform_indices = @transform_0, window_bounds = array<i64: 80, 16384>}, {transform_indices = @transform_1, window_bounds = array<i64: 1, 1, 16384>}, {transform_indices = @transform_2, window_bounds = array<i64: 1, 1, 16384>}, {pipeline_mode = #tpu.pipeline_mode<synchronous>, transform_indices = @transform_3, window_bounds = array<i64: 64, 80>}, {pipeline_mode = #tpu.pipeline_mode<synchronous>, transform_indices = @transform_4, window_bounds = array<i64: 3, 80>}]} {
    %eq3A = arith.constant 0 : i32
    %eq3A_0 = arith.cmpi eq, %arg0, %eq3A : i32
    %convert_element_type3A = arith.extui %eq3A_0 : i1 to i32
    %cond3A = arith.constant 0 : i32
    %cond3A_1 = arith.cmpi ne, %convert_element_type3A, %cond3A : i32
    scf.if %cond3A_1 {
      %broadcast_in_dim3A_812 = arith.constant 0.000000e+00 : f32
      %broadcast_in_dim3A_813 = vector.broadcast %broadcast_in_dim3A_812 : f32 to vector<80x128xf32>
      %swap3A_814 = arith.constant 0 : index
      %swap3A_815 = arith.constant 0 : index
      %swap3A_816 = vector.load %arg6[%swap3A_814, %swap3A_815] : memref<80x128xf32, #tpu.memory_space<vmem>>, vector<80x128xf32>
      tpu.vector_store %arg6[%swap3A_814, %swap3A_815], %broadcast_in_dim3A_813 {strides = array<i32>} : memref<80x128xf32, #tpu.memory_space<vmem>>, vector<80x128xf32>,
      %broadcast_in_dim3A_817 = arith.constant 0.000000e+00 : f32
      %broadcast_in_dim3A_818 = vector.broadcast %broadcast_in_dim3A_817 : f32 to vector<80x128xf32>
      %swap3A_819 = arith.constant 0 : index
      %swap3A_820 = arith.constant 0 : index
      %swap3A_821 = vector.load %arg7[%swap3A_819, %swap3A_820] : memref<80x128xf32, #tpu.memory_space<vmem>>, vector<80x128xf32>
      tpu.vector_store %arg7[%swap3A_819, %swap3A_820], %broadcast_in_dim3A_818 {strides = array<i32>} : memref<80x128xf32, #tpu.memory_space<vmem>>, vector<80x128xf32>,
      %broadcast_in_dim3A_822 = arith.constant 0.000000e+00 : f32
      %broadcast_in_dim3A_823 = vector.broadcast %broadcast_in_dim3A_822 : f32 to vector<1x128xf32>
      %swap3A_824 = arith.constant 0 : index
      %swap3A_825 = arith.constant 0 : index
      %swap3A_826 = vector.load %arg8[%swap3A_824, %swap3A_825] : memref<1x128xf32, #tpu.memory_space<vmem>>, vector<1x128xf32>
      tpu.vector_store %arg8[%swap3A_824, %swap3A_825], %broadcast_in_dim3A_823 {strides = array<i32>} : memref<1x128xf32, #tpu.memory_space<vmem>>, vector<1x128xf32>,
    } else {
    }
    %get3A = arith.constant 0 : index
    %get3A_2 = arith.constant 0 : index
    %get3A_3 = vector.load %arg1[%get3A, %get3A_2] : memref<80x16384xf32, #tpu.memory_space<vmem>>, vector<80x16384xf32>
    %mul3A = arith.constant 1.000000e-01 : f32
    %mul3A_4 = vector.broadcast %mul3A : f32 to vector<80x16384xf32>
    %mul3A_5 = arith.mulf %get3A_3, %mul3A_4 : vector<80x16384xf32>
    %exp3A = math.exp %mul3A_5 : vector<80x16384xf32>
    %reduce_sum3A = arith.constant dense<0.000000e+00> : vector<16384xf32>
    %reduce_sum3A_6 = vector.multi_reduction <add>, %exp3A, %reduce_sum3A [0] : vector<80x16384xf32> to vector<16384xf32>
    %broadcast_in_dim3A = vector.shape_cast %reduce_sum3A_6 : vector<16384xf32> to vector<1x16384xf32>
    %log3A = math.log %broadcast_in_dim3A : vector<1x16384xf32>
    %get3A_7 = arith.constant 0 : index
    %get3A_8 = arith.constant 0 : index
    %get3A_9 = arith.constant 0 : index
    %get3A_10 = vector.load %arg2[%get3A_7, %get3A_8, %get3A_9] : memref<1x1x16384xi32, #tpu.memory_space<vmem>>, vector<1x1x16384xi32>
    %get3A_11 = vector.shape_cast %get3A_10 : vector<1x1x16384xi32> to vector<1x16384xi32>
    %iota3A = tpu.iota {dimensions = array<i32: 0>} : vector<80x16384xi32>
    %eq3A_12 = vector.broadcast %get3A_11 : vector<1x16384xi32> to vector<80x16384xi32>
    %eq3A_13 = arith.cmpi eq, %iota3A, %eq3A_12 : vector<80x16384xi32>
    %get3A_14 = arith.constant 0 : index
    %get3A_15 = arith.constant 0 : index
    %get3A_16 = vector.load %arg6[%get3A_14, %get3A_15] : memref<80x128xf32, #tpu.memory_space<vmem>>, vector<80x128xf32>
    %convert_element_type3A_17 = arith.extui %eq3A_13 : vector<80x16384xi1> to vector<80x16384xi32>
    %convert_element_type3A_18 = arith.sitofp %convert_element_type3A_17 : vector<80x16384xi32> to vector<80x16384xf32>
    %slice3A = vector.extract_strided_slice %convert_element_type3A_18 {offsets = [0, 0], sizes = [80, 128], strides = [1, 1]} : vector<80x16384xf32> to vector<80x128xf32>
    %slice3A_19 = vector.extract_strided_slice %convert_element_type3A_18 {offsets = [0, 128], sizes = [80, 128], strides = [1, 1]} : vector<80x16384xf32> to vector<80x128xf32>
    %add3A = arith.addf %slice3A, %slice3A_19 : vector<80x128xf32>
    %slice3A_20 = vector.extract_strided_slice %convert_element_type3A_18 {offsets = [0, 256], sizes = [80, 128], strides = [1, 1]} : vector<80x16384xf32> to vector<80x128xf32>
    %add3A_21 = arith.addf %add3A, %slice3A_20 : vector<80x128xf32>
    %slice3A_22 = vector.extract_strided_slice %convert_element_type3A_18 {offsets = [0, 384], sizes = [80, 128], strides = [1, 1]} : vector<80x16384xf32> to vector<80x128xf32>
    %add3A_23 = arith.addf %add3A_21, %slice3A_22 : vector<80x128xf32>
    %slice3A_24 = vector.extract_strided_slice %convert_element_type3A_18 {offsets = [0, 512], sizes = [80, 128], strides = [1, 1]} : vector<80x16384xf32> to vector<80x128xf32>
    %add3A_25 = arith.addf %add3A_23, %slice3A_24 : vector<80x128xf32>
    %slice3A_26 = vector.extract_strided_slice %convert_element_type3A_18 {offsets = [0, 640], sizes = [80, 128], strides = [1, 1]} : vector<80x16384xf32> to vector<80x128xf32>
    %add3A_27 = arith.addf %add3A_25, %slice3A_26 : vector<80x128xf32>
    %slice3A_28 = vector.extract_strided_slice %convert_element_type3A_18 {offsets = [0, 768], sizes = [80, 128], strides = [1, 1]} : vector<80x16384xf32> to vector<80x128xf32>
    %add3A_29 = arith.addf %add3A_27, %slice3A_28 : vector<80x128xf32>
    %slice3A_30 = vector.extract_strided_slice %convert_element_type3A_18 {offsets = [0, 896], sizes = [80, 128], strides = [1, 1]} : vector<80x16384xf32> to vector<80x128xf32>
    %add3A_31 = arith.addf %add3A_29, %slice3A_30 : vector<80x128xf32>
    %slice3A_32 = vector.extract_strided_slice %convert_element_type3A_18 {offsets = [0, 1024], sizes = [80, 128], strides = [1, 1]} : vector<80x16384xf32> to vector<80x128xf32>
    %add3A_33 = arith.addf %add3A_31, %slice3A_32 : vector<80x128xf32>
    %slice3A_34 = vector.extract_strided_slice %convert_element_type3A_18 {offsets = [0, 1152], sizes = [80, 128], strides = [1, 1]} : vector<80x16384xf32> to vector<80x128xf32>
    %add3A_35 = arith.addf %add3A_33, %slice3A_34 : vector<80x128xf32>
    %slice3A_36 = vector.extract_strided_slice %convert_element_type3A_18 {offsets = [0, 1280], sizes = [80, 128], strides = [1, 1]} : vector<80x16384xf32> to vector<80x128xf32>
    %add3A_37 = arith.addf %add3A_35, %slice3A_36 : vector<80x128xf32>
    %slice3A_38 = vector.extract_strided_slice %convert_element_type3A_18 {offsets = [0, 1408], sizes = [80, 128], strides = [1, 1]} : vector<80x16384xf32> to vector<80x128xf32>
    %add3A_39 = arith.addf %add3A_37, %slice3A_38 : vector<80x128xf32>
    %slice3A_40 = vector.extract_strided_slice %convert_element_type3A_18 {offsets = [0, 1536], sizes = [80, 128], strides = [1, 1]} : vector<80x16384xf32> to vector<80x128xf32>
    %add3A_41 = arith.addf %add3A_39, %slice3A_40 : vector<80x128xf32>
    %slice3A_42 = vector.extract_strided_slice %convert_element_type3A_18 {offsets = [0, 1664], sizes = [80, 128], strides = [1, 1]} : vector<80x16384xf32> to vector<80x128xf32>
    %add3A_43 = arith.addf %add3A_41, %slice3A_42 : vector<80x128xf32>
    %slice3A_44 = vector.extract_strided_slice %convert_element_type3A_18 {offsets = [0, 1792], sizes = [80, 128], strides = [1, 1]} : vector<80x16384xf32> to vector<80x128xf32>
    %add3A_45 = arith.addf %add3A_43, %slice3A_44 : vector<80x128xf32>
    %slice3A_46 = vector.extract_strided_slice %convert_element_type3A_18 {offsets = [0, 1920], sizes = [80, 128], strides = [1, 1]} : vector<80x16384xf32> to vector<80x128xf32>
    %add3A_47 = arith.addf %add3A_45, %slice3A_46 : vector<80x128xf32>
    %slice3A_48 = vector.extract_strided_slice %convert_element_type3A_18 {offsets = [0, 2048], sizes = [80, 128], strides = [1, 1]} : vector<80x16384xf32> to vector<80x128xf32>
    %add3A_49 = arith.addf %add3A_47, %slice3A_48 : vector<80x128xf32>
    %slice3A_50 = vector.extract_strided_slice %convert_element_type3A_18 {offsets = [0, 2176], sizes = [80, 128], strides = [1, 1]} : vector<80x16384xf32> to vector<80x128xf32>
    %add3A_51 = arith.addf %add3A_49, %slice3A_50 : vector<80x128xf32>
    %slice3A_52 = vector.extract_strided_slice %convert_element_type3A_18 {offsets = [0, 2304], sizes = [80, 128], strides = [1, 1]} : vector<80x16384xf32> to vector<80x128xf32>
    %add3A_53 = arith.addf %add3A_51, %slice3A_52 : vector<80x128xf32>
    %slice3A_54 = vector.extract_strided_slice %convert_element_type3A_18 {offsets = [0, 2432], sizes = [80, 128], strides = [1, 1]} : vector<80x16384xf32> to vector<80x128xf32>
    %add3A_55 = arith.addf %add3A_53, %slice3A_54 : vector<80x128xf32>
    %slice3A_56 = vector.extract_strided_slice %convert_element_type3A_18 {offsets = [0, 2560], sizes = [80, 128], strides = [1, 1]} : vector<80x16384xf32> to vector<80x128xf32>
    %add3A_57 = arith.addf %add3A_55, %slice3A_56 : vector<80x128xf32>
    %slice3A_58 = vector.extract_strided_slice %convert_element_type3A_18 {offsets = [0, 2688], sizes = [80, 128], strides = [1, 1]} : vector<80x16384xf32> to vector<80x128xf32>
    %add3A_59 = arith.addf %add3A_57, %slice3A_58 : vector<80x128xf32>
    %slice3A_60 = vector.extract_strided_slice %convert_element_type3A_18 {offsets = [0, 2816], sizes = [80, 128], strides = [1, 1]} : vector<80x16384xf32> to vector<80x128xf32>
    %add3A_61 = arith.addf %add3A_59, %slice3A_60 : vector<80x128xf32>
    %slice3A_62 = vector.extract_strided_slice %convert_element_type3A_18 {offsets = [0, 2944], sizes = [80, 128], strides = [1, 1]} : vector<80x16384xf32> to vector<80x128xf32>
    %add3A_63 = arith.addf %add3A_61, %slice3A_62 : vector<80x128xf32>
    %slice3A_64 = vector.extract_strided_slice %convert_element_type3A_18 {offsets = [0, 3072], sizes = [80, 128], strides = [1, 1]} : vector<80x16384xf32> to vector<80x128xf32>
    %add3A_65 = arith.addf %add3A_63, %slice3A_64 : vector<80x128xf32>
    %slice3A_66 = vector.extract_strided_slice %convert_element_type3A_18 {offsets = [0, 3200], sizes = [80, 128], strides = [1, 1]} : vector<80x16384xf32> to vector<80x128xf32>
    %add3A_67 = arith.addf %add3A_65, %slice3A_66 : vector<80x128xf32>
    %slice3A_68 = vector.extract_strided_slice %convert_element_type3A_18 {offsets = [0, 3328], sizes = [80, 128], strides = [1, 1]} : vector<80x16384xf32> to vector<80x128xf32>
    %add3A_69 = arith.addf %add3A_67, %slice3A_68 : vector<80x128xf32>
    %slice3A_70 = vector.extract_strided_slice %convert_element_type3A_18 {offsets = [0, 3456], sizes = [80, 128], strides = [1, 1]} : vector<80x16384xf32> to vector<80x128xf32>
    %add3A_71 = arith.addf %add3A_69, %slice3A_70 : vector<80x128xf32>
    %slice3A_72 = vector.extract_strided_slice %convert_element_type3A_18 {offsets = [0, 3584], sizes = [80, 128], strides = [1, 1]} : vector<80x16384xf32> to vector<80x128xf32>
    %add3A_73 = arith.addf %add3A_71, %slice3A_72 : vector<80x128xf32>
    %slice3A_74 = vector.extract_strided_slice %convert_element_type3A_18 {offsets = [0, 3712], sizes = [80, 128], strides = [1, 1]} : vector<80x16384xf32> to vector<80x128xf32>
    %add3A_75 = arith.addf %add3A_73, %slice3A_74 : vector<80x128xf32>
    %slice3A_76 = vector.extract_strided_slice %convert_element_type3A_18 {offsets = [0, 3840], sizes = [80, 128], strides = [1, 1]} : vector<80x16384xf32> to vector<80x128xf32>
    %add3A_77 = arith.addf %add3A_75, %slice3A_76 : vector<80x128xf32>
    %slice3A_78 = vector.extract_strided_slice %convert_element_type3A_18 {offsets = [0, 3968], sizes = [80, 128], strides = [1, 1]} : vector<80x16384xf32> to vector<80x128xf32>
    %add3A_79 = arith.addf %add3A_77, %slice3A_78 : vector<80x128xf32>
    %slice3A_80 = vector.extract_strided_slice %convert_element_type3A_18 {offsets = [0, 4096], sizes = [80, 128], strides = [1, 1]} : vector<80x16384xf32> to vector<80x128xf32>
    %add3A_81 = arith.addf %add3A_79, %slice3A_80 : vector<80x128xf32>
    %slice3A_82 = vector.extract_strided_slice %convert_element_type3A_18 {offsets = [0, 4224], sizes = [80, 128], strides = [1, 1]} : vector<80x16384xf32> to vector<80x128xf32>
    %add3A_83 = arith.addf %add3A_81, %slice3A_82 : vector<80x128xf32>
    %slice3A_84 = vector.extract_strided_slice %convert_element_type3A_18 {offsets = [0, 4352], sizes = [80, 128], strides = [1, 1]} : vector<80x16384xf32> to vector<80x128xf32>
    %add3A_85 = arith.addf %add3A_83, %slice3A_84 : vector<80x128xf32>
    %slice3A_86 = vector.extract_strided_slice %convert_element_type3A_18 {offsets = [0, 4480], sizes = [80, 128], strides = [1, 1]} : vector<80x16384xf32> to vector<80x128xf32>
    %add3A_87 = arith.addf %add3A_85, %slice3A_86 : vector<80x128xf32>
    %slice3A_88 = vector.extract_strided_slice %convert_element_type3A_18 {offsets = [0, 4608], sizes = [80, 128], strides = [1, 1]} : vector<80x16384xf32> to vector<80x128xf32>
    %add3A_89 = arith.addf %add3A_87, %slice3A_88 : vector<80x128xf32>
    %slice3A_90 = vector.extract_strided_slice %convert_element_type3A_18 {offsets = [0, 4736], sizes = [80, 128], strides = [1, 1]} : vector<80x16384xf32> to vector<80x128xf32>
    %add3A_91 = arith.addf %add3A_89, %slice3A_90 : vector<80x128xf32>
    %slice3A_92 = vector.extract_strided_slice %convert_element_type3A_18 {offsets = [0, 4864], sizes = [80, 128], strides = [1, 1]} : vector<80x16384xf32> to vector<80x128xf32>
    %add3A_93 = arith.addf %add3A_91, %slice3A_92 : vector<80x128xf32>
    %slice3A_94 = vector.extract_strided_slice %convert_element_type3A_18 {offsets = [0, 4992], sizes = [80, 128], strides = [1, 1]} : vector<80x16384xf32> to vector<80x128xf32>
    %add3A_95 = arith.addf %add3A_93, %slice3A_94 : vector<80x128xf32>
    %slice3A_96 = vector.extract_strided_slice %convert_element_type3A_18 {offsets = [0, 5120], sizes = [80, 128], strides = [1, 1]} : vector<80x16384xf32> to vector<80x128xf32>
    %add3A_97 = arith.addf %add3A_95, %slice3A_96 : vector<80x128xf32>
    %slice3A_98 = vector.extract_strided_slice %convert_element_type3A_18 {offsets = [0, 5248], sizes = [80, 128], strides = [1, 1]} : vector<80x16384xf32> to vector<80x128xf32>
    %add3A_99 = arith.addf %add3A_97, %slice3A_98 : vector<80x128xf32>
    %slice3A_100 = vector.extract_strided_slice %convert_element_type3A_18 {offsets = [0, 5376], sizes = [80, 128], strides = [1, 1]} : vector<80x16384xf32> to vector<80x128xf32>
    %add3A_101 = arith.addf %add3A_99, %slice3A_100 : vector<80x128xf32>
    %slice3A_102 = vector.extract_strided_slice %convert_element_type3A_18 {offsets = [0, 5504], sizes = [80, 128], strides = [1, 1]} : vector<80x16384xf32> to vector<80x128xf32>
    %add3A_103 = arith.addf %add3A_101, %slice3A_102 : vector<80x128xf32>
    %slice3A_104 = vector.extract_strided_slice %convert_element_type3A_18 {offsets = [0, 5632], sizes = [80, 128], strides = [1, 1]} : vector<80x16384xf32> to vector<80x128xf32>
    %add3A_105 = arith.addf %add3A_103, %slice3A_104 : vector<80x128xf32>
    %slice3A_106 = vector.extract_strided_slice %convert_element_type3A_18 {offsets = [0, 5760], sizes = [80, 128], strides = [1, 1]} : vector<80x16384xf32> to vector<80x128xf32>
    %add3A_107 = arith.addf %add3A_105, %slice3A_106 : vector<80x128xf32>
    %slice3A_108 = vector.extract_strided_slice %convert_element_type3A_18 {offsets = [0, 5888], sizes = [80, 128], strides = [1, 1]} : vector<80x16384xf32> to vector<80x128xf32>
    %add3A_109 = arith.addf %add3A_107, %slice3A_108 : vector<80x128xf32>
    %slice3A_110 = vector.extract_strided_slice %convert_element_type3A_18 {offsets = [0, 6016], sizes = [80, 128], strides = [1, 1]} : vector<80x16384xf32> to vector<80x128xf32>
    %add3A_111 = arith.addf %add3A_109, %slice3A_110 : vector<80x128xf32>
    %slice3A_112 = vector.extract_strided_slice %convert_element_type3A_18 {offsets = [0, 6144], sizes = [80, 128], strides = [1, 1]} : vector<80x16384xf32> to vector<80x128xf32>
    %add3A_113 = arith.addf %add3A_111, %slice3A_112 : vector<80x128xf32>
    %slice3A_114 = vector.extract_strided_slice %convert_element_type3A_18 {offsets = [0, 6272], sizes = [80, 128], strides = [1, 1]} : vector<80x16384xf32> to vector<80x128xf32>
    %add3A_115 = arith.addf %add3A_113, %slice3A_114 : vector<80x128xf32>
    %slice3A_116 = vector.extract_strided_slice %convert_element_type3A_18 {offsets = [0, 6400], sizes = [80, 128], strides = [1, 1]} : vector<80x16384xf32> to vector<80x128xf32>
    %add3A_117 = arith.addf %add3A_115, %slice3A_116 : vector<80x128xf32>
    %slice3A_118 = vector.extract_strided_slice %convert_element_type3A_18 {offsets = [0, 6528], sizes = [80, 128], strides = [1, 1]} : vector<80x16384xf32> to vector<80x128xf32>
    %add3A_119 = arith.addf %add3A_117, %slice3A_118 : vector<80x128xf32>
    %slice3A_120 = vector.extract_strided_slice %convert_element_type3A_18 {offsets = [0, 6656], sizes = [80, 128], strides = [1, 1]} : vector<80x16384xf32> to vector<80x128xf32>
    %add3A_121 = arith.addf %add3A_119, %slice3A_120 : vector<80x128xf32>
    %slice3A_122 = vector.extract_strided_slice %convert_element_type3A_18 {offsets = [0, 6784], sizes = [80, 128], strides = [1, 1]} : vector<80x16384xf32> to vector<80x128xf32>
    %add3A_123 = arith.addf %add3A_121, %slice3A_122 : vector<80x128xf32>
    %slice3A_124 = vector.extract_strided_slice %convert_element_type3A_18 {offsets = [0, 6912], sizes = [80, 128], strides = [1, 1]} : vector<80x16384xf32> to vector<80x128xf32>
    %add3A_125 = arith.addf %add3A_123, %slice3A_124 : vector<80x128xf32>
    %slice3A_126 = vector.extract_strided_slice %convert_element_type3A_18 {offsets = [0, 7040], sizes = [80, 128], strides = [1, 1]} : vector<80x16384xf32> to vector<80x128xf32>
    %add3A_127 = arith.addf %add3A_125, %slice3A_126 : vector<80x128xf32>
    %slice3A_128 = vector.extract_strided_slice %convert_element_type3A_18 {offsets = [0, 7168], sizes = [80, 128], strides = [1, 1]} : vector<80x16384xf32> to vector<80x128xf32>
    %add3A_129 = arith.addf %add3A_127, %slice3A_128 : vector<80x128xf32>
    %slice3A_130 = vector.extract_strided_slice %convert_element_type3A_18 {offsets = [0, 7296], sizes = [80, 128], strides = [1, 1]} : vector<80x16384xf32> to vector<80x128xf32>
    %add3A_131 = arith.addf %add3A_129, %slice3A_130 : vector<80x128xf32>
    %slice3A_132 = vector.extract_strided_slice %convert_element_type3A_18 {offsets = [0, 7424], sizes = [80, 128], strides = [1, 1]} : vector<80x16384xf32> to vector<80x128xf32>
    %add3A_133 = arith.addf %add3A_131, %slice3A_132 : vector<80x128xf32>
    %slice3A_134 = vector.extract_strided_slice %convert_element_type3A_18 {offsets = [0, 7552], sizes = [80, 128], strides = [1, 1]} : vector<80x16384xf32> to vector<80x128xf32>
    %add3A_135 = arith.addf %add3A_133, %slice3A_134 : vector<80x128xf32>
    %slice3A_136 = vector.extract_strided_slice %convert_element_type3A_18 {offsets = [0, 7680], sizes = [80, 128], strides = [1, 1]} : vector<80x16384xf32> to vector<80x128xf32>
    %add3A_137 = arith.addf %add3A_135, %slice3A_136 : vector<80x128xf32>
    %slice3A_138 = vector.extract_strided_slice %convert_element_type3A_18 {offsets = [0, 7808], sizes = [80, 128], strides = [1, 1]} : vector<80x16384xf32> to vector<80x128xf32>
    %add3A_139 = arith.addf %add3A_137, %slice3A_138 : vector<80x128xf32>
    %slice3A_140 = vector.extract_strided_slice %convert_element_type3A_18 {offsets = [0, 7936], sizes = [80, 128], strides = [1, 1]} : vector<80x16384xf32> to vector<80x128xf32>
    %add3A_141 = arith.addf %add3A_139, %slice3A_140 : vector<80x128xf32>
    %slice3A_142 = vector.extract_strided_slice %convert_element_type3A_18 {offsets = [0, 8064], sizes = [80, 128], strides = [1, 1]} : vector<80x16384xf32> to vector<80x128xf32>
    %add3A_143 = arith.addf %add3A_141, %slice3A_142 : vector<80x128xf32>
    %slice3A_144 = vector.extract_strided_slice %convert_element_type3A_18 {offsets = [0, 8192], sizes = [80, 128], strides = [1, 1]} : vector<80x16384xf32> to vector<80x128xf32>
    %add3A_145 = arith.addf %add3A_143, %slice3A_144 : vector<80x128xf32>
    %slice3A_146 = vector.extract_strided_slice %convert_element_type3A_18 {offsets = [0, 8320], sizes = [80, 128], strides = [1, 1]} : vector<80x16384xf32> to vector<80x128xf32>
    %add3A_147 = arith.addf %add3A_145, %slice3A_146 : vector<80x128xf32>
    %slice3A_148 = vector.extract_strided_slice %convert_element_type3A_18 {offsets = [0, 8448], sizes = [80, 128], strides = [1, 1]} : vector<80x16384xf32> to vector<80x128xf32>
    %add3A_149 = arith.addf %add3A_147, %slice3A_148 : vector<80x128xf32>
    %slice3A_150 = vector.extract_strided_slice %convert_element_type3A_18 {offsets = [0, 8576], sizes = [80, 128], strides = [1, 1]} : vector<80x16384xf32> to vector<80x128xf32>
    %add3A_151 = arith.addf %add3A_149, %slice3A_150 : vector<80x128xf32>
    %slice3A_152 = vector.extract_strided_slice %convert_element_type3A_18 {offsets = [0, 8704], sizes = [80, 128], strides = [1, 1]} : vector<80x16384xf32> to vector<80x128xf32>
    %add3A_153 = arith.addf %add3A_151, %slice3A_152 : vector<80x128xf32>
    %slice3A_154 = vector.extract_strided_slice %convert_element_type3A_18 {offsets = [0, 8832], sizes = [80, 128], strides = [1, 1]} : vector<80x16384xf32> to vector<80x128xf32>
    %add3A_155 = arith.addf %add3A_153, %slice3A_154 : vector<80x128xf32>
    %slice3A_156 = vector.extract_strided_slice %convert_element_type3A_18 {offsets = [0, 8960], sizes = [80, 128], strides = [1, 1]} : vector<80x16384xf32> to vector<80x128xf32>
    %add3A_157 = arith.addf %add3A_155, %slice3A_156 : vector<80x128xf32>
    %slice3A_158 = vector.extract_strided_slice %convert_element_type3A_18 {offsets = [0, 9088], sizes = [80, 128], strides = [1, 1]} : vector<80x16384xf32> to vector<80x128xf32>
    %add3A_159 = arith.addf %add3A_157, %slice3A_158 : vector<80x128xf32>
    %slice3A_160 = vector.extract_strided_slice %convert_element_type3A_18 {offsets = [0, 9216], sizes = [80, 128], strides = [1, 1]} : vector<80x16384xf32> to vector<80x128xf32>
    %add3A_161 = arith.addf %add3A_159, %slice3A_160 : vector<80x128xf32>
    %slice3A_162 = vector.extract_strided_slice %convert_element_type3A_18 {offsets = [0, 9344], sizes = [80, 128], strides = [1, 1]} : vector<80x16384xf32> to vector<80x128xf32>
    %add3A_163 = arith.addf %add3A_161, %slice3A_162 : vector<80x128xf32>
    %slice3A_164 = vector.extract_strided_slice %convert_element_type3A_18 {offsets = [0, 9472], sizes = [80, 128], strides = [1, 1]} : vector<80x16384xf32> to vector<80x128xf32>
    %add3A_165 = arith.addf %add3A_163, %slice3A_164 : vector<80x128xf32>
    %slice3A_166 = vector.extract_strided_slice %convert_element_type3A_18 {offsets = [0, 9600], sizes = [80, 128], strides = [1, 1]} : vector<80x16384xf32> to vector<80x128xf32>
    %add3A_167 = arith.addf %add3A_165, %slice3A_166 : vector<80x128xf32>
    %slice3A_168 = vector.extract_strided_slice %convert_element_type3A_18 {offsets = [0, 9728], sizes = [80, 128], strides = [1, 1]} : vector<80x16384xf32> to vector<80x128xf32>
    %add3A_169 = arith.addf %add3A_167, %slice3A_168 : vector<80x128xf32>
    %slice3A_170 = vector.extract_strided_slice %convert_element_type3A_18 {offsets = [0, 9856], sizes = [80, 128], strides = [1, 1]} : vector<80x16384xf32> to vector<80x128xf32>
    %add3A_171 = arith.addf %add3A_169, %slice3A_170 : vector<80x128xf32>
    %slice3A_172 = vector.extract_strided_slice %convert_element_type3A_18 {offsets = [0, 9984], sizes = [80, 128], strides = [1, 1]} : vector<80x16384xf32> to vector<80x128xf32>
    %add3A_173 = arith.addf %add3A_171, %slice3A_172 : vector<80x128xf32>
    %slice3A_174 = vector.extract_strided_slice %convert_element_type3A_18 {offsets = [0, 10112], sizes = [80, 128], strides = [1, 1]} : vector<80x16384xf32> to vector<80x128xf32>
    %add3A_175 = arith.addf %add3A_173, %slice3A_174 : vector<80x128xf32>
    %slice3A_176 = vector.extract_strided_slice %convert_element_type3A_18 {offsets = [0, 10240], sizes = [80, 128], strides = [1, 1]} : vector<80x16384xf32> to vector<80x128xf32>
    %add3A_177 = arith.addf %add3A_175, %slice3A_176 : vector<80x128xf32>
    %slice3A_178 = vector.extract_strided_slice %convert_element_type3A_18 {offsets = [0, 10368], sizes = [80, 128], strides = [1, 1]} : vector<80x16384xf32> to vector<80x128xf32>
    %add3A_179 = arith.addf %add3A_177, %slice3A_178 : vector<80x128xf32>
    %slice3A_180 = vector.extract_strided_slice %convert_element_type3A_18 {offsets = [0, 10496], sizes = [80, 128], strides = [1, 1]} : vector<80x16384xf32> to vector<80x128xf32>
    %add3A_181 = arith.addf %add3A_179, %slice3A_180 : vector<80x128xf32>
    %slice3A_182 = vector.extract_strided_slice %convert_element_type3A_18 {offsets = [0, 10624], sizes = [80, 128], strides = [1, 1]} : vector<80x16384xf32> to vector<80x128xf32>
    %add3A_183 = arith.addf %add3A_181, %slice3A_182 : vector<80x128xf32>
    %slice3A_184 = vector.extract_strided_slice %convert_element_type3A_18 {offsets = [0, 10752], sizes = [80, 128], strides = [1, 1]} : vector<80x16384xf32> to vector<80x128xf32>
    %add3A_185 = arith.addf %add3A_183, %slice3A_184 : vector<80x128xf32>
    %slice3A_186 = vector.extract_strided_slice %convert_element_type3A_18 {offsets = [0, 10880], sizes = [80, 128], strides = [1, 1]} : vector<80x16384xf32> to vector<80x128xf32>
    %add3A_187 = arith.addf %add3A_185, %slice3A_186 : vector<80x128xf32>
    %slice3A_188 = vector.extract_strided_slice %convert_element_type3A_18 {offsets = [0, 11008], sizes = [80, 128], strides = [1, 1]} : vector<80x16384xf32> to vector<80x128xf32>
    %add3A_189 = arith.addf %add3A_187, %slice3A_188 : vector<80x128xf32>
    %slice3A_190 = vector.extract_strided_slice %convert_element_type3A_18 {offsets = [0, 11136], sizes = [80, 128], strides = [1, 1]} : vector<80x16384xf32> to vector<80x128xf32>
    %add3A_191 = arith.addf %add3A_189, %slice3A_190 : vector<80x128xf32>
    %slice3A_192 = vector.extract_strided_slice %convert_element_type3A_18 {offsets = [0, 11264], sizes = [80, 128], strides = [1, 1]} : vector<80x16384xf32> to vector<80x128xf32>
    %add3A_193 = arith.addf %add3A_191, %slice3A_192 : vector<80x128xf32>
    %slice3A_194 = vector.extract_strided_slice %convert_element_type3A_18 {offsets = [0, 11392], sizes = [80, 128], strides = [1, 1]} : vector<80x16384xf32> to vector<80x128xf32>
    %add3A_195 = arith.addf %add3A_193, %slice3A_194 : vector<80x128xf32>
    %slice3A_196 = vector.extract_strided_slice %convert_element_type3A_18 {offsets = [0, 11520], sizes = [80, 128], strides = [1, 1]} : vector<80x16384xf32> to vector<80x128xf32>
    %add3A_197 = arith.addf %add3A_195, %slice3A_196 : vector<80x128xf32>
    %slice3A_198 = vector.extract_strided_slice %convert_element_type3A_18 {offsets = [0, 11648], sizes = [80, 128], strides = [1, 1]} : vector<80x16384xf32> to vector<80x128xf32>
    %add3A_199 = arith.addf %add3A_197, %slice3A_198 : vector<80x128xf32>
    %slice3A_200 = vector.extract_strided_slice %convert_element_type3A_18 {offsets = [0, 11776], sizes = [80, 128], strides = [1, 1]} : vector<80x16384xf32> to vector<80x128xf32>
    %add3A_201 = arith.addf %add3A_199, %slice3A_200 : vector<80x128xf32>
    %slice3A_202 = vector.extract_strided_slice %convert_element_type3A_18 {offsets = [0, 11904], sizes = [80, 128], strides = [1, 1]} : vector<80x16384xf32> to vector<80x128xf32>
    %add3A_203 = arith.addf %add3A_201, %slice3A_202 : vector<80x128xf32>
    %slice3A_204 = vector.extract_strided_slice %convert_element_type3A_18 {offsets = [0, 12032], sizes = [80, 128], strides = [1, 1]} : vector<80x16384xf32> to vector<80x128xf32>
    %add3A_205 = arith.addf %add3A_203, %slice3A_204 : vector<80x128xf32>
    %slice3A_206 = vector.extract_strided_slice %convert_element_type3A_18 {offsets = [0, 12160], sizes = [80, 128], strides = [1, 1]} : vector<80x16384xf32> to vector<80x128xf32>
    %add3A_207 = arith.addf %add3A_205, %slice3A_206 : vector<80x128xf32>
    %slice3A_208 = vector.extract_strided_slice %convert_element_type3A_18 {offsets = [0, 12288], sizes = [80, 128], strides = [1, 1]} : vector<80x16384xf32> to vector<80x128xf32>
    %add3A_209 = arith.addf %add3A_207, %slice3A_208 : vector<80x128xf32>
    %slice3A_210 = vector.extract_strided_slice %convert_element_type3A_18 {offsets = [0, 12416], sizes = [80, 128], strides = [1, 1]} : vector<80x16384xf32> to vector<80x128xf32>
    %add3A_211 = arith.addf %add3A_209, %slice3A_210 : vector<80x128xf32>
    %slice3A_212 = vector.extract_strided_slice %convert_element_type3A_18 {offsets = [0, 12544], sizes = [80, 128], strides = [1, 1]} : vector<80x16384xf32> to vector<80x128xf32>
    %add3A_213 = arith.addf %add3A_211, %slice3A_212 : vector<80x128xf32>
    %slice3A_214 = vector.extract_strided_slice %convert_element_type3A_18 {offsets = [0, 12672], sizes = [80, 128], strides = [1, 1]} : vector<80x16384xf32> to vector<80x128xf32>
    %add3A_215 = arith.addf %add3A_213, %slice3A_214 : vector<80x128xf32>
    %slice3A_216 = vector.extract_strided_slice %convert_element_type3A_18 {offsets = [0, 12800], sizes = [80, 128], strides = [1, 1]} : vector<80x16384xf32> to vector<80x128xf32>
    %add3A_217 = arith.addf %add3A_215, %slice3A_216 : vector<80x128xf32>
    %slice3A_218 = vector.extract_strided_slice %convert_element_type3A_18 {offsets = [0, 12928], sizes = [80, 128], strides = [1, 1]} : vector<80x16384xf32> to vector<80x128xf32>
    %add3A_219 = arith.addf %add3A_217, %slice3A_218 : vector<80x128xf32>
    %slice3A_220 = vector.extract_strided_slice %convert_element_type3A_18 {offsets = [0, 13056], sizes = [80, 128], strides = [1, 1]} : vector<80x16384xf32> to vector<80x128xf32>
    %add3A_221 = arith.addf %add3A_219, %slice3A_220 : vector<80x128xf32>
    %slice3A_222 = vector.extract_strided_slice %convert_element_type3A_18 {offsets = [0, 13184], sizes = [80, 128], strides = [1, 1]} : vector<80x16384xf32> to vector<80x128xf32>
    %add3A_223 = arith.addf %add3A_221, %slice3A_222 : vector<80x128xf32>
    %slice3A_224 = vector.extract_strided_slice %convert_element_type3A_18 {offsets = [0, 13312], sizes = [80, 128], strides = [1, 1]} : vector<80x16384xf32> to vector<80x128xf32>
    %add3A_225 = arith.addf %add3A_223, %slice3A_224 : vector<80x128xf32>
    %slice3A_226 = vector.extract_strided_slice %convert_element_type3A_18 {offsets = [0, 13440], sizes = [80, 128], strides = [1, 1]} : vector<80x16384xf32> to vector<80x128xf32>
    %add3A_227 = arith.addf %add3A_225, %slice3A_226 : vector<80x128xf32>
    %slice3A_228 = vector.extract_strided_slice %convert_element_type3A_18 {offsets = [0, 13568], sizes = [80, 128], strides = [1, 1]} : vector<80x16384xf32> to vector<80x128xf32>
    %add3A_229 = arith.addf %add3A_227, %slice3A_228 : vector<80x128xf32>
    %slice3A_230 = vector.extract_strided_slice %convert_element_type3A_18 {offsets = [0, 13696], sizes = [80, 128], strides = [1, 1]} : vector<80x16384xf32> to vector<80x128xf32>
    %add3A_231 = arith.addf %add3A_229, %slice3A_230 : vector<80x128xf32>
    %slice3A_232 = vector.extract_strided_slice %convert_element_type3A_18 {offsets = [0, 13824], sizes = [80, 128], strides = [1, 1]} : vector<80x16384xf32> to vector<80x128xf32>
    %add3A_233 = arith.addf %add3A_231, %slice3A_232 : vector<80x128xf32>
    %slice3A_234 = vector.extract_strided_slice %convert_element_type3A_18 {offsets = [0, 13952], sizes = [80, 128], strides = [1, 1]} : vector<80x16384xf32> to vector<80x128xf32>
    %add3A_235 = arith.addf %add3A_233, %slice3A_234 : vector<80x128xf32>
    %slice3A_236 = vector.extract_strided_slice %convert_element_type3A_18 {offsets = [0, 14080], sizes = [80, 128], strides = [1, 1]} : vector<80x16384xf32> to vector<80x128xf32>
    %add3A_237 = arith.addf %add3A_235, %slice3A_236 : vector<80x128xf32>
    %slice3A_238 = vector.extract_strided_slice %convert_element_type3A_18 {offsets = [0, 14208], sizes = [80, 128], strides = [1, 1]} : vector<80x16384xf32> to vector<80x128xf32>
    %add3A_239 = arith.addf %add3A_237, %slice3A_238 : vector<80x128xf32>
    %slice3A_240 = vector.extract_strided_slice %convert_element_type3A_18 {offsets = [0, 14336], sizes = [80, 128], strides = [1, 1]} : vector<80x16384xf32> to vector<80x128xf32>
    %add3A_241 = arith.addf %add3A_239, %slice3A_240 : vector<80x128xf32>
    %slice3A_242 = vector.extract_strided_slice %convert_element_type3A_18 {offsets = [0, 14464], sizes = [80, 128], strides = [1, 1]} : vector<80x16384xf32> to vector<80x128xf32>
    %add3A_243 = arith.addf %add3A_241, %slice3A_242 : vector<80x128xf32>
    %slice3A_244 = vector.extract_strided_slice %convert_element_type3A_18 {offsets = [0, 14592], sizes = [80, 128], strides = [1, 1]} : vector<80x16384xf32> to vector<80x128xf32>
    %add3A_245 = arith.addf %add3A_243, %slice3A_244 : vector<80x128xf32>
    %slice3A_246 = vector.extract_strided_slice %convert_element_type3A_18 {offsets = [0, 14720], sizes = [80, 128], strides = [1, 1]} : vector<80x16384xf32> to vector<80x128xf32>
    %add3A_247 = arith.addf %add3A_245, %slice3A_246 : vector<80x128xf32>
    %slice3A_248 = vector.extract_strided_slice %convert_element_type3A_18 {offsets = [0, 14848], sizes = [80, 128], strides = [1, 1]} : vector<80x16384xf32> to vector<80x128xf32>
    %add3A_249 = arith.addf %add3A_247, %slice3A_248 : vector<80x128xf32>
    %slice3A_250 = vector.extract_strided_slice %convert_element_type3A_18 {offsets = [0, 14976], sizes = [80, 128], strides = [1, 1]} : vector<80x16384xf32> to vector<80x128xf32>
    %add3A_251 = arith.addf %add3A_249, %slice3A_250 : vector<80x128xf32>
    %slice3A_252 = vector.extract_strided_slice %convert_element_type3A_18 {offsets = [0, 15104], sizes = [80, 128], strides = [1, 1]} : vector<80x16384xf32> to vector<80x128xf32>
    %add3A_253 = arith.addf %add3A_251, %slice3A_252 : vector<80x128xf32>
    %slice3A_254 = vector.extract_strided_slice %convert_element_type3A_18 {offsets = [0, 15232], sizes = [80, 128], strides = [1, 1]} : vector<80x16384xf32> to vector<80x128xf32>
    %add3A_255 = arith.addf %add3A_253, %slice3A_254 : vector<80x128xf32>
    %slice3A_256 = vector.extract_strided_slice %convert_element_type3A_18 {offsets = [0, 15360], sizes = [80, 128], strides = [1, 1]} : vector<80x16384xf32> to vector<80x128xf32>
    %add3A_257 = arith.addf %add3A_255, %slice3A_256 : vector<80x128xf32>
    %slice3A_258 = vector.extract_strided_slice %convert_element_type3A_18 {offsets = [0, 15488], sizes = [80, 128], strides = [1, 1]} : vector<80x16384xf32> to vector<80x128xf32>
    %add3A_259 = arith.addf %add3A_257, %slice3A_258 : vector<80x128xf32>
    %slice3A_260 = vector.extract_strided_slice %convert_element_type3A_18 {offsets = [0, 15616], sizes = [80, 128], strides = [1, 1]} : vector<80x16384xf32> to vector<80x128xf32>
    %add3A_261 = arith.addf %add3A_259, %slice3A_260 : vector<80x128xf32>
    %slice3A_262 = vector.extract_strided_slice %convert_element_type3A_18 {offsets = [0, 15744], sizes = [80, 128], strides = [1, 1]} : vector<80x16384xf32> to vector<80x128xf32>
    %add3A_263 = arith.addf %add3A_261, %slice3A_262 : vector<80x128xf32>
    %slice3A_264 = vector.extract_strided_slice %convert_element_type3A_18 {offsets = [0, 15872], sizes = [80, 128], strides = [1, 1]} : vector<80x16384xf32> to vector<80x128xf32>
    %add3A_265 = arith.addf %add3A_263, %slice3A_264 : vector<80x128xf32>
    %slice3A_266 = vector.extract_strided_slice %convert_element_type3A_18 {offsets = [0, 16000], sizes = [80, 128], strides = [1, 1]} : vector<80x16384xf32> to vector<80x128xf32>
    %add3A_267 = arith.addf %add3A_265, %slice3A_266 : vector<80x128xf32>
    %slice3A_268 = vector.extract_strided_slice %convert_element_type3A_18 {offsets = [0, 16128], sizes = [80, 128], strides = [1, 1]} : vector<80x16384xf32> to vector<80x128xf32>
    %add3A_269 = arith.addf %add3A_267, %slice3A_268 : vector<80x128xf32>
    %slice3A_270 = vector.extract_strided_slice %convert_element_type3A_18 {offsets = [0, 16256], sizes = [80, 128], strides = [1, 1]} : vector<80x16384xf32> to vector<80x128xf32>
    %add3A_271 = arith.addf %add3A_269, %slice3A_270 : vector<80x128xf32>
    %add3A_272 = arith.addf %get3A_16, %add3A_271 : vector<80x128xf32>
    %swap3A = arith.constant 0 : index
    %swap3A_273 = arith.constant 0 : index
    %swap3A_274 = vector.load %arg6[%swap3A, %swap3A_273] : memref<80x128xf32, #tpu.memory_space<vmem>>, vector<80x128xf32>
    tpu.vector_store %arg6[%swap3A, %swap3A_273], %add3A_272 {strides = array<i32>} : memref<80x128xf32, #tpu.memory_space<vmem>>, vector<80x128xf32>,
    %get3A_275 = arith.constant 0 : index
    %get3A_276 = arith.constant 0 : index
    %get3A_277 = vector.load %arg7[%get3A_275, %get3A_276] : memref<80x128xf32, #tpu.memory_space<vmem>>, vector<80x128xf32>
    %sub3A = vector.broadcast %log3A : vector<1x16384xf32> to vector<80x16384xf32>
    %sub3A_278 = arith.subf %sub3A, %mul3A_5 : vector<80x16384xf32>
    %jit3A = arith.constant 0.000000e+00 : f32
    %broadcast_in_dim3A_279 = vector.broadcast %jit3A : f32 to vector<80x16384xf32>
    %select_n3A = arith.select %eq3A_13, %sub3A_278, %broadcast_in_dim3A_279 : vector<80x16384xi1>, vector<80x16384xf32>
    %slice3A_280 = vector.extract_strided_slice %select_n3A {offsets = [0, 0], sizes = [80, 128], strides = [1, 1]} : vector<80x16384xf32> to vector<80x128xf32>
    %slice3A_281 = vector.extract_strided_slice %select_n3A {offsets = [0, 128], sizes = [80, 128], strides = [1, 1]} : vector<80x16384xf32> to vector<80x128xf32>
    %add3A_282 = arith.addf %slice3A_280, %slice3A_281 : vector<80x128xf32>
    %slice3A_283 = vector.extract_strided_slice %select_n3A {offsets = [0, 256], sizes = [80, 128], strides = [1, 1]} : vector<80x16384xf32> to vector<80x128xf32>
    %add3A_284 = arith.addf %add3A_282, %slice3A_283 : vector<80x128xf32>
    %slice3A_285 = vector.extract_strided_slice %select_n3A {offsets = [0, 384], sizes = [80, 128], strides = [1, 1]} : vector<80x16384xf32> to vector<80x128xf32>
    %add3A_286 = arith.addf %add3A_284, %slice3A_285 : vector<80x128xf32>
    %slice3A_287 = vector.extract_strided_slice %select_n3A {offsets = [0, 512], sizes = [80, 128], strides = [1, 1]} : vector<80x16384xf32> to vector<80x128xf32>
    %add3A_288 = arith.addf %add3A_286, %slice3A_287 : vector<80x128xf32>
    %slice3A_289 = vector.extract_strided_slice %select_n3A {offsets = [0, 640], sizes = [80, 128], strides = [1, 1]} : vector<80x16384xf32> to vector<80x128xf32>
    %add3A_290 = arith.addf %add3A_288, %slice3A_289 : vector<80x128xf32>
    %slice3A_291 = vector.extract_strided_slice %select_n3A {offsets = [0, 768], sizes = [80, 128], strides = [1, 1]} : vector<80x16384xf32> to vector<80x128xf32>
    %add3A_292 = arith.addf %add3A_290, %slice3A_291 : vector<80x128xf32>
    %slice3A_293 = vector.extract_strided_slice %select_n3A {offsets = [0, 896], sizes = [80, 128], strides = [1, 1]} : vector<80x16384xf32> to vector<80x128xf32>
    %add3A_294 = arith.addf %add3A_292, %slice3A_293 : vector<80x128xf32>
    %slice3A_295 = vector.extract_strided_slice %select_n3A {offsets = [0, 1024], sizes = [80, 128], strides = [1, 1]} : vector<80x16384xf32> to vector<80x128xf32>
    %add3A_296 = arith.addf %add3A_294, %slice3A_295 : vector<80x128xf32>
    %slice3A_297 = vector.extract_strided_slice %select_n3A {offsets = [0, 1152], sizes = [80, 128], strides = [1, 1]} : vector<80x16384xf32> to vector<80x128xf32>
    %add3A_298 = arith.addf %add3A_296, %slice3A_297 : vector<80x128xf32>
    %slice3A_299 = vector.extract_strided_slice %select_n3A {offsets = [0, 1280], sizes = [80, 128], strides = [1, 1]} : vector<80x16384xf32> to vector<80x128xf32>
    %add3A_300 = arith.addf %add3A_298, %slice3A_299 : vector<80x128xf32>
    %slice3A_301 = vector.extract_strided_slice %select_n3A {offsets = [0, 1408], sizes = [80, 128], strides = [1, 1]} : vector<80x16384xf32> to vector<80x128xf32>
    %add3A_302 = arith.addf %add3A_300, %slice3A_301 : vector<80x128xf32>
    %slice3A_303 = vector.extract_strided_slice %select_n3A {offsets = [0, 1536], sizes = [80, 128], strides = [1, 1]} : vector<80x16384xf32> to vector<80x128xf32>
    %add3A_304 = arith.addf %add3A_302, %slice3A_303 : vector<80x128xf32>
    %slice3A_305 = vector.extract_strided_slice %select_n3A {offsets = [0, 1664], sizes = [80, 128], strides = [1, 1]} : vector<80x16384xf32> to vector<80x128xf32>
    %add3A_306 = arith.addf %add3A_304, %slice3A_305 : vector<80x128xf32>
    %slice3A_307 = vector.extract_strided_slice %select_n3A {offsets = [0, 1792], sizes = [80, 128], strides = [1, 1]} : vector<80x16384xf32> to vector<80x128xf32>
    %add3A_308 = arith.addf %add3A_306, %slice3A_307 : vector<80x128xf32>
    %slice3A_309 = vector.extract_strided_slice %select_n3A {offsets = [0, 1920], sizes = [80, 128], strides = [1, 1]} : vector<80x16384xf32> to vector<80x128xf32>
    %add3A_310 = arith.addf %add3A_308, %slice3A_309 : vector<80x128xf32>
    %slice3A_311 = vector.extract_strided_slice %select_n3A {offsets = [0, 2048], sizes = [80, 128], strides = [1, 1]} : vector<80x16384xf32> to vector<80x128xf32>
    %add3A_312 = arith.addf %add3A_310, %slice3A_311 : vector<80x128xf32>
    %slice3A_313 = vector.extract_strided_slice %select_n3A {offsets = [0, 2176], sizes = [80, 128], strides = [1, 1]} : vector<80x16384xf32> to vector<80x128xf32>
    %add3A_314 = arith.addf %add3A_312, %slice3A_313 : vector<80x128xf32>
    %slice3A_315 = vector.extract_strided_slice %select_n3A {offsets = [0, 2304], sizes = [80, 128], strides = [1, 1]} : vector<80x16384xf32> to vector<80x128xf32>
    %add3A_316 = arith.addf %add3A_314, %slice3A_315 : vector<80x128xf32>
    %slice3A_317 = vector.extract_strided_slice %select_n3A {offsets = [0, 2432], sizes = [80, 128], strides = [1, 1]} : vector<80x16384xf32> to vector<80x128xf32>
    %add3A_318 = arith.addf %add3A_316, %slice3A_317 : vector<80x128xf32>
    %slice3A_319 = vector.extract_strided_slice %select_n3A {offsets = [0, 2560], sizes = [80, 128], strides = [1, 1]} : vector<80x16384xf32> to vector<80x128xf32>
    %add3A_320 = arith.addf %add3A_318, %slice3A_319 : vector<80x128xf32>
    %slice3A_321 = vector.extract_strided_slice %select_n3A {offsets = [0, 2688], sizes = [80, 128], strides = [1, 1]} : vector<80x16384xf32> to vector<80x128xf32>
    %add3A_322 = arith.addf %add3A_320, %slice3A_321 : vector<80x128xf32>
    %slice3A_323 = vector.extract_strided_slice %select_n3A {offsets = [0, 2816], sizes = [80, 128], strides = [1, 1]} : vector<80x16384xf32> to vector<80x128xf32>
    %add3A_324 = arith.addf %add3A_322, %slice3A_323 : vector<80x128xf32>
    %slice3A_325 = vector.extract_strided_slice %select_n3A {offsets = [0, 2944], sizes = [80, 128], strides = [1, 1]} : vector<80x16384xf32> to vector<80x128xf32>
    %add3A_326 = arith.addf %add3A_324, %slice3A_325 : vector<80x128xf32>
    %slice3A_327 = vector.extract_strided_slice %select_n3A {offsets = [0, 3072], sizes = [80, 128], strides = [1, 1]} : vector<80x16384xf32> to vector<80x128xf32>
    %add3A_328 = arith.addf %add3A_326, %slice3A_327 : vector<80x128xf32>
    %slice3A_329 = vector.extract_strided_slice %select_n3A {offsets = [0, 3200], sizes = [80, 128], strides = [1, 1]} : vector<80x16384xf32> to vector<80x128xf32>
    %add3A_330 = arith.addf %add3A_328, %slice3A_329 : vector<80x128xf32>
    %slice3A_331 = vector.extract_strided_slice %select_n3A {offsets = [0, 3328], sizes = [80, 128], strides = [1, 1]} : vector<80x16384xf32> to vector<80x128xf32>
    %add3A_332 = arith.addf %add3A_330, %slice3A_331 : vector<80x128xf32>
    %slice3A_333 = vector.extract_strided_slice %select_n3A {offsets = [0, 3456], sizes = [80, 128], strides = [1, 1]} : vector<80x16384xf32> to vector<80x128xf32>
    %add3A_334 = arith.addf %add3A_332, %slice3A_333 : vector<80x128xf32>
    %slice3A_335 = vector.extract_strided_slice %select_n3A {offsets = [0, 3584], sizes = [80, 128], strides = [1, 1]} : vector<80x16384xf32> to vector<80x128xf32>
    %add3A_336 = arith.addf %add3A_334, %slice3A_335 : vector<80x128xf32>
    %slice3A_337 = vector.extract_strided_slice %select_n3A {offsets = [0, 3712], sizes = [80, 128], strides = [1, 1]} : vector<80x16384xf32> to vector<80x128xf32>
    %add3A_338 = arith.addf %add3A_336, %slice3A_337 : vector<80x128xf32>
    %slice3A_339 = vector.extract_strided_slice %select_n3A {offsets = [0, 3840], sizes = [80, 128], strides = [1, 1]} : vector<80x16384xf32> to vector<80x128xf32>
    %add3A_340 = arith.addf %add3A_338, %slice3A_339 : vector<80x128xf32>
    %slice3A_341 = vector.extract_strided_slice %select_n3A {offsets = [0, 3968], sizes = [80, 128], strides = [1, 1]} : vector<80x16384xf32> to vector<80x128xf32>
    %add3A_342 = arith.addf %add3A_340, %slice3A_341 : vector<80x128xf32>
    %slice3A_343 = vector.extract_strided_slice %select_n3A {offsets = [0, 4096], sizes = [80, 128], strides = [1, 1]} : vector<80x16384xf32> to vector<80x128xf32>
    %add3A_344 = arith.addf %add3A_342, %slice3A_343 : vector<80x128xf32>
    %slice3A_345 = vector.extract_strided_slice %select_n3A {offsets = [0, 4224], sizes = [80, 128], strides = [1, 1]} : vector<80x16384xf32> to vector<80x128xf32>
    %add3A_346 = arith.addf %add3A_344, %slice3A_345 : vector<80x128xf32>
    %slice3A_347 = vector.extract_strided_slice %select_n3A {offsets = [0, 4352], sizes = [80, 128], strides = [1, 1]} : vector<80x16384xf32> to vector<80x128xf32>
    %add3A_348 = arith.addf %add3A_346, %slice3A_347 : vector<80x128xf32>
    %slice3A_349 = vector.extract_strided_slice %select_n3A {offsets = [0, 4480], sizes = [80, 128], strides = [1, 1]} : vector<80x16384xf32> to vector<80x128xf32>
    %add3A_350 = arith.addf %add3A_348, %slice3A_349 : vector<80x128xf32>
    %slice3A_351 = vector.extract_strided_slice %select_n3A {offsets = [0, 4608], sizes = [80, 128], strides = [1, 1]} : vector<80x16384xf32> to vector<80x128xf32>
    %add3A_352 = arith.addf %add3A_350, %slice3A_351 : vector<80x128xf32>
    %slice3A_353 = vector.extract_strided_slice %select_n3A {offsets = [0, 4736], sizes = [80, 128], strides = [1, 1]} : vector<80x16384xf32> to vector<80x128xf32>
    %add3A_354 = arith.addf %add3A_352, %slice3A_353 : vector<80x128xf32>
    %slice3A_355 = vector.extract_strided_slice %select_n3A {offsets = [0, 4864], sizes = [80, 128], strides = [1, 1]} : vector<80x16384xf32> to vector<80x128xf32>
    %add3A_356 = arith.addf %add3A_354, %slice3A_355 : vector<80x128xf32>
    %slice3A_357 = vector.extract_strided_slice %select_n3A {offsets = [0, 4992], sizes = [80, 128], strides = [1, 1]} : vector<80x16384xf32> to vector<80x128xf32>
    %add3A_358 = arith.addf %add3A_356, %slice3A_357 : vector<80x128xf32>
    %slice3A_359 = vector.extract_strided_slice %select_n3A {offsets = [0, 5120], sizes = [80, 128], strides = [1, 1]} : vector<80x16384xf32> to vector<80x128xf32>
    %add3A_360 = arith.addf %add3A_358, %slice3A_359 : vector<80x128xf32>
    %slice3A_361 = vector.extract_strided_slice %select_n3A {offsets = [0, 5248], sizes = [80, 128], strides = [1, 1]} : vector<80x16384xf32> to vector<80x128xf32>
    %add3A_362 = arith.addf %add3A_360, %slice3A_361 : vector<80x128xf32>
    %slice3A_363 = vector.extract_strided_slice %select_n3A {offsets = [0, 5376], sizes = [80, 128], strides = [1, 1]} : vector<80x16384xf32> to vector<80x128xf32>
    %add3A_364 = arith.addf %add3A_362, %slice3A_363 : vector<80x128xf32>
    %slice3A_365 = vector.extract_strided_slice %select_n3A {offsets = [0, 5504], sizes = [80, 128], strides = [1, 1]} : vector<80x16384xf32> to vector<80x128xf32>
    %add3A_366 = arith.addf %add3A_364, %slice3A_365 : vector<80x128xf32>
    %slice3A_367 = vector.extract_strided_slice %select_n3A {offsets = [0, 5632], sizes = [80, 128], strides = [1, 1]} : vector<80x16384xf32> to vector<80x128xf32>
    %add3A_368 = arith.addf %add3A_366, %slice3A_367 : vector<80x128xf32>
    %slice3A_369 = vector.extract_strided_slice %select_n3A {offsets = [0, 5760], sizes = [80, 128], strides = [1, 1]} : vector<80x16384xf32> to vector<80x128xf32>
    %add3A_370 = arith.addf %add3A_368, %slice3A_369 : vector<80x128xf32>
    %slice3A_371 = vector.extract_strided_slice %select_n3A {offsets = [0, 5888], sizes = [80, 128], strides = [1, 1]} : vector<80x16384xf32> to vector<80x128xf32>
    %add3A_372 = arith.addf %add3A_370, %slice3A_371 : vector<80x128xf32>
    %slice3A_373 = vector.extract_strided_slice %select_n3A {offsets = [0, 6016], sizes = [80, 128], strides = [1, 1]} : vector<80x16384xf32> to vector<80x128xf32>
    %add3A_374 = arith.addf %add3A_372, %slice3A_373 : vector<80x128xf32>
    %slice3A_375 = vector.extract_strided_slice %select_n3A {offsets = [0, 6144], sizes = [80, 128], strides = [1, 1]} : vector<80x16384xf32> to vector<80x128xf32>
    %add3A_376 = arith.addf %add3A_374, %slice3A_375 : vector<80x128xf32>
    %slice3A_377 = vector.extract_strided_slice %select_n3A {offsets = [0, 6272], sizes = [80, 128], strides = [1, 1]} : vector<80x16384xf32> to vector<80x128xf32>
    %add3A_378 = arith.addf %add3A_376, %slice3A_377 : vector<80x128xf32>
    %slice3A_379 = vector.extract_strided_slice %select_n3A {offsets = [0, 6400], sizes = [80, 128], strides = [1, 1]} : vector<80x16384xf32> to vector<80x128xf32>
    %add3A_380 = arith.addf %add3A_378, %slice3A_379 : vector<80x128xf32>
    %slice3A_381 = vector.extract_strided_slice %select_n3A {offsets = [0, 6528], sizes = [80, 128], strides = [1, 1]} : vector<80x16384xf32> to vector<80x128xf32>
    %add3A_382 = arith.addf %add3A_380, %slice3A_381 : vector<80x128xf32>
    %slice3A_383 = vector.extract_strided_slice %select_n3A {offsets = [0, 6656], sizes = [80, 128], strides = [1, 1]} : vector<80x16384xf32> to vector<80x128xf32>
    %add3A_384 = arith.addf %add3A_382, %slice3A_383 : vector<80x128xf32>
    %slice3A_385 = vector.extract_strided_slice %select_n3A {offsets = [0, 6784], sizes = [80, 128], strides = [1, 1]} : vector<80x16384xf32> to vector<80x128xf32>
    %add3A_386 = arith.addf %add3A_384, %slice3A_385 : vector<80x128xf32>
    %slice3A_387 = vector.extract_strided_slice %select_n3A {offsets = [0, 6912], sizes = [80, 128], strides = [1, 1]} : vector<80x16384xf32> to vector<80x128xf32>
    %add3A_388 = arith.addf %add3A_386, %slice3A_387 : vector<80x128xf32>
    %slice3A_389 = vector.extract_strided_slice %select_n3A {offsets = [0, 7040], sizes = [80, 128], strides = [1, 1]} : vector<80x16384xf32> to vector<80x128xf32>
    %add3A_390 = arith.addf %add3A_388, %slice3A_389 : vector<80x128xf32>
    %slice3A_391 = vector.extract_strided_slice %select_n3A {offsets = [0, 7168], sizes = [80, 128], strides = [1, 1]} : vector<80x16384xf32> to vector<80x128xf32>
    %add3A_392 = arith.addf %add3A_390, %slice3A_391 : vector<80x128xf32>
    %slice3A_393 = vector.extract_strided_slice %select_n3A {offsets = [0, 7296], sizes = [80, 128], strides = [1, 1]} : vector<80x16384xf32> to vector<80x128xf32>
    %add3A_394 = arith.addf %add3A_392, %slice3A_393 : vector<80x128xf32>
    %slice3A_395 = vector.extract_strided_slice %select_n3A {offsets = [0, 7424], sizes = [80, 128], strides = [1, 1]} : vector<80x16384xf32> to vector<80x128xf32>
    %add3A_396 = arith.addf %add3A_394, %slice3A_395 : vector<80x128xf32>
    %slice3A_397 = vector.extract_strided_slice %select_n3A {offsets = [0, 7552], sizes = [80, 128], strides = [1, 1]} : vector<80x16384xf32> to vector<80x128xf32>
    %add3A_398 = arith.addf %add3A_396, %slice3A_397 : vector<80x128xf32>
    %slice3A_399 = vector.extract_strided_slice %select_n3A {offsets = [0, 7680], sizes = [80, 128], strides = [1, 1]} : vector<80x16384xf32> to vector<80x128xf32>
    %add3A_400 = arith.addf %add3A_398, %slice3A_399 : vector<80x128xf32>
    %slice3A_401 = vector.extract_strided_slice %select_n3A {offsets = [0, 7808], sizes = [80, 128], strides = [1, 1]} : vector<80x16384xf32> to vector<80x128xf32>
    %add3A_402 = arith.addf %add3A_400, %slice3A_401 : vector<80x128xf32>
    %slice3A_403 = vector.extract_strided_slice %select_n3A {offsets = [0, 7936], sizes = [80, 128], strides = [1, 1]} : vector<80x16384xf32> to vector<80x128xf32>
    %add3A_404 = arith.addf %add3A_402, %slice3A_403 : vector<80x128xf32>
    %slice3A_405 = vector.extract_strided_slice %select_n3A {offsets = [0, 8064], sizes = [80, 128], strides = [1, 1]} : vector<80x16384xf32> to vector<80x128xf32>
    %add3A_406 = arith.addf %add3A_404, %slice3A_405 : vector<80x128xf32>
    %slice3A_407 = vector.extract_strided_slice %select_n3A {offsets = [0, 8192], sizes = [80, 128], strides = [1, 1]} : vector<80x16384xf32> to vector<80x128xf32>
    %add3A_408 = arith.addf %add3A_406, %slice3A_407 : vector<80x128xf32>
    %slice3A_409 = vector.extract_strided_slice %select_n3A {offsets = [0, 8320], sizes = [80, 128], strides = [1, 1]} : vector<80x16384xf32> to vector<80x128xf32>
    %add3A_410 = arith.addf %add3A_408, %slice3A_409 : vector<80x128xf32>
    %slice3A_411 = vector.extract_strided_slice %select_n3A {offsets = [0, 8448], sizes = [80, 128], strides = [1, 1]} : vector<80x16384xf32> to vector<80x128xf32>
    %add3A_412 = arith.addf %add3A_410, %slice3A_411 : vector<80x128xf32>
    %slice3A_413 = vector.extract_strided_slice %select_n3A {offsets = [0, 8576], sizes = [80, 128], strides = [1, 1]} : vector<80x16384xf32> to vector<80x128xf32>
    %add3A_414 = arith.addf %add3A_412, %slice3A_413 : vector<80x128xf32>
    %slice3A_415 = vector.extract_strided_slice %select_n3A {offsets = [0, 8704], sizes = [80, 128], strides = [1, 1]} : vector<80x16384xf32> to vector<80x128xf32>
    %add3A_416 = arith.addf %add3A_414, %slice3A_415 : vector<80x128xf32>
    %slice3A_417 = vector.extract_strided_slice %select_n3A {offsets = [0, 8832], sizes = [80, 128], strides = [1, 1]} : vector<80x16384xf32> to vector<80x128xf32>
    %add3A_418 = arith.addf %add3A_416, %slice3A_417 : vector<80x128xf32>
    %slice3A_419 = vector.extract_strided_slice %select_n3A {offsets = [0, 8960], sizes = [80, 128], strides = [1, 1]} : vector<80x16384xf32> to vector<80x128xf32>
    %add3A_420 = arith.addf %add3A_418, %slice3A_419 : vector<80x128xf32>
    %slice3A_421 = vector.extract_strided_slice %select_n3A {offsets = [0, 9088], sizes = [80, 128], strides = [1, 1]} : vector<80x16384xf32> to vector<80x128xf32>
    %add3A_422 = arith.addf %add3A_420, %slice3A_421 : vector<80x128xf32>
    %slice3A_423 = vector.extract_strided_slice %select_n3A {offsets = [0, 9216], sizes = [80, 128], strides = [1, 1]} : vector<80x16384xf32> to vector<80x128xf32>
    %add3A_424 = arith.addf %add3A_422, %slice3A_423 : vector<80x128xf32>
    %slice3A_425 = vector.extract_strided_slice %select_n3A {offsets = [0, 9344], sizes = [80, 128], strides = [1, 1]} : vector<80x16384xf32> to vector<80x128xf32>
    %add3A_426 = arith.addf %add3A_424, %slice3A_425 : vector<80x128xf32>
    %slice3A_427 = vector.extract_strided_slice %select_n3A {offsets = [0, 9472], sizes = [80, 128], strides = [1, 1]} : vector<80x16384xf32> to vector<80x128xf32>
    %add3A_428 = arith.addf %add3A_426, %slice3A_427 : vector<80x128xf32>
    %slice3A_429 = vector.extract_strided_slice %select_n3A {offsets = [0, 9600], sizes = [80, 128], strides = [1, 1]} : vector<80x16384xf32> to vector<80x128xf32>
    %add3A_430 = arith.addf %add3A_428, %slice3A_429 : vector<80x128xf32>
    %slice3A_431 = vector.extract_strided_slice %select_n3A {offsets = [0, 9728], sizes = [80, 128], strides = [1, 1]} : vector<80x16384xf32> to vector<80x128xf32>
    %add3A_432 = arith.addf %add3A_430, %slice3A_431 : vector<80x128xf32>
    %slice3A_433 = vector.extract_strided_slice %select_n3A {offsets = [0, 9856], sizes = [80, 128], strides = [1, 1]} : vector<80x16384xf32> to vector<80x128xf32>
    %add3A_434 = arith.addf %add3A_432, %slice3A_433 : vector<80x128xf32>
    %slice3A_435 = vector.extract_strided_slice %select_n3A {offsets = [0, 9984], sizes = [80, 128], strides = [1, 1]} : vector<80x16384xf32> to vector<80x128xf32>
    %add3A_436 = arith.addf %add3A_434, %slice3A_435 : vector<80x128xf32>
    %slice3A_437 = vector.extract_strided_slice %select_n3A {offsets = [0, 10112], sizes = [80, 128], strides = [1, 1]} : vector<80x16384xf32> to vector<80x128xf32>
    %add3A_438 = arith.addf %add3A_436, %slice3A_437 : vector<80x128xf32>
    %slice3A_439 = vector.extract_strided_slice %select_n3A {offsets = [0, 10240], sizes = [80, 128], strides = [1, 1]} : vector<80x16384xf32> to vector<80x128xf32>
    %add3A_440 = arith.addf %add3A_438, %slice3A_439 : vector<80x128xf32>
    %slice3A_441 = vector.extract_strided_slice %select_n3A {offsets = [0, 10368], sizes = [80, 128], strides = [1, 1]} : vector<80x16384xf32> to vector<80x128xf32>
    %add3A_442 = arith.addf %add3A_440, %slice3A_441 : vector<80x128xf32>
    %slice3A_443 = vector.extract_strided_slice %select_n3A {offsets = [0, 10496], sizes = [80, 128], strides = [1, 1]} : vector<80x16384xf32> to vector<80x128xf32>
    %add3A_444 = arith.addf %add3A_442, %slice3A_443 : vector<80x128xf32>
    %slice3A_445 = vector.extract_strided_slice %select_n3A {offsets = [0, 10624], sizes = [80, 128], strides = [1, 1]} : vector<80x16384xf32> to vector<80x128xf32>
    %add3A_446 = arith.addf %add3A_444, %slice3A_445 : vector<80x128xf32>
    %slice3A_447 = vector.extract_strided_slice %select_n3A {offsets = [0, 10752], sizes = [80, 128], strides = [1, 1]} : vector<80x16384xf32> to vector<80x128xf32>
    %add3A_448 = arith.addf %add3A_446, %slice3A_447 : vector<80x128xf32>
    %slice3A_449 = vector.extract_strided_slice %select_n3A {offsets = [0, 10880], sizes = [80, 128], strides = [1, 1]} : vector<80x16384xf32> to vector<80x128xf32>
    %add3A_450 = arith.addf %add3A_448, %slice3A_449 : vector<80x128xf32>
    %slice3A_451 = vector.extract_strided_slice %select_n3A {offsets = [0, 11008], sizes = [80, 128], strides = [1, 1]} : vector<80x16384xf32> to vector<80x128xf32>
    %add3A_452 = arith.addf %add3A_450, %slice3A_451 : vector<80x128xf32>
    %slice3A_453 = vector.extract_strided_slice %select_n3A {offsets = [0, 11136], sizes = [80, 128], strides = [1, 1]} : vector<80x16384xf32> to vector<80x128xf32>
    %add3A_454 = arith.addf %add3A_452, %slice3A_453 : vector<80x128xf32>
    %slice3A_455 = vector.extract_strided_slice %select_n3A {offsets = [0, 11264], sizes = [80, 128], strides = [1, 1]} : vector<80x16384xf32> to vector<80x128xf32>
    %add3A_456 = arith.addf %add3A_454, %slice3A_455 : vector<80x128xf32>
    %slice3A_457 = vector.extract_strided_slice %select_n3A {offsets = [0, 11392], sizes = [80, 128], strides = [1, 1]} : vector<80x16384xf32> to vector<80x128xf32>
    %add3A_458 = arith.addf %add3A_456, %slice3A_457 : vector<80x128xf32>
    %slice3A_459 = vector.extract_strided_slice %select_n3A {offsets = [0, 11520], sizes = [80, 128], strides = [1, 1]} : vector<80x16384xf32> to vector<80x128xf32>
    %add3A_460 = arith.addf %add3A_458, %slice3A_459 : vector<80x128xf32>
    %slice3A_461 = vector.extract_strided_slice %select_n3A {offsets = [0, 11648], sizes = [80, 128], strides = [1, 1]} : vector<80x16384xf32> to vector<80x128xf32>
    %add3A_462 = arith.addf %add3A_460, %slice3A_461 : vector<80x128xf32>
    %slice3A_463 = vector.extract_strided_slice %select_n3A {offsets = [0, 11776], sizes = [80, 128], strides = [1, 1]} : vector<80x16384xf32> to vector<80x128xf32>
    %add3A_464 = arith.addf %add3A_462, %slice3A_463 : vector<80x128xf32>
    %slice3A_465 = vector.extract_strided_slice %select_n3A {offsets = [0, 11904], sizes = [80, 128], strides = [1, 1]} : vector<80x16384xf32> to vector<80x128xf32>
    %add3A_466 = arith.addf %add3A_464, %slice3A_465 : vector<80x128xf32>
    %slice3A_467 = vector.extract_strided_slice %select_n3A {offsets = [0, 12032], sizes = [80, 128], strides = [1, 1]} : vector<80x16384xf32> to vector<80x128xf32>
    %add3A_468 = arith.addf %add3A_466, %slice3A_467 : vector<80x128xf32>
    %slice3A_469 = vector.extract_strided_slice %select_n3A {offsets = [0, 12160], sizes = [80, 128], strides = [1, 1]} : vector<80x16384xf32> to vector<80x128xf32>
    %add3A_470 = arith.addf %add3A_468, %slice3A_469 : vector<80x128xf32>
    %slice3A_471 = vector.extract_strided_slice %select_n3A {offsets = [0, 12288], sizes = [80, 128], strides = [1, 1]} : vector<80x16384xf32> to vector<80x128xf32>
    %add3A_472 = arith.addf %add3A_470, %slice3A_471 : vector<80x128xf32>
    %slice3A_473 = vector.extract_strided_slice %select_n3A {offsets = [0, 12416], sizes = [80, 128], strides = [1, 1]} : vector<80x16384xf32> to vector<80x128xf32>
    %add3A_474 = arith.addf %add3A_472, %slice3A_473 : vector<80x128xf32>
    %slice3A_475 = vector.extract_strided_slice %select_n3A {offsets = [0, 12544], sizes = [80, 128], strides = [1, 1]} : vector<80x16384xf32> to vector<80x128xf32>
    %add3A_476 = arith.addf %add3A_474, %slice3A_475 : vector<80x128xf32>
    %slice3A_477 = vector.extract_strided_slice %select_n3A {offsets = [0, 12672], sizes = [80, 128], strides = [1, 1]} : vector<80x16384xf32> to vector<80x128xf32>
    %add3A_478 = arith.addf %add3A_476, %slice3A_477 : vector<80x128xf32>
    %slice3A_479 = vector.extract_strided_slice %select_n3A {offsets = [0, 12800], sizes = [80, 128], strides = [1, 1]} : vector<80x16384xf32> to vector<80x128xf32>
    %add3A_480 = arith.addf %add3A_478, %slice3A_479 : vector<80x128xf32>
    %slice3A_481 = vector.extract_strided_slice %select_n3A {offsets = [0, 12928], sizes = [80, 128], strides = [1, 1]} : vector<80x16384xf32> to vector<80x128xf32>
    %add3A_482 = arith.addf %add3A_480, %slice3A_481 : vector<80x128xf32>
    %slice3A_483 = vector.extract_strided_slice %select_n3A {offsets = [0, 13056], sizes = [80, 128], strides = [1, 1]} : vector<80x16384xf32> to vector<80x128xf32>
    %add3A_484 = arith.addf %add3A_482, %slice3A_483 : vector<80x128xf32>
    %slice3A_485 = vector.extract_strided_slice %select_n3A {offsets = [0, 13184], sizes = [80, 128], strides = [1, 1]} : vector<80x16384xf32> to vector<80x128xf32>
    %add3A_486 = arith.addf %add3A_484, %slice3A_485 : vector<80x128xf32>
    %slice3A_487 = vector.extract_strided_slice %select_n3A {offsets = [0, 13312], sizes = [80, 128], strides = [1, 1]} : vector<80x16384xf32> to vector<80x128xf32>
    %add3A_488 = arith.addf %add3A_486, %slice3A_487 : vector<80x128xf32>
    %slice3A_489 = vector.extract_strided_slice %select_n3A {offsets = [0, 13440], sizes = [80, 128], strides = [1, 1]} : vector<80x16384xf32> to vector<80x128xf32>
    %add3A_490 = arith.addf %add3A_488, %slice3A_489 : vector<80x128xf32>
    %slice3A_491 = vector.extract_strided_slice %select_n3A {offsets = [0, 13568], sizes = [80, 128], strides = [1, 1]} : vector<80x16384xf32> to vector<80x128xf32>
    %add3A_492 = arith.addf %add3A_490, %slice3A_491 : vector<80x128xf32>
    %slice3A_493 = vector.extract_strided_slice %select_n3A {offsets = [0, 13696], sizes = [80, 128], strides = [1, 1]} : vector<80x16384xf32> to vector<80x128xf32>
    %add3A_494 = arith.addf %add3A_492, %slice3A_493 : vector<80x128xf32>
    %slice3A_495 = vector.extract_strided_slice %select_n3A {offsets = [0, 13824], sizes = [80, 128], strides = [1, 1]} : vector<80x16384xf32> to vector<80x128xf32>
    %add3A_496 = arith.addf %add3A_494, %slice3A_495 : vector<80x128xf32>
    %slice3A_497 = vector.extract_strided_slice %select_n3A {offsets = [0, 13952], sizes = [80, 128], strides = [1, 1]} : vector<80x16384xf32> to vector<80x128xf32>
    %add3A_498 = arith.addf %add3A_496, %slice3A_497 : vector<80x128xf32>
    %slice3A_499 = vector.extract_strided_slice %select_n3A {offsets = [0, 14080], sizes = [80, 128], strides = [1, 1]} : vector<80x16384xf32> to vector<80x128xf32>
    %add3A_500 = arith.addf %add3A_498, %slice3A_499 : vector<80x128xf32>
    %slice3A_501 = vector.extract_strided_slice %select_n3A {offsets = [0, 14208], sizes = [80, 128], strides = [1, 1]} : vector<80x16384xf32> to vector<80x128xf32>
    %add3A_502 = arith.addf %add3A_500, %slice3A_501 : vector<80x128xf32>
    %slice3A_503 = vector.extract_strided_slice %select_n3A {offsets = [0, 14336], sizes = [80, 128], strides = [1, 1]} : vector<80x16384xf32> to vector<80x128xf32>
    %add3A_504 = arith.addf %add3A_502, %slice3A_503 : vector<80x128xf32>
    %slice3A_505 = vector.extract_strided_slice %select_n3A {offsets = [0, 14464], sizes = [80, 128], strides = [1, 1]} : vector<80x16384xf32> to vector<80x128xf32>
    %add3A_506 = arith.addf %add3A_504, %slice3A_505 : vector<80x128xf32>
    %slice3A_507 = vector.extract_strided_slice %select_n3A {offsets = [0, 14592], sizes = [80, 128], strides = [1, 1]} : vector<80x16384xf32> to vector<80x128xf32>
    %add3A_508 = arith.addf %add3A_506, %slice3A_507 : vector<80x128xf32>
    %slice3A_509 = vector.extract_strided_slice %select_n3A {offsets = [0, 14720], sizes = [80, 128], strides = [1, 1]} : vector<80x16384xf32> to vector<80x128xf32>
    %add3A_510 = arith.addf %add3A_508, %slice3A_509 : vector<80x128xf32>
    %slice3A_511 = vector.extract_strided_slice %select_n3A {offsets = [0, 14848], sizes = [80, 128], strides = [1, 1]} : vector<80x16384xf32> to vector<80x128xf32>
    %add3A_512 = arith.addf %add3A_510, %slice3A_511 : vector<80x128xf32>
    %slice3A_513 = vector.extract_strided_slice %select_n3A {offsets = [0, 14976], sizes = [80, 128], strides = [1, 1]} : vector<80x16384xf32> to vector<80x128xf32>
    %add3A_514 = arith.addf %add3A_512, %slice3A_513 : vector<80x128xf32>
    %slice3A_515 = vector.extract_strided_slice %select_n3A {offsets = [0, 15104], sizes = [80, 128], strides = [1, 1]} : vector<80x16384xf32> to vector<80x128xf32>
    %add3A_516 = arith.addf %add3A_514, %slice3A_515 : vector<80x128xf32>
    %slice3A_517 = vector.extract_strided_slice %select_n3A {offsets = [0, 15232], sizes = [80, 128], strides = [1, 1]} : vector<80x16384xf32> to vector<80x128xf32>
    %add3A_518 = arith.addf %add3A_516, %slice3A_517 : vector<80x128xf32>
    %slice3A_519 = vector.extract_strided_slice %select_n3A {offsets = [0, 15360], sizes = [80, 128], strides = [1, 1]} : vector<80x16384xf32> to vector<80x128xf32>
    %add3A_520 = arith.addf %add3A_518, %slice3A_519 : vector<80x128xf32>
    %slice3A_521 = vector.extract_strided_slice %select_n3A {offsets = [0, 15488], sizes = [80, 128], strides = [1, 1]} : vector<80x16384xf32> to vector<80x128xf32>
    %add3A_522 = arith.addf %add3A_520, %slice3A_521 : vector<80x128xf32>
    %slice3A_523 = vector.extract_strided_slice %select_n3A {offsets = [0, 15616], sizes = [80, 128], strides = [1, 1]} : vector<80x16384xf32> to vector<80x128xf32>
    %add3A_524 = arith.addf %add3A_522, %slice3A_523 : vector<80x128xf32>
    %slice3A_525 = vector.extract_strided_slice %select_n3A {offsets = [0, 15744], sizes = [80, 128], strides = [1, 1]} : vector<80x16384xf32> to vector<80x128xf32>
    %add3A_526 = arith.addf %add3A_524, %slice3A_525 : vector<80x128xf32>
    %slice3A_527 = vector.extract_strided_slice %select_n3A {offsets = [0, 15872], sizes = [80, 128], strides = [1, 1]} : vector<80x16384xf32> to vector<80x128xf32>
    %add3A_528 = arith.addf %add3A_526, %slice3A_527 : vector<80x128xf32>
    %slice3A_529 = vector.extract_strided_slice %select_n3A {offsets = [0, 16000], sizes = [80, 128], strides = [1, 1]} : vector<80x16384xf32> to vector<80x128xf32>
    %add3A_530 = arith.addf %add3A_528, %slice3A_529 : vector<80x128xf32>
    %slice3A_531 = vector.extract_strided_slice %select_n3A {offsets = [0, 16128], sizes = [80, 128], strides = [1, 1]} : vector<80x16384xf32> to vector<80x128xf32>
    %add3A_532 = arith.addf %add3A_530, %slice3A_531 : vector<80x128xf32>
    %slice3A_533 = vector.extract_strided_slice %select_n3A {offsets = [0, 16256], sizes = [80, 128], strides = [1, 1]} : vector<80x16384xf32> to vector<80x128xf32>
    %add3A_534 = arith.addf %add3A_532, %slice3A_533 : vector<80x128xf32>
    %add3A_535 = arith.addf %get3A_277, %add3A_534 : vector<80x128xf32>
    %swap3A_536 = arith.constant 0 : index
    %swap3A_537 = arith.constant 0 : index
    %swap3A_538 = vector.load %arg7[%swap3A_536, %swap3A_537] : memref<80x128xf32, #tpu.memory_space<vmem>>, vector<80x128xf32>
    tpu.vector_store %arg7[%swap3A_536, %swap3A_537], %add3A_535 {strides = array<i32>} : memref<80x128xf32, #tpu.memory_space<vmem>>, vector<80x128xf32>,
    %get3A_539 = arith.constant 0 : index
    %get3A_540 = arith.constant 0 : index
    %get3A_541 = arith.constant 0 : index
    %get3A_542 = vector.load %arg3[%get3A_539, %get3A_540, %get3A_541] : memref<1x1x16384xf32, #tpu.memory_space<vmem>>, vector<1x1x16384xf32>
    %get3A_543 = vector.shape_cast %get3A_542 : vector<1x1x16384xf32> to vector<1x16384xf32>
    %get3A_544 = arith.constant 0 : index
    %get3A_545 = arith.constant 0 : index
    %get3A_546 = vector.load %arg8[%get3A_544, %get3A_545] : memref<1x128xf32, #tpu.memory_space<vmem>>, vector<1x128xf32>
    %mul3A_547 = arith.mulf %get3A_543, %get3A_543 : vector<1x16384xf32>
    %slice3A_548 = vector.extract_strided_slice %mul3A_547 {offsets = [0, 0], sizes = [1, 128], strides = [1, 1]} : vector<1x16384xf32> to vector<1x128xf32>
    %slice3A_549 = vector.extract_strided_slice %mul3A_547 {offsets = [0, 128], sizes = [1, 128], strides = [1, 1]} : vector<1x16384xf32> to vector<1x128xf32>
    %add3A_550 = arith.addf %slice3A_548, %slice3A_549 : vector<1x128xf32>
    %slice3A_551 = vector.extract_strided_slice %mul3A_547 {offsets = [0, 256], sizes = [1, 128], strides = [1, 1]} : vector<1x16384xf32> to vector<1x128xf32>
    %add3A_552 = arith.addf %add3A_550, %slice3A_551 : vector<1x128xf32>
    %slice3A_553 = vector.extract_strided_slice %mul3A_547 {offsets = [0, 384], sizes = [1, 128], strides = [1, 1]} : vector<1x16384xf32> to vector<1x128xf32>
    %add3A_554 = arith.addf %add3A_552, %slice3A_553 : vector<1x128xf32>
    %slice3A_555 = vector.extract_strided_slice %mul3A_547 {offsets = [0, 512], sizes = [1, 128], strides = [1, 1]} : vector<1x16384xf32> to vector<1x128xf32>
    %add3A_556 = arith.addf %add3A_554, %slice3A_555 : vector<1x128xf32>
    %slice3A_557 = vector.extract_strided_slice %mul3A_547 {offsets = [0, 640], sizes = [1, 128], strides = [1, 1]} : vector<1x16384xf32> to vector<1x128xf32>
    %add3A_558 = arith.addf %add3A_556, %slice3A_557 : vector<1x128xf32>
    %slice3A_559 = vector.extract_strided_slice %mul3A_547 {offsets = [0, 768], sizes = [1, 128], strides = [1, 1]} : vector<1x16384xf32> to vector<1x128xf32>
    %add3A_560 = arith.addf %add3A_558, %slice3A_559 : vector<1x128xf32>
    %slice3A_561 = vector.extract_strided_slice %mul3A_547 {offsets = [0, 896], sizes = [1, 128], strides = [1, 1]} : vector<1x16384xf32> to vector<1x128xf32>
    %add3A_562 = arith.addf %add3A_560, %slice3A_561 : vector<1x128xf32>
    %slice3A_563 = vector.extract_strided_slice %mul3A_547 {offsets = [0, 1024], sizes = [1, 128], strides = [1, 1]} : vector<1x16384xf32> to vector<1x128xf32>
    %add3A_564 = arith.addf %add3A_562, %slice3A_563 : vector<1x128xf32>
    %slice3A_565 = vector.extract_strided_slice %mul3A_547 {offsets = [0, 1152], sizes = [1, 128], strides = [1, 1]} : vector<1x16384xf32> to vector<1x128xf32>
    %add3A_566 = arith.addf %add3A_564, %slice3A_565 : vector<1x128xf32>
    %slice3A_567 = vector.extract_strided_slice %mul3A_547 {offsets = [0, 1280], sizes = [1, 128], strides = [1, 1]} : vector<1x16384xf32> to vector<1x128xf32>
    %add3A_568 = arith.addf %add3A_566, %slice3A_567 : vector<1x128xf32>
    %slice3A_569 = vector.extract_strided_slice %mul3A_547 {offsets = [0, 1408], sizes = [1, 128], strides = [1, 1]} : vector<1x16384xf32> to vector<1x128xf32>
    %add3A_570 = arith.addf %add3A_568, %slice3A_569 : vector<1x128xf32>
    %slice3A_571 = vector.extract_strided_slice %mul3A_547 {offsets = [0, 1536], sizes = [1, 128], strides = [1, 1]} : vector<1x16384xf32> to vector<1x128xf32>
    %add3A_572 = arith.addf %add3A_570, %slice3A_571 : vector<1x128xf32>
    %slice3A_573 = vector.extract_strided_slice %mul3A_547 {offsets = [0, 1664], sizes = [1, 128], strides = [1, 1]} : vector<1x16384xf32> to vector<1x128xf32>
    %add3A_574 = arith.addf %add3A_572, %slice3A_573 : vector<1x128xf32>
    %slice3A_575 = vector.extract_strided_slice %mul3A_547 {offsets = [0, 1792], sizes = [1, 128], strides = [1, 1]} : vector<1x16384xf32> to vector<1x128xf32>
    %add3A_576 = arith.addf %add3A_574, %slice3A_575 : vector<1x128xf32>
    %slice3A_577 = vector.extract_strided_slice %mul3A_547 {offsets = [0, 1920], sizes = [1, 128], strides = [1, 1]} : vector<1x16384xf32> to vector<1x128xf32>
    %add3A_578 = arith.addf %add3A_576, %slice3A_577 : vector<1x128xf32>
    %slice3A_579 = vector.extract_strided_slice %mul3A_547 {offsets = [0, 2048], sizes = [1, 128], strides = [1, 1]} : vector<1x16384xf32> to vector<1x128xf32>
    %add3A_580 = arith.addf %add3A_578, %slice3A_579 : vector<1x128xf32>
    %slice3A_581 = vector.extract_strided_slice %mul3A_547 {offsets = [0, 2176], sizes = [1, 128], strides = [1, 1]} : vector<1x16384xf32> to vector<1x128xf32>
    %add3A_582 = arith.addf %add3A_580, %slice3A_581 : vector<1x128xf32>
    %slice3A_583 = vector.extract_strided_slice %mul3A_547 {offsets = [0, 2304], sizes = [1, 128], strides = [1, 1]} : vector<1x16384xf32> to vector<1x128xf32>
    %add3A_584 = arith.addf %add3A_582, %slice3A_583 : vector<1x128xf32>
    %slice3A_585 = vector.extract_strided_slice %mul3A_547 {offsets = [0, 2432], sizes = [1, 128], strides = [1, 1]} : vector<1x16384xf32> to vector<1x128xf32>
    %add3A_586 = arith.addf %add3A_584, %slice3A_585 : vector<1x128xf32>
    %slice3A_587 = vector.extract_strided_slice %mul3A_547 {offsets = [0, 2560], sizes = [1, 128], strides = [1, 1]} : vector<1x16384xf32> to vector<1x128xf32>
    %add3A_588 = arith.addf %add3A_586, %slice3A_587 : vector<1x128xf32>
    %slice3A_589 = vector.extract_strided_slice %mul3A_547 {offsets = [0, 2688], sizes = [1, 128], strides = [1, 1]} : vector<1x16384xf32> to vector<1x128xf32>
    %add3A_590 = arith.addf %add3A_588, %slice3A_589 : vector<1x128xf32>
    %slice3A_591 = vector.extract_strided_slice %mul3A_547 {offsets = [0, 2816], sizes = [1, 128], strides = [1, 1]} : vector<1x16384xf32> to vector<1x128xf32>
    %add3A_592 = arith.addf %add3A_590, %slice3A_591 : vector<1x128xf32>
    %slice3A_593 = vector.extract_strided_slice %mul3A_547 {offsets = [0, 2944], sizes = [1, 128], strides = [1, 1]} : vector<1x16384xf32> to vector<1x128xf32>
    %add3A_594 = arith.addf %add3A_592, %slice3A_593 : vector<1x128xf32>
    %slice3A_595 = vector.extract_strided_slice %mul3A_547 {offsets = [0, 3072], sizes = [1, 128], strides = [1, 1]} : vector<1x16384xf32> to vector<1x128xf32>
    %add3A_596 = arith.addf %add3A_594, %slice3A_595 : vector<1x128xf32>
    %slice3A_597 = vector.extract_strided_slice %mul3A_547 {offsets = [0, 3200], sizes = [1, 128], strides = [1, 1]} : vector<1x16384xf32> to vector<1x128xf32>
    %add3A_598 = arith.addf %add3A_596, %slice3A_597 : vector<1x128xf32>
    %slice3A_599 = vector.extract_strided_slice %mul3A_547 {offsets = [0, 3328], sizes = [1, 128], strides = [1, 1]} : vector<1x16384xf32> to vector<1x128xf32>
    %add3A_600 = arith.addf %add3A_598, %slice3A_599 : vector<1x128xf32>
    %slice3A_601 = vector.extract_strided_slice %mul3A_547 {offsets = [0, 3456], sizes = [1, 128], strides = [1, 1]} : vector<1x16384xf32> to vector<1x128xf32>
    %add3A_602 = arith.addf %add3A_600, %slice3A_601 : vector<1x128xf32>
    %slice3A_603 = vector.extract_strided_slice %mul3A_547 {offsets = [0, 3584], sizes = [1, 128], strides = [1, 1]} : vector<1x16384xf32> to vector<1x128xf32>
    %add3A_604 = arith.addf %add3A_602, %slice3A_603 : vector<1x128xf32>
    %slice3A_605 = vector.extract_strided_slice %mul3A_547 {offsets = [0, 3712], sizes = [1, 128], strides = [1, 1]} : vector<1x16384xf32> to vector<1x128xf32>
    %add3A_606 = arith.addf %add3A_604, %slice3A_605 : vector<1x128xf32>
    %slice3A_607 = vector.extract_strided_slice %mul3A_547 {offsets = [0, 3840], sizes = [1, 128], strides = [1, 1]} : vector<1x16384xf32> to vector<1x128xf32>
    %add3A_608 = arith.addf %add3A_606, %slice3A_607 : vector<1x128xf32>
    %slice3A_609 = vector.extract_strided_slice %mul3A_547 {offsets = [0, 3968], sizes = [1, 128], strides = [1, 1]} : vector<1x16384xf32> to vector<1x128xf32>
    %add3A_610 = arith.addf %add3A_608, %slice3A_609 : vector<1x128xf32>
    %slice3A_611 = vector.extract_strided_slice %mul3A_547 {offsets = [0, 4096], sizes = [1, 128], strides = [1, 1]} : vector<1x16384xf32> to vector<1x128xf32>
    %add3A_612 = arith.addf %add3A_610, %slice3A_611 : vector<1x128xf32>
    %slice3A_613 = vector.extract_strided_slice %mul3A_547 {offsets = [0, 4224], sizes = [1, 128], strides = [1, 1]} : vector<1x16384xf32> to vector<1x128xf32>
    %add3A_614 = arith.addf %add3A_612, %slice3A_613 : vector<1x128xf32>
    %slice3A_615 = vector.extract_strided_slice %mul3A_547 {offsets = [0, 4352], sizes = [1, 128], strides = [1, 1]} : vector<1x16384xf32> to vector<1x128xf32>
    %add3A_616 = arith.addf %add3A_614, %slice3A_615 : vector<1x128xf32>
    %slice3A_617 = vector.extract_strided_slice %mul3A_547 {offsets = [0, 4480], sizes = [1, 128], strides = [1, 1]} : vector<1x16384xf32> to vector<1x128xf32>
    %add3A_618 = arith.addf %add3A_616, %slice3A_617 : vector<1x128xf32>
    %slice3A_619 = vector.extract_strided_slice %mul3A_547 {offsets = [0, 4608], sizes = [1, 128], strides = [1, 1]} : vector<1x16384xf32> to vector<1x128xf32>
    %add3A_620 = arith.addf %add3A_618, %slice3A_619 : vector<1x128xf32>
    %slice3A_621 = vector.extract_strided_slice %mul3A_547 {offsets = [0, 4736], sizes = [1, 128], strides = [1, 1]} : vector<1x16384xf32> to vector<1x128xf32>
    %add3A_622 = arith.addf %add3A_620, %slice3A_621 : vector<1x128xf32>
    %slice3A_623 = vector.extract_strided_slice %mul3A_547 {offsets = [0, 4864], sizes = [1, 128], strides = [1, 1]} : vector<1x16384xf32> to vector<1x128xf32>
    %add3A_624 = arith.addf %add3A_622, %slice3A_623 : vector<1x128xf32>
    %slice3A_625 = vector.extract_strided_slice %mul3A_547 {offsets = [0, 4992], sizes = [1, 128], strides = [1, 1]} : vector<1x16384xf32> to vector<1x128xf32>
    %add3A_626 = arith.addf %add3A_624, %slice3A_625 : vector<1x128xf32>
    %slice3A_627 = vector.extract_strided_slice %mul3A_547 {offsets = [0, 5120], sizes = [1, 128], strides = [1, 1]} : vector<1x16384xf32> to vector<1x128xf32>
    %add3A_628 = arith.addf %add3A_626, %slice3A_627 : vector<1x128xf32>
    %slice3A_629 = vector.extract_strided_slice %mul3A_547 {offsets = [0, 5248], sizes = [1, 128], strides = [1, 1]} : vector<1x16384xf32> to vector<1x128xf32>
    %add3A_630 = arith.addf %add3A_628, %slice3A_629 : vector<1x128xf32>
    %slice3A_631 = vector.extract_strided_slice %mul3A_547 {offsets = [0, 5376], sizes = [1, 128], strides = [1, 1]} : vector<1x16384xf32> to vector<1x128xf32>
    %add3A_632 = arith.addf %add3A_630, %slice3A_631 : vector<1x128xf32>
    %slice3A_633 = vector.extract_strided_slice %mul3A_547 {offsets = [0, 5504], sizes = [1, 128], strides = [1, 1]} : vector<1x16384xf32> to vector<1x128xf32>
    %add3A_634 = arith.addf %add3A_632, %slice3A_633 : vector<1x128xf32>
    %slice3A_635 = vector.extract_strided_slice %mul3A_547 {offsets = [0, 5632], sizes = [1, 128], strides = [1, 1]} : vector<1x16384xf32> to vector<1x128xf32>
    %add3A_636 = arith.addf %add3A_634, %slice3A_635 : vector<1x128xf32>
    %slice3A_637 = vector.extract_strided_slice %mul3A_547 {offsets = [0, 5760], sizes = [1, 128], strides = [1, 1]} : vector<1x16384xf32> to vector<1x128xf32>
    %add3A_638 = arith.addf %add3A_636, %slice3A_637 : vector<1x128xf32>
    %slice3A_639 = vector.extract_strided_slice %mul3A_547 {offsets = [0, 5888], sizes = [1, 128], strides = [1, 1]} : vector<1x16384xf32> to vector<1x128xf32>
    %add3A_640 = arith.addf %add3A_638, %slice3A_639 : vector<1x128xf32>
    %slice3A_641 = vector.extract_strided_slice %mul3A_547 {offsets = [0, 6016], sizes = [1, 128], strides = [1, 1]} : vector<1x16384xf32> to vector<1x128xf32>
    %add3A_642 = arith.addf %add3A_640, %slice3A_641 : vector<1x128xf32>
    %slice3A_643 = vector.extract_strided_slice %mul3A_547 {offsets = [0, 6144], sizes = [1, 128], strides = [1, 1]} : vector<1x16384xf32> to vector<1x128xf32>
    %add3A_644 = arith.addf %add3A_642, %slice3A_643 : vector<1x128xf32>
    %slice3A_645 = vector.extract_strided_slice %mul3A_547 {offsets = [0, 6272], sizes = [1, 128], strides = [1, 1]} : vector<1x16384xf32> to vector<1x128xf32>
    %add3A_646 = arith.addf %add3A_644, %slice3A_645 : vector<1x128xf32>
    %slice3A_647 = vector.extract_strided_slice %mul3A_547 {offsets = [0, 6400], sizes = [1, 128], strides = [1, 1]} : vector<1x16384xf32> to vector<1x128xf32>
    %add3A_648 = arith.addf %add3A_646, %slice3A_647 : vector<1x128xf32>
    %slice3A_649 = vector.extract_strided_slice %mul3A_547 {offsets = [0, 6528], sizes = [1, 128], strides = [1, 1]} : vector<1x16384xf32> to vector<1x128xf32>
    %add3A_650 = arith.addf %add3A_648, %slice3A_649 : vector<1x128xf32>
    %slice3A_651 = vector.extract_strided_slice %mul3A_547 {offsets = [0, 6656], sizes = [1, 128], strides = [1, 1]} : vector<1x16384xf32> to vector<1x128xf32>
    %add3A_652 = arith.addf %add3A_650, %slice3A_651 : vector<1x128xf32>
    %slice3A_653 = vector.extract_strided_slice %mul3A_547 {offsets = [0, 6784], sizes = [1, 128], strides = [1, 1]} : vector<1x16384xf32> to vector<1x128xf32>
    %add3A_654 = arith.addf %add3A_652, %slice3A_653 : vector<1x128xf32>
    %slice3A_655 = vector.extract_strided_slice %mul3A_547 {offsets = [0, 6912], sizes = [1, 128], strides = [1, 1]} : vector<1x16384xf32> to vector<1x128xf32>
    %add3A_656 = arith.addf %add3A_654, %slice3A_655 : vector<1x128xf32>
    %slice3A_657 = vector.extract_strided_slice %mul3A_547 {offsets = [0, 7040], sizes = [1, 128], strides = [1, 1]} : vector<1x16384xf32> to vector<1x128xf32>
    %add3A_658 = arith.addf %add3A_656, %slice3A_657 : vector<1x128xf32>
    %slice3A_659 = vector.extract_strided_slice %mul3A_547 {offsets = [0, 7168], sizes = [1, 128], strides = [1, 1]} : vector<1x16384xf32> to vector<1x128xf32>
    %add3A_660 = arith.addf %add3A_658, %slice3A_659 : vector<1x128xf32>
    %slice3A_661 = vector.extract_strided_slice %mul3A_547 {offsets = [0, 7296], sizes = [1, 128], strides = [1, 1]} : vector<1x16384xf32> to vector<1x128xf32>
    %add3A_662 = arith.addf %add3A_660, %slice3A_661 : vector<1x128xf32>
    %slice3A_663 = vector.extract_strided_slice %mul3A_547 {offsets = [0, 7424], sizes = [1, 128], strides = [1, 1]} : vector<1x16384xf32> to vector<1x128xf32>
    %add3A_664 = arith.addf %add3A_662, %slice3A_663 : vector<1x128xf32>
    %slice3A_665 = vector.extract_strided_slice %mul3A_547 {offsets = [0, 7552], sizes = [1, 128], strides = [1, 1]} : vector<1x16384xf32> to vector<1x128xf32>
    %add3A_666 = arith.addf %add3A_664, %slice3A_665 : vector<1x128xf32>
    %slice3A_667 = vector.extract_strided_slice %mul3A_547 {offsets = [0, 7680], sizes = [1, 128], strides = [1, 1]} : vector<1x16384xf32> to vector<1x128xf32>
    %add3A_668 = arith.addf %add3A_666, %slice3A_667 : vector<1x128xf32>
    %slice3A_669 = vector.extract_strided_slice %mul3A_547 {offsets = [0, 7808], sizes = [1, 128], strides = [1, 1]} : vector<1x16384xf32> to vector<1x128xf32>
    %add3A_670 = arith.addf %add3A_668, %slice3A_669 : vector<1x128xf32>
    %slice3A_671 = vector.extract_strided_slice %mul3A_547 {offsets = [0, 7936], sizes = [1, 128], strides = [1, 1]} : vector<1x16384xf32> to vector<1x128xf32>
    %add3A_672 = arith.addf %add3A_670, %slice3A_671 : vector<1x128xf32>
    %slice3A_673 = vector.extract_strided_slice %mul3A_547 {offsets = [0, 8064], sizes = [1, 128], strides = [1, 1]} : vector<1x16384xf32> to vector<1x128xf32>
    %add3A_674 = arith.addf %add3A_672, %slice3A_673 : vector<1x128xf32>
    %slice3A_675 = vector.extract_strided_slice %mul3A_547 {offsets = [0, 8192], sizes = [1, 128], strides = [1, 1]} : vector<1x16384xf32> to vector<1x128xf32>
    %add3A_676 = arith.addf %add3A_674, %slice3A_675 : vector<1x128xf32>
    %slice3A_677 = vector.extract_strided_slice %mul3A_547 {offsets = [0, 8320], sizes = [1, 128], strides = [1, 1]} : vector<1x16384xf32> to vector<1x128xf32>
    %add3A_678 = arith.addf %add3A_676, %slice3A_677 : vector<1x128xf32>
    %slice3A_679 = vector.extract_strided_slice %mul3A_547 {offsets = [0, 8448], sizes = [1, 128], strides = [1, 1]} : vector<1x16384xf32> to vector<1x128xf32>
    %add3A_680 = arith.addf %add3A_678, %slice3A_679 : vector<1x128xf32>
    %slice3A_681 = vector.extract_strided_slice %mul3A_547 {offsets = [0, 8576], sizes = [1, 128], strides = [1, 1]} : vector<1x16384xf32> to vector<1x128xf32>
    %add3A_682 = arith.addf %add3A_680, %slice3A_681 : vector<1x128xf32>
    %slice3A_683 = vector.extract_strided_slice %mul3A_547 {offsets = [0, 8704], sizes = [1, 128], strides = [1, 1]} : vector<1x16384xf32> to vector<1x128xf32>
    %add3A_684 = arith.addf %add3A_682, %slice3A_683 : vector<1x128xf32>
    %slice3A_685 = vector.extract_strided_slice %mul3A_547 {offsets = [0, 8832], sizes = [1, 128], strides = [1, 1]} : vector<1x16384xf32> to vector<1x128xf32>
    %add3A_686 = arith.addf %add3A_684, %slice3A_685 : vector<1x128xf32>
    %slice3A_687 = vector.extract_strided_slice %mul3A_547 {offsets = [0, 8960], sizes = [1, 128], strides = [1, 1]} : vector<1x16384xf32> to vector<1x128xf32>
    %add3A_688 = arith.addf %add3A_686, %slice3A_687 : vector<1x128xf32>
    %slice3A_689 = vector.extract_strided_slice %mul3A_547 {offsets = [0, 9088], sizes = [1, 128], strides = [1, 1]} : vector<1x16384xf32> to vector<1x128xf32>
    %add3A_690 = arith.addf %add3A_688, %slice3A_689 : vector<1x128xf32>
    %slice3A_691 = vector.extract_strided_slice %mul3A_547 {offsets = [0, 9216], sizes = [1, 128], strides = [1, 1]} : vector<1x16384xf32> to vector<1x128xf32>
    %add3A_692 = arith.addf %add3A_690, %slice3A_691 : vector<1x128xf32>
    %slice3A_693 = vector.extract_strided_slice %mul3A_547 {offsets = [0, 9344], sizes = [1, 128], strides = [1, 1]} : vector<1x16384xf32> to vector<1x128xf32>
    %add3A_694 = arith.addf %add3A_692, %slice3A_693 : vector<1x128xf32>
    %slice3A_695 = vector.extract_strided_slice %mul3A_547 {offsets = [0, 9472], sizes = [1, 128], strides = [1, 1]} : vector<1x16384xf32> to vector<1x128xf32>
    %add3A_696 = arith.addf %add3A_694, %slice3A_695 : vector<1x128xf32>
    %slice3A_697 = vector.extract_strided_slice %mul3A_547 {offsets = [0, 9600], sizes = [1, 128], strides = [1, 1]} : vector<1x16384xf32> to vector<1x128xf32>
    %add3A_698 = arith.addf %add3A_696, %slice3A_697 : vector<1x128xf32>
    %slice3A_699 = vector.extract_strided_slice %mul3A_547 {offsets = [0, 9728], sizes = [1, 128], strides = [1, 1]} : vector<1x16384xf32> to vector<1x128xf32>
    %add3A_700 = arith.addf %add3A_698, %slice3A_699 : vector<1x128xf32>
    %slice3A_701 = vector.extract_strided_slice %mul3A_547 {offsets = [0, 9856], sizes = [1, 128], strides = [1, 1]} : vector<1x16384xf32> to vector<1x128xf32>
    %add3A_702 = arith.addf %add3A_700, %slice3A_701 : vector<1x128xf32>
    %slice3A_703 = vector.extract_strided_slice %mul3A_547 {offsets = [0, 9984], sizes = [1, 128], strides = [1, 1]} : vector<1x16384xf32> to vector<1x128xf32>
    %add3A_704 = arith.addf %add3A_702, %slice3A_703 : vector<1x128xf32>
    %slice3A_705 = vector.extract_strided_slice %mul3A_547 {offsets = [0, 10112], sizes = [1, 128], strides = [1, 1]} : vector<1x16384xf32> to vector<1x128xf32>
    %add3A_706 = arith.addf %add3A_704, %slice3A_705 : vector<1x128xf32>
    %slice3A_707 = vector.extract_strided_slice %mul3A_547 {offsets = [0, 10240], sizes = [1, 128], strides = [1, 1]} : vector<1x16384xf32> to vector<1x128xf32>
    %add3A_708 = arith.addf %add3A_706, %slice3A_707 : vector<1x128xf32>
    %slice3A_709 = vector.extract_strided_slice %mul3A_547 {offsets = [0, 10368], sizes = [1, 128], strides = [1, 1]} : vector<1x16384xf32> to vector<1x128xf32>
    %add3A_710 = arith.addf %add3A_708, %slice3A_709 : vector<1x128xf32>
    %slice3A_711 = vector.extract_strided_slice %mul3A_547 {offsets = [0, 10496], sizes = [1, 128], strides = [1, 1]} : vector<1x16384xf32> to vector<1x128xf32>
    %add3A_712 = arith.addf %add3A_710, %slice3A_711 : vector<1x128xf32>
    %slice3A_713 = vector.extract_strided_slice %mul3A_547 {offsets = [0, 10624], sizes = [1, 128], strides = [1, 1]} : vector<1x16384xf32> to vector<1x128xf32>
    %add3A_714 = arith.addf %add3A_712, %slice3A_713 : vector<1x128xf32>
    %slice3A_715 = vector.extract_strided_slice %mul3A_547 {offsets = [0, 10752], sizes = [1, 128], strides = [1, 1]} : vector<1x16384xf32> to vector<1x128xf32>
    %add3A_716 = arith.addf %add3A_714, %slice3A_715 : vector<1x128xf32>
    %slice3A_717 = vector.extract_strided_slice %mul3A_547 {offsets = [0, 10880], sizes = [1, 128], strides = [1, 1]} : vector<1x16384xf32> to vector<1x128xf32>
    %add3A_718 = arith.addf %add3A_716, %slice3A_717 : vector<1x128xf32>
    %slice3A_719 = vector.extract_strided_slice %mul3A_547 {offsets = [0, 11008], sizes = [1, 128], strides = [1, 1]} : vector<1x16384xf32> to vector<1x128xf32>
    %add3A_720 = arith.addf %add3A_718, %slice3A_719 : vector<1x128xf32>
    %slice3A_721 = vector.extract_strided_slice %mul3A_547 {offsets = [0, 11136], sizes = [1, 128], strides = [1, 1]} : vector<1x16384xf32> to vector<1x128xf32>
    %add3A_722 = arith.addf %add3A_720, %slice3A_721 : vector<1x128xf32>
    %slice3A_723 = vector.extract_strided_slice %mul3A_547 {offsets = [0, 11264], sizes = [1, 128], strides = [1, 1]} : vector<1x16384xf32> to vector<1x128xf32>
    %add3A_724 = arith.addf %add3A_722, %slice3A_723 : vector<1x128xf32>
    %slice3A_725 = vector.extract_strided_slice %mul3A_547 {offsets = [0, 11392], sizes = [1, 128], strides = [1, 1]} : vector<1x16384xf32> to vector<1x128xf32>
    %add3A_726 = arith.addf %add3A_724, %slice3A_725 : vector<1x128xf32>
    %slice3A_727 = vector.extract_strided_slice %mul3A_547 {offsets = [0, 11520], sizes = [1, 128], strides = [1, 1]} : vector<1x16384xf32> to vector<1x128xf32>
    %add3A_728 = arith.addf %add3A_726, %slice3A_727 : vector<1x128xf32>
    %slice3A_729 = vector.extract_strided_slice %mul3A_547 {offsets = [0, 11648], sizes = [1, 128], strides = [1, 1]} : vector<1x16384xf32> to vector<1x128xf32>
    %add3A_730 = arith.addf %add3A_728, %slice3A_729 : vector<1x128xf32>
    %slice3A_731 = vector.extract_strided_slice %mul3A_547 {offsets = [0, 11776], sizes = [1, 128], strides = [1, 1]} : vector<1x16384xf32> to vector<1x128xf32>
    %add3A_732 = arith.addf %add3A_730, %slice3A_731 : vector<1x128xf32>
    %slice3A_733 = vector.extract_strided_slice %mul3A_547 {offsets = [0, 11904], sizes = [1, 128], strides = [1, 1]} : vector<1x16384xf32> to vector<1x128xf32>
    %add3A_734 = arith.addf %add3A_732, %slice3A_733 : vector<1x128xf32>
    %slice3A_735 = vector.extract_strided_slice %mul3A_547 {offsets = [0, 12032], sizes = [1, 128], strides = [1, 1]} : vector<1x16384xf32> to vector<1x128xf32>
    %add3A_736 = arith.addf %add3A_734, %slice3A_735 : vector<1x128xf32>
    %slice3A_737 = vector.extract_strided_slice %mul3A_547 {offsets = [0, 12160], sizes = [1, 128], strides = [1, 1]} : vector<1x16384xf32> to vector<1x128xf32>
    %add3A_738 = arith.addf %add3A_736, %slice3A_737 : vector<1x128xf32>
    %slice3A_739 = vector.extract_strided_slice %mul3A_547 {offsets = [0, 12288], sizes = [1, 128], strides = [1, 1]} : vector<1x16384xf32> to vector<1x128xf32>
    %add3A_740 = arith.addf %add3A_738, %slice3A_739 : vector<1x128xf32>
    %slice3A_741 = vector.extract_strided_slice %mul3A_547 {offsets = [0, 12416], sizes = [1, 128], strides = [1, 1]} : vector<1x16384xf32> to vector<1x128xf32>
    %add3A_742 = arith.addf %add3A_740, %slice3A_741 : vector<1x128xf32>
    %slice3A_743 = vector.extract_strided_slice %mul3A_547 {offsets = [0, 12544], sizes = [1, 128], strides = [1, 1]} : vector<1x16384xf32> to vector<1x128xf32>
    %add3A_744 = arith.addf %add3A_742, %slice3A_743 : vector<1x128xf32>
    %slice3A_745 = vector.extract_strided_slice %mul3A_547 {offsets = [0, 12672], sizes = [1, 128], strides = [1, 1]} : vector<1x16384xf32> to vector<1x128xf32>
    %add3A_746 = arith.addf %add3A_744, %slice3A_745 : vector<1x128xf32>
    %slice3A_747 = vector.extract_strided_slice %mul3A_547 {offsets = [0, 12800], sizes = [1, 128], strides = [1, 1]} : vector<1x16384xf32> to vector<1x128xf32>
    %add3A_748 = arith.addf %add3A_746, %slice3A_747 : vector<1x128xf32>
    %slice3A_749 = vector.extract_strided_slice %mul3A_547 {offsets = [0, 12928], sizes = [1, 128], strides = [1, 1]} : vector<1x16384xf32> to vector<1x128xf32>
    %add3A_750 = arith.addf %add3A_748, %slice3A_749 : vector<1x128xf32>
    %slice3A_751 = vector.extract_strided_slice %mul3A_547 {offsets = [0, 13056], sizes = [1, 128], strides = [1, 1]} : vector<1x16384xf32> to vector<1x128xf32>
    %add3A_752 = arith.addf %add3A_750, %slice3A_751 : vector<1x128xf32>
    %slice3A_753 = vector.extract_strided_slice %mul3A_547 {offsets = [0, 13184], sizes = [1, 128], strides = [1, 1]} : vector<1x16384xf32> to vector<1x128xf32>
    %add3A_754 = arith.addf %add3A_752, %slice3A_753 : vector<1x128xf32>
    %slice3A_755 = vector.extract_strided_slice %mul3A_547 {offsets = [0, 13312], sizes = [1, 128], strides = [1, 1]} : vector<1x16384xf32> to vector<1x128xf32>
    %add3A_756 = arith.addf %add3A_754, %slice3A_755 : vector<1x128xf32>
    %slice3A_757 = vector.extract_strided_slice %mul3A_547 {offsets = [0, 13440], sizes = [1, 128], strides = [1, 1]} : vector<1x16384xf32> to vector<1x128xf32>
    %add3A_758 = arith.addf %add3A_756, %slice3A_757 : vector<1x128xf32>
    %slice3A_759 = vector.extract_strided_slice %mul3A_547 {offsets = [0, 13568], sizes = [1, 128], strides = [1, 1]} : vector<1x16384xf32> to vector<1x128xf32>
    %add3A_760 = arith.addf %add3A_758, %slice3A_759 : vector<1x128xf32>
    %slice3A_761 = vector.extract_strided_slice %mul3A_547 {offsets = [0, 13696], sizes = [1, 128], strides = [1, 1]} : vector<1x16384xf32> to vector<1x128xf32>
    %add3A_762 = arith.addf %add3A_760, %slice3A_761 : vector<1x128xf32>
    %slice3A_763 = vector.extract_strided_slice %mul3A_547 {offsets = [0, 13824], sizes = [1, 128], strides = [1, 1]} : vector<1x16384xf32> to vector<1x128xf32>
    %add3A_764 = arith.addf %add3A_762, %slice3A_763 : vector<1x128xf32>
    %slice3A_765 = vector.extract_strided_slice %mul3A_547 {offsets = [0, 13952], sizes = [1, 128], strides = [1, 1]} : vector<1x16384xf32> to vector<1x128xf32>
    %add3A_766 = arith.addf %add3A_764, %slice3A_765 : vector<1x128xf32>
    %slice3A_767 = vector.extract_strided_slice %mul3A_547 {offsets = [0, 14080], sizes = [1, 128], strides = [1, 1]} : vector<1x16384xf32> to vector<1x128xf32>
    %add3A_768 = arith.addf %add3A_766, %slice3A_767 : vector<1x128xf32>
    %slice3A_769 = vector.extract_strided_slice %mul3A_547 {offsets = [0, 14208], sizes = [1, 128], strides = [1, 1]} : vector<1x16384xf32> to vector<1x128xf32>
    %add3A_770 = arith.addf %add3A_768, %slice3A_769 : vector<1x128xf32>
    %slice3A_771 = vector.extract_strided_slice %mul3A_547 {offsets = [0, 14336], sizes = [1, 128], strides = [1, 1]} : vector<1x16384xf32> to vector<1x128xf32>
    %add3A_772 = arith.addf %add3A_770, %slice3A_771 : vector<1x128xf32>
    %slice3A_773 = vector.extract_strided_slice %mul3A_547 {offsets = [0, 14464], sizes = [1, 128], strides = [1, 1]} : vector<1x16384xf32> to vector<1x128xf32>
    %add3A_774 = arith.addf %add3A_772, %slice3A_773 : vector<1x128xf32>
    %slice3A_775 = vector.extract_strided_slice %mul3A_547 {offsets = [0, 14592], sizes = [1, 128], strides = [1, 1]} : vector<1x16384xf32> to vector<1x128xf32>
    %add3A_776 = arith.addf %add3A_774, %slice3A_775 : vector<1x128xf32>
    %slice3A_777 = vector.extract_strided_slice %mul3A_547 {offsets = [0, 14720], sizes = [1, 128], strides = [1, 1]} : vector<1x16384xf32> to vector<1x128xf32>
    %add3A_778 = arith.addf %add3A_776, %slice3A_777 : vector<1x128xf32>
    %slice3A_779 = vector.extract_strided_slice %mul3A_547 {offsets = [0, 14848], sizes = [1, 128], strides = [1, 1]} : vector<1x16384xf32> to vector<1x128xf32>
    %add3A_780 = arith.addf %add3A_778, %slice3A_779 : vector<1x128xf32>
    %slice3A_781 = vector.extract_strided_slice %mul3A_547 {offsets = [0, 14976], sizes = [1, 128], strides = [1, 1]} : vector<1x16384xf32> to vector<1x128xf32>
    %add3A_782 = arith.addf %add3A_780, %slice3A_781 : vector<1x128xf32>
    %slice3A_783 = vector.extract_strided_slice %mul3A_547 {offsets = [0, 15104], sizes = [1, 128], strides = [1, 1]} : vector<1x16384xf32> to vector<1x128xf32>
    %add3A_784 = arith.addf %add3A_782, %slice3A_783 : vector<1x128xf32>
    %slice3A_785 = vector.extract_strided_slice %mul3A_547 {offsets = [0, 15232], sizes = [1, 128], strides = [1, 1]} : vector<1x16384xf32> to vector<1x128xf32>
    %add3A_786 = arith.addf %add3A_784, %slice3A_785 : vector<1x128xf32>
    %slice3A_787 = vector.extract_strided_slice %mul3A_547 {offsets = [0, 15360], sizes = [1, 128], strides = [1, 1]} : vector<1x16384xf32> to vector<1x128xf32>
    %add3A_788 = arith.addf %add3A_786, %slice3A_787 : vector<1x128xf32>
    %slice3A_789 = vector.extract_strided_slice %mul3A_547 {offsets = [0, 15488], sizes = [1, 128], strides = [1, 1]} : vector<1x16384xf32> to vector<1x128xf32>
    %add3A_790 = arith.addf %add3A_788, %slice3A_789 : vector<1x128xf32>
    %slice3A_791 = vector.extract_strided_slice %mul3A_547 {offsets = [0, 15616], sizes = [1, 128], strides = [1, 1]} : vector<1x16384xf32> to vector<1x128xf32>
    %add3A_792 = arith.addf %add3A_790, %slice3A_791 : vector<1x128xf32>
    %slice3A_793 = vector.extract_strided_slice %mul3A_547 {offsets = [0, 15744], sizes = [1, 128], strides = [1, 1]} : vector<1x16384xf32> to vector<1x128xf32>
    %add3A_794 = arith.addf %add3A_792, %slice3A_793 : vector<1x128xf32>
    %slice3A_795 = vector.extract_strided_slice %mul3A_547 {offsets = [0, 15872], sizes = [1, 128], strides = [1, 1]} : vector<1x16384xf32> to vector<1x128xf32>
    %add3A_796 = arith.addf %add3A_794, %slice3A_795 : vector<1x128xf32>
    %slice3A_797 = vector.extract_strided_slice %mul3A_547 {offsets = [0, 16000], sizes = [1, 128], strides = [1, 1]} : vector<1x16384xf32> to vector<1x128xf32>
    %add3A_798 = arith.addf %add3A_796, %slice3A_797 : vector<1x128xf32>
    %slice3A_799 = vector.extract_strided_slice %mul3A_547 {offsets = [0, 16128], sizes = [1, 128], strides = [1, 1]} : vector<1x16384xf32> to vector<1x128xf32>
    %add3A_800 = arith.addf %add3A_798, %slice3A_799 : vector<1x128xf32>
    %slice3A_801 = vector.extract_strided_slice %mul3A_547 {offsets = [0, 16256], sizes = [1, 128], strides = [1, 1]} : vector<1x16384xf32> to vector<1x128xf32>
    %add3A_802 = arith.addf %add3A_800, %slice3A_801 : vector<1x128xf32>
    %add3A_803 = arith.addf %get3A_546, %add3A_802 : vector<1x128xf32>
    %swap3A_804 = arith.constant 0 : index
    %swap3A_805 = arith.constant 0 : index
    %swap3A_806 = vector.load %arg8[%swap3A_804, %swap3A_805] : memref<1x128xf32, #tpu.memory_space<vmem>>, vector<1x128xf32>
    tpu.vector_store %arg8[%swap3A_804, %swap3A_805], %add3A_803 {strides = array<i32>} : memref<1x128xf32, #tpu.memory_space<vmem>>, vector<1x128xf32>,
    %eq3A_807 = arith.constant 3 : i32
    %eq3A_808 = arith.cmpi eq, %arg0, %eq3A_807 : i32
    %convert_element_type3A_809 = arith.extui %eq3A_808 : i1 to i32
    %cond3A_810 = arith.constant 0 : i32
    %cond3A_811 = arith.cmpi ne, %convert_element_type3A_809, %cond3A_810 : i32
    scf.if %cond3A_811 {
      %get3A_812 = arith.constant 0 : index
      %get3A_813 = arith.constant 0 : index
      %get3A_814 = vector.load %arg6[%get3A_812, %get3A_813] : memref<80x128xf32, #tpu.memory_space<vmem>>, vector<80x128xf32>
      %reduce_sum3A_815 = arith.constant dense<0.000000e+00> : vector<80xf32>
      %reduce_sum3A_816 = vector.multi_reduction <add>, %get3A_814, %reduce_sum3A_815 [1] : vector<80x128xf32> to vector<80xf32>
      %broadcast_in_dim3A_817 = vector.shape_cast %reduce_sum3A_816 : vector<80xf32> to vector<80x1xf32>
      %transpose3A = tpu.transpose %broadcast_in_dim3A_817, [1, 0] : vector<80x1xf32> -> vector<1x80xf32>
      %get3A_818 = arith.constant 0 : index
      %get3A_819 = arith.constant 0 : index
      %get3A_820 = vector.load %arg7[%get3A_818, %get3A_819] : memref<80x128xf32, #tpu.memory_space<vmem>>, vector<80x128xf32>
      %reduce_sum3A_821 = arith.constant dense<0.000000e+00> : vector<80xf32>
      %reduce_sum3A_822 = vector.multi_reduction <add>, %get3A_820, %reduce_sum3A_821 [1] : vector<80x128xf32> to vector<80xf32>
      %broadcast_in_dim3A_823 = vector.shape_cast %reduce_sum3A_822 : vector<80xf32> to vector<80x1xf32>
      %transpose3A_824 = tpu.transpose %broadcast_in_dim3A_823, [1, 0] : vector<80x1xf32> -> vector<1x80xf32>
      %get3A_825 = arith.constant 0 : index
      %get3A_826 = arith.constant 0 : index
      %get3A_827 = vector.load %arg8[%get3A_825, %get3A_826] : memref<1x128xf32, #tpu.memory_space<vmem>>, vector<1x128xf32>
      %reduce_sum3A_828 = vector.shape_cast %get3A_827 : vector<1x128xf32> to vector<1x1x128xf32>
      %reduce_sum3A_829 = arith.constant dense<0.000000e+00> : vector<1xf32>
      %reduce_sum3A_830 = vector.multi_reduction <add>, %reduce_sum3A_828, %reduce_sum3A_829 [1, 2] : vector<1x1x128xf32> to vector<1xf32>
      %reduce_sum3A_831 = vector.shape_cast %reduce_sum3A_830 : vector<1xf32> to vector<1x1x1xf32>
      %reduce_sum3A_832 = vector.extract %reduce_sum3A_831[0, 0, 0] : f32 from vector<1x1x1xf32>
      %div3A = arith.constant 6.553600e+04 : f32
      %div3A_833 = arith.divf %reduce_sum3A_832, %div3A : f32
      %get3A_834 = arith.constant 0 : index
      %get3A_835 = arith.constant 0 : index
      %get3A_836 = vector.load %arg4[%get3A_834, %get3A_835] : memref<64x80xf32, #tpu.memory_space<vmem>>, vector<64x80xf32>
      %transpose3A_837 = tpu.transpose %get3A_836, [1, 0] : vector<64x80xf32> -> vector<80x64xf32>
      %mul3A_838 = arith.constant 1.000000e-01 : f32
      %mul3A_839 = arith.mulf %mul3A_838, %div3A_833 : f32
      %mul3A_840 = arith.mulf %transpose3A_837, %transpose3A_837 : vector<80x64xf32>
      %reduce_sum3A_841 = arith.constant dense<0.000000e+00> : vector<80xf32>
      %reduce_sum3A_842 = vector.multi_reduction <add>, %mul3A_840, %reduce_sum3A_841 [1] : vector<80x64xf32> to vector<80xf32>
      %broadcast_in_dim3A_843 = vector.shape_cast %reduce_sum3A_842 : vector<80xf32> to vector<80x1xf32>
      %add3A_844 = arith.constant 1.000000e-15 : f32
      %add3A_845 = vector.broadcast %add3A_844 : f32 to vector<80x1xf32>
      %add3A_846 = arith.addf %broadcast_in_dim3A_843, %add3A_845 : vector<80x1xf32>
      %sqrt3A = math.sqrt %add3A_846 : vector<80x1xf32>
      %gt3A = arith.constant 9.990000e-01 : f32
      %gt3A_847 = vector.broadcast %gt3A : f32 to vector<80x1xf32>
      %gt3A_848 = arith.cmpf ogt, %sqrt3A, %gt3A_847 : vector<80x1xf32>
      %div3A_849 = arith.constant 9.990000e-01 : f32
      %div3A_850 = vector.broadcast %div3A_849 : f32 to vector<80x1xf32>
      %div3A_851 = arith.divf %div3A_850, %sqrt3A : vector<80x1xf32>
      %jit3A_852 = arith.constant 1.000000e+00 : f32
      %broadcast_in_dim3A_853 = vector.broadcast %jit3A_852 : f32 to vector<80x1xf32>
      %select_n3A_854 = arith.select %gt3A_848, %div3A_851, %broadcast_in_dim3A_853 : vector<80x1xi1>, vector<80x1xf32>
      %mul3A_855 = vector.broadcast %select_n3A_854 : vector<80x1xf32> to vector<80x64xf32>
      %mul3A_856 = arith.mulf %transpose3A_837, %mul3A_855 : vector<80x64xf32>
      %dot_general3A = arith.constant dense<0.000000e+00> : vector<80x80xf32>
      %dot_general3A_857 = tpu.matmul %mul3A_856, %mul3A_856, %dot_general3A {dimension_numbers = #tpu.dot_dimension_numbers<[1], [1], [0], [0], [0, 0, 1, 0], [], []>, transpose_lhs_hint = false} : vector<80x64xf32>, vector<80x64xf32>, vector<80x80xf32> -> vector<80x80xf32>
      %iota3A_858 = tpu.iota {dimensions = array<i32: 0>} : vector<80x80xi32>
      %iota3A_859 = tpu.iota {dimensions = array<i32: 1>} : vector<80x80xi32>
      %eq3A_860 = arith.cmpi eq, %iota3A_858, %iota3A_859 : vector<80x80xi32>
      %convert_element_type3A_861 = arith.extui %eq3A_860 : vector<80x80xi1> to vector<80x80xi32>
      %convert_element_type3A_862 = arith.sitofp %convert_element_type3A_861 : vector<80x80xi32> to vector<80x80xf32>
      %mul3A_863 = arith.mulf %dot_general3A_857, %convert_element_type3A_862 : vector<80x80xf32>
      %reduce_sum3A_864 = arith.constant dense<0.000000e+00> : vector<80xf32>
      %reduce_sum3A_865 = vector.multi_reduction <add>, %mul3A_863, %reduce_sum3A_864 [1] : vector<80x80xf32> to vector<80xf32>
      %broadcast_in_dim3A_866 = vector.shape_cast %reduce_sum3A_865 : vector<80xf32> to vector<80x1xf32>
      %mul3A_867 = arith.mulf %dot_general3A_857, %convert_element_type3A_862 : vector<80x80xf32>
      %reduce_sum3A_868 = arith.constant dense<0.000000e+00> : vector<80xf32>
      %reduce_sum3A_869 = vector.multi_reduction <add>, %mul3A_867, %reduce_sum3A_868 [0] : vector<80x80xf32> to vector<80xf32>
      %broadcast_in_dim3A_870 = vector.shape_cast %reduce_sum3A_869 : vector<80xf32> to vector<1x80xf32>
      %mul3A_871 = arith.constant 2.000000e+00 : f32
      %mul3A_872 = vector.broadcast %mul3A_871 : f32 to vector<80x80xf32>
      %mul3A_873 = arith.mulf %mul3A_872, %dot_general3A_857 : vector<80x80xf32>
      %sub3A_874 = arith.constant 1.000000e+00 : f32
      %sub3A_875 = vector.broadcast %sub3A_874 : f32 to vector<80x80xf32>
      %sub3A_876 = arith.subf %sub3A_875, %mul3A_873 : vector<80x80xf32>
      %add3A_877 = vector.broadcast %broadcast_in_dim3A_870 : vector<1x80xf32> to vector<80x80xf32>
      %add3A_878 = arith.addf %sub3A_876, %add3A_877 : vector<80x80xf32>
      %sub3A_879 = arith.constant 1.000000e+00 : f32
      %sub3A_880 = vector.broadcast %sub3A_879 : f32 to vector<80x1xf32>
      %sub3A_881 = arith.subf %sub3A_880, %broadcast_in_dim3A_866 : vector<80x1xf32>
      %mul3A_882 = arith.mulf %add3A_878, %add3A_878 : vector<80x80xf32>
      %mul3A_883 = vector.broadcast %broadcast_in_dim3A_866 : vector<80x1xf32> to vector<80x80xf32>
      %mul3A_884 = arith.mulf %mul3A_882, %mul3A_883 : vector<80x80xf32>
      %mul3A_885 = arith.mulf %sub3A_881, %sub3A_881 : vector<80x1xf32>
      %mul3A_886 = vector.broadcast %mul3A_885 : vector<80x1xf32> to vector<80x80xf32>
      %mul3A_887 = vector.broadcast %broadcast_in_dim3A_870 : vector<1x80xf32> to vector<80x80xf32>
      %mul3A_888 = arith.mulf %mul3A_886, %mul3A_887 : vector<80x80xf32>
      %add3A_889 = arith.addf %mul3A_884, %mul3A_888 : vector<80x80xf32>
      %mul3A_890 = arith.constant 2.000000e+00 : f32
      %mul3A_891 = vector.broadcast %mul3A_890 : f32 to vector<80x80xf32>
      %mul3A_892 = arith.mulf %mul3A_891, %add3A_878 : vector<80x80xf32>
      %mul3A_893 = vector.broadcast %sub3A_881 : vector<80x1xf32> to vector<80x80xf32>
      %mul3A_894 = arith.mulf %mul3A_892, %mul3A_893 : vector<80x80xf32>
      %mul3A_895 = arith.mulf %mul3A_894, %dot_general3A_857 : vector<80x80xf32>
      %sub3A_896 = arith.subf %add3A_889, %mul3A_895 : vector<80x80xf32>
      %max3A = arith.constant 0.000000e+00 : f32
      %max3A_897 = vector.broadcast %max3A : f32 to vector<80x80xf32>
      %max3A_898 = arith.maximumf %sub3A_896, %max3A_897 : vector<80x80xf32>
      %mul3A_899 = arith.constant 2.000000e+00 : f32
      %mul3A_900 = vector.broadcast %mul3A_899 : f32 to vector<80x80xf32>
      %mul3A_901 = arith.mulf %mul3A_900, %dot_general3A_857 : vector<80x80xf32>
      %sub3A_902 = arith.constant 1.000000e+00 : f32
      %sub3A_903 = vector.broadcast %sub3A_902 : f32 to vector<80x80xf32>
      %sub3A_904 = arith.subf %sub3A_903, %mul3A_901 : vector<80x80xf32>
      %mul3A_905 = vector.broadcast %broadcast_in_dim3A_866 : vector<80x1xf32> to vector<80x80xf32>
      %mul3A_906 = vector.broadcast %broadcast_in_dim3A_870 : vector<1x80xf32> to vector<80x80xf32>
      %mul3A_907 = arith.mulf %mul3A_905, %mul3A_906 : vector<80x80xf32>
      %add3A_908 = arith.addf %sub3A_904, %mul3A_907 : vector<80x80xf32>
      %max3A_909 = arith.constant 1.000000e-15 : f32
      %max3A_910 = vector.broadcast %max3A_909 : f32 to vector<80x80xf32>
      %max3A_911 = arith.maximumf %add3A_908, %max3A_910 : vector<80x80xf32>
      %mul3A_912 = arith.mulf %max3A_911, %max3A_911 : vector<80x80xf32>
      %div3A_913 = arith.divf %max3A_898, %mul3A_912 : vector<80x80xf32>
      %add3A_914 = arith.constant 1.000000e-15 : f32
      %add3A_915 = vector.broadcast %add3A_914 : f32 to vector<80x80xf32>
      %add3A_916 = arith.addf %div3A_913, %add3A_915 : vector<80x80xf32>
      %sqrt3A_917 = math.sqrt %add3A_916 : vector<80x80xf32>
      %jit3A_918 = arith.constant 0.000000e+00 : f32
      %jit3A_919 = arith.constant 0.999989986 : f32
      %max3A_920 = vector.broadcast %jit3A_918 : f32 to vector<80x80xf32>
      %max3A_921 = arith.maximumf %max3A_920, %sqrt3A_917 : vector<80x80xf32>
      %min3A = vector.broadcast %jit3A_919 : f32 to vector<80x80xf32>
      %min3A_922 = arith.minimumf %min3A, %max3A_921 : vector<80x80xf32>
      %add3A_923 = arith.constant 1.000000e+00 : f32
      %add3A_924 = vector.broadcast %add3A_923 : f32 to vector<80x80xf32>
      %add3A_925 = arith.addf %add3A_924, %min3A_922 : vector<80x80xf32>
      %sub3A_926 = arith.constant 1.000000e+00 : f32
      %sub3A_927 = vector.broadcast %sub3A_926 : f32 to vector<80x80xf32>
      %sub3A_928 = arith.subf %sub3A_927, %min3A_922 : vector<80x80xf32>
      %div3A_929 = arith.divf %add3A_925, %sub3A_928 : vector<80x80xf32>
      %log3A_930 = math.log %div3A_929 : vector<80x80xf32>
      %sub3A_931 = arith.constant 1.000000e+00 : f32
      %sub3A_932 = vector.broadcast %sub3A_931 : f32 to vector<80x80xf32>
      %sub3A_933 = arith.subf %sub3A_932, %log3A_930 : vector<80x80xf32>
      %max3A_934 = arith.constant 0.000000e+00 : f32
      %max3A_935 = vector.broadcast %max3A_934 : f32 to vector<80x80xf32>
      %max3A_936 = arith.maximumf %sub3A_933, %max3A_935 : vector<80x80xf32>
      %sub3A_937 = arith.constant 1.000000e+00 : f32
      %sub3A_938 = vector.broadcast %sub3A_937 : f32 to vector<80x80xf32>
      %sub3A_939 = arith.subf %sub3A_938, %convert_element_type3A_862 : vector<80x80xf32>
      %mul3A_940 = arith.mulf %max3A_936, %sub3A_939 : vector<80x80xf32>
      %reduce_sum3A_941 = vector.shape_cast %mul3A_940 : vector<80x80xf32> to vector<1x80x80xf32>
      %reduce_sum3A_942 = arith.constant dense<0.000000e+00> : vector<1xf32>
      %reduce_sum3A_943 = vector.multi_reduction <add>, %reduce_sum3A_941, %reduce_sum3A_942 [1, 2] : vector<1x80x80xf32> to vector<1xf32>
      %reduce_sum3A_944 = vector.shape_cast %reduce_sum3A_943 : vector<1xf32> to vector<1x1x1xf32>
      %reduce_sum3A_945 = vector.extract %reduce_sum3A_944[0, 0, 0] : f32 from vector<1x1x1xf32>
      %div3A_946 = arith.constant 6.320000e+03 : f32
      %div3A_947 = arith.divf %reduce_sum3A_945, %div3A_946 : f32
      %add3A_948 = arith.addf %mul3A_839, %div3A_947 : f32
      %broadcast_in_dim3A_949 = vector.broadcast %add3A_948 : f32 to vector<1x80xf32>
      %concatenate3A = tpu.concatenate %transpose3A, %transpose3A_824, %broadcast_in_dim3A_949 in 0 : vector<1x80xf32>, vector<1x80xf32>, vector<1x80xf32> -> vector<3x80xf32>
      %swap3A_950 = arith.constant 0 : index
      %swap3A_951 = arith.constant 0 : index
      %swap3A_952 = vector.load %arg5[%swap3A_950, %swap3A_951] : memref<3x80xf32, #tpu.memory_space<vmem>>, vector<3x80xf32>
      tpu.vector_store %arg5[%swap3A_950, %swap3A_951], %concatenate3A {strides = array<i32>} : memref<3x80xf32, #tpu.memory_space<vmem>>, vector<3x80xf32>,
    } else {
    }
    return
  }
  func.func @transform_0(%arg0: i32) -> (i32, i32) {
    %c0_i32 = arith.constant 0 : i32
    %c0_i32_0 = arith.constant 0 : i32
    return %c0_i32, %arg0 : i32, i32
  }
  func.func @transform_1(%arg0: i32) -> (i32, i32, i32) {
    %c0_i32 = arith.constant 0 : i32
    %c0_i32_0 = arith.constant 0 : i32
    %c0_i32_1 = arith.constant 0 : i32
    return %arg0, %c0_i32, %c0_i32_0 : i32, i32, i32
  }
  func.func @transform_2(%arg0: i32) -> (i32, i32, i32) {
    %c0_i32 = arith.constant 0 : i32
    %c0_i32_0 = arith.constant 0 : i32
    %c0_i32_1 = arith.constant 0 : i32
    return %arg0, %c0_i32, %c0_i32_0 : i32, i32, i32
  }
  func.func @transform_3(%arg0: i32) -> (i32, i32) {
    %c0_i32 = arith.constant 0 : i32
    %c0_i32_0 = arith.constant 0 : i32
    %c0_i32_1 = arith.constant 0 : i32
    return %c0_i32, %c0_i32_0 : i32, i32
  }
  func.func @transform_4(%arg0: i32) -> (i32, i32) {
    %c0_i32 = arith.constant 0 : i32
    %c0_i32_0 = arith.constant 0 : i32
    %c0_i32_1 = arith.constant 0 : i32
    return %c0_i32, %c0_i32_0 : i32, i32
  }
}

</mosaic_0001>

<sc_bundles>
// kernel: kernel.5.cloned.1.call-start
scs
__scs_entry_jumppad:
0x0: {  	(pc) =	sbr.rel $0x88, $3  }
0x1: {  	(tag) =	ssettag $0x0;
	lr =	simm.s32 $0x1  }
0x2: {  	[smem:$0x3F9D] =	sst lr;
	_ =	strace $0xD0000000  }
0x3: {  	_ = 	snop  }
0x4: {  	_ = 	snop  }
0x5: {  	_ = 	snop  }
0x6: {  	_ = 	snop  }
0x7: {  	_ = 	snop  }
__scs_overlays_trampoline_lowered:
0x8: {  	[smem:$0x3FAC] =	sst s0  }
0x9: {  	[smem:$0x3FAD] =	sst s1  }
0xa: {  	[smem:$0x3FAE] =	sst s2  }
0xb: {  	[smem:$0x3FAF] =	sst s3  }
0xc: {  	[smem:$0x3FB0] =	sst s4  }
0xd: {  	[smem:$0x3FB1] =	sst s5  }
0xe: {  	[smem:$0x3FB2] =	sst s6  }
0xf: {  	[smem:$0x3FB3] =	sst s7  }
0x10: {  	[smem:$0x3FB4] =	sst s8  }
0x11: {  	[smem:$0x3FB5] =	sst s9;
	s0 =	simm.s32 @!p0 $0x0  }
0x12: {  	s1 =	sld [smem:$0x3F9B];
	s0 =	simm.s32 @p0 $0x1  }
0x13: {  	[smem:$0x3FB6] =	sst s0;
	s0 =	simm.s32 @!p1 $0x0  }
0x14: {  	s2 =	sld [smem:$0x3F9A];
	s0 =	simm.s32 @p1 $0x1  }
0x15: {  	[smem:$0x3FB7] =	sst s0;
	s0 =	simm.s32 @!p2 $0x0  }
0x16: {  	s3 =	sld [smem:$0x3FDB];
	s0 =	simm.s32 @p2 $0x1  }
0x17: {  	s4 =	simm.s32 $0x1BF5;
	[smem:$0x3FB9] =	sst s0  }
0x18: {  	s0 =	sld [smem:$0x3F9C];
	_ =	swait.ge [sflag:s4], $0x0  }
0x19: {  	s7 =	sld [smem:$0x3F9D]  }
0x1a: {  	s8 =	sadd.s32 $0xFFFFE003, lr  }
0x1b: {  	s9 =	sadd.s32 $0xFFFFFEF7, lr;
	s5 =	simm.s32 $0xFFFFFFFF;
	p2 =	slt.u32 s8, $0xFFFFF086  }
0x1c: {  	p1 =	slt.u32 s9, $0xF7A;
	s5 =	simm.s32 @!p2 $0x0  }
0x1d: {  	s5 =	simm.s32 @p1 $0x1;
	p0 =	seq.s32 s7, s2  }
0x1e: {  	s7 =	smul.u32 @!p0 $0xF7A, s2;
	p2 =	seq.s32 @!p0 s5, $0x0  }
0x1f: {  	s9 =	smul.u32 $0xF7A, s1;
	s8 =	simm.s32 @!p0 $0x1BF5;
	p2 =	por !p2, p0  }
0x20: {  	[sflag:s8] =	ssyncset.s32 @!p0 $0xFFFFF086;
	s6 =	sadd.s32 @!p0 s3, s7;
	s7 =	simm.s32 @!p0 $0x108  }
0x21: {  	s3 =	sadd.s32 s3, s9;
	s6 =	sadd.s32 @!p0 $0x88, s6;
	s7 =	simm.s32 @p2 $0x1082  }
0x22: {  	[simem:s7], [sflag:s8] =	dma.local @!p0 [hbm:s6], $0xF7A  }
0x23: {  	s9 =	sor.u32 $0xD0000000, s2;
	s6 =	simm.s32 $0x108;
	_ =	swait.ge @!p0 [sflag:s8], $0x0  }
0x24: {  	s3 =	sadd.s32 $0x88, s3;
	s6 =	simm.s32 @!p1 $0x1082;
	[sflag:s4] =	ssyncset.s32 $0xFFFFF086  }
0x25: {  	[simem:s6], [sflag:s4] =	dma.local [hbm:s3], $0xF7A  }
0x26: {  	[smem:$0x3F9D] =	sst s1;
	(tag) =	ssettag s2;
	_ =	strace s9  }
0x27: {  	s1 =	sld [smem:$0x3FAD]  }
0x28: {  	s2 =	sld [smem:$0x3FAE]  }
0x29: {  	s4 =	sld [smem:$0x3FB0]  }
0x2a: {  	p0 =	seq.s32 s5, $0x0;
	s5 =	sld [smem:$0x3FB1]  }
0x2b: {  	s6 =	sld [smem:$0x3FB2]  }
0x2c: {  	s7 =	sld [smem:$0x3FB3]  }
0x2d: {  	s3 =	simm.s32 $0x108;
	s8 =	sld [smem:$0x3FB4]  }
0x2e: {  	s3 =	simm.s32 @!p0 $0x1082;
	s9 =	sld [smem:$0x3FB5]  }
0x2f: {  	lr =	sadd.s32 s0, s3;
	s0 =	sld [smem:$0x3FAC]  }
0x30: {  	s3 =	sld [smem:$0x3FAF]  }
0x31: {  	[smem:$0x3FB8] =	sst s10  }
0x32: {  	s10 =	sld [smem:$0x3FB6];
	_ =	sdelay $0x3  }
0x33: {  	p0 =	seq.s32 s10, $0x1;
	s10 =	sld [smem:$0x3FB8];
	_ =	sdelay $0x3  }
0x34: {  	[smem:$0x3FB8] =	sst s10  }
0x35: {  	s10 =	sld [smem:$0x3FB7];
	_ =	sdelay $0x3  }
0x36: {  	p1 =	seq.s32 s10, $0x1;
	s10 =	sld [smem:$0x3FB8];
	_ =	sdelay $0x3  }
0x37: {  	[smem:$0x3FB8] =	sst s10  }
0x38: {  	s10 =	sld [smem:$0x3FB9]  }
0x39: {  	_ = 	snop;
	(pc) =	sbr.ind lr, $3  }
0x3a: {  	_ = 	snop  }
0x3b: {  	_ = 	snop  }
0x3c: {  	p2 =	seq.s32 s10, $0x1;
	s10 =	sld [smem:$0x3FB8]  }
0x3d: {  	_ =	shalt  }
0x3e: {  	_ =	shalt  }
0x3f: {  	_ =	shalt  }
0x40: {  	_ =	shalt  }
0x41: {  	_ =	shalt  }
0x42: {  	_ =	shalt  }
0x43: {  	_ =	shalt  }
0x44: {  	_ =	shalt  }
0x45: {  	_ =	shalt  }
0x46: {  	_ =	shalt  }
0x47: {  	_ =	shalt  }
0x48: {  	_ =	shalt  }
0x49: {  	_ =	shalt  }
0x4a: {  	_ =	shalt  }
0x4b: {  	_ =	shalt  }
0x4c: {  	_ =	shalt  }
0x4d: {  	_ =	shalt  }
0x4e: {  	_ =	shalt  }
0x4f: {  	_ =	shalt  }
0x50: {  	_ =	shalt  }
0x51: {  	_ =	shalt  }
0x52: {  	_ =	shalt  }
0x53: {  	_ =	shalt  }
0x54: {  	_ =	shalt  }
0x55: {  	_ =	shalt  }
0x56: {  	_ =	shalt  }
0x57: {  	_ =	shalt  }
0x58: {  	_ =	shalt  }
0x59: {  	_ =	shalt  }
0x5a: {  	_ =	shalt  }
0x5b: {  	_ =	shalt  }
0x5c: {  	_ =	shalt  }
0x5d: {  	_ =	shalt  }
0x5e: {  	_ =	shalt  }
0x5f: {  	_ =	shalt  }
0x60: {  	_ =	shalt  }
0x61: {  	_ =	shalt  }
0x62: {  	_ =	shalt  }
0x63: {  	_ =	shalt  }
0x64: {  	_ =	shalt  }
0x65: {  	_ =	shalt  }
0x66: {  	_ =	shalt  }
0x67: {  	_ =	shalt  }
0x68: {  	_ =	shalt  }
0x69: {  	_ =	shalt  }
0x6a: {  	_ =	shalt  }
0x6b: {  	_ =	shalt  }
0x6c: {  	_ =	shalt  }
0x6d: {  	_ =	shalt  }
0x6e: {  	_ =	shalt  }
0x6f: {  	_ =	shalt  }
0x70: {  	_ =	shalt  }
0x71: {  	_ =	shalt  }
0x72: {  	_ =	shalt  }
0x73: {  	_ =	shalt  }
0x74: {  	_ =	shalt  }
0x75: {  	_ =	shalt  }
0x76: {  	_ =	shalt  }
0x77: {  	_ =	shalt  }
0x78: {  	_ =	shalt  }
0x79: {  	_ =	shalt  }
0x7a: {  	_ =	shalt  }
0x7b: {  	_ =	shalt  }
0x7c: {  	_ =	shalt  }
0x7d: {  	_ =	shalt  }
0x7e: {  	_ =	shalt  }
0x7f: {  	_ =	shalt  }
0x80: {  	_ =	shalt  }
0x81: {  	_ =	shalt  }
0x82: {  	_ =	shalt  }
0x83: {  	_ =	shalt  }
0x84: {  	_ =	shalt  }
0x85: {  	_ =	shalt  }
0x86: {  	_ =	shalt  }
0x87: {  	_ =	shalt  }
.Lfunc_end0:
.L_simem_size_0:
called_computation_lowered:
.L_overlay_start_0:
0x88: {  	s0 =	sld [smem:$0x3FD9]  }
0x89: {  	s1 =	sld [smem:$0x3FFE];
	_ =	sdelay $0x3  }
0x8a: {  	s0 =	sadd.s32 s1, s0  }
0x8b: {  	[smem:$0x3FC4] =	sst s0  }
0x8c: {  	_ = 	snop  }
0x8d: {  	s0 =	sld [smem:$0x3FC8]  }
0x8e: {  	s17 =	sld [smem:$0x3FD0];
	(tm) =	ssettm $0x1  }
0x8f: {  	s2 =	sld [smem:$0x3FFB];
	_ =	sdelay $0x3  }
0x90: {  	_ =	strace s2  }
0x91: {  	s2 =	sld [smem:$0x3FFC];
	_ =	sdelay $0x3  }
0x92: {  	_ =	strace s2  }
0x93: {  	s2 =	sld [smem:$0x3FFD];
	_ =	sdelay $0x3  }
0x94: {  	_ =	strace s2  }
0x95: {  	_ =	strace $0x8FFFFFFF  }
0x96: {  	s18 =	sld [smem:$0x3FDB];
	_ =	sdelay $0x1  }
0x97: {  	s3 =	simm.s32 $_scs_section_size  }
0x98: {  	s4 =	simm.s32 $_size__tile_overlayer_lowered;
	s5 =	simm.s32 $_tile_overlayer_lowered  }
0x99: {  	s21 =	simm.s32 $0x1BFF;
	s20 =	sshll.u32 s5, $0x1;
	s2 =	sadd.s32 s3, s18  }
0x9a: {  	s6 =	simm.s32 $0x0;
	s19 =	sshll.u32 s4, $0x1;
	s4 =	sadd.s32 s20, s2  }
0x9b: {  	[timem:s6], [sflag:s21] =	dma.local [hbm:s4], s19  }
0x9c: {  	_ =	swait.ge [sflag:s21], s19  }
0x9d: {  	s3 =	ssub.s32 $0x0, s19;
	[sflag:s21] =	ssyncset.done $0x0  }
0x9e: {  	[sflag:s21] =	ssyncadd.s32 s3;
	_ =	sdelay $0x1  }
0x9f: {  	s22 =	simm.s32 $0x1B8B  }
0xa0: {  	_ =	swait.ge [sflag:s22], $0x1  }
0xa1: {  	[sflag:s22] =	ssyncset.done $0x0  }
0xa2: {  	s23 =	simm.s32 $0x1B8E;
	[sflag:s22] =	ssyncadd.s32 $0xFFFFFFFF  }
0xa3: {  	s24 =	simm.s32 $execute0_lowered;
	[smem:$0x3FD2] =	sst s23  }
0xa4: {  	s3 =	sshll.u32 s24, $0x1;
	_ =	strace $0x80000046;
	[dreg:$0x1] =	wrdreg $0xFFFFFFFF  }
0xa5: {  	s25 =	simm.s32 $_size_execute0_lowered;
	s2 =	sadd.s32 s2, s3;
	[dreg:$0x0] =	wrdreg $0x0  }
0xa6: {  	s3 =	sshll.u32 s25, $0x1;
	[dreg:$0x2] =	wrdreg s2  }
0xa7: {  	[dreg:$0x3] =	wrdreg s3  }
0xa8: {  	[dreg:$0x4] =	wrdreg $0xC0  }
0xa9: {  	_ =	task [dreg:s6], $0x5FFFF  }
0xaa: {  	[dreg:$0x1] =	wrdreg $0xFFFFFFFF  }
0xab: {  	[dreg:$0x0] =	wrdreg $0x60  }
0xac: {  	[dreg:$0x2] =	wrdreg s0  }
0xad: {  	[dreg:$0x3] =	wrdreg s17  }
0xae: {  	[dreg:$0x4] =	wrdreg $0x1D800  }
0xaf: {  	[dreg:$0x5] =	wrdreg $0x9  }
0xb0: {  	_ =	task.clear_ibuf [dreg:s6], $0x6FFFF;
	_ =	strace $0x90000046  }
0xb1: {  	s26 =	simm.s32 $0x9;
	_ =	strace $0x80000048  }
0xb2: {  	_ =	swait.ge [sflag:s26], $0x1  }
0xb3: {  	[sflag:s26] =	ssyncadd.s32 $0xFFFFFFFF  }
0xb4: {  	_ =	strace $0x90000048  }
0xb5: {  	_ =	sfence  }
0xb6: {  	s28 =	sld [smem:$0x0];
	_ =	sdelay $0x1  }
0xb7: {  	s29 =	srdreg.scid  }
0xb8: {  	s30 =	sshll.u32 s29, $0xD;
	s31 =	sshrl.u32 s29, $0x2  }
0xb9: {  	s1 =	sand.u32 $0x1, s29;
	s2 =	sand.u32 $0x4000, s30;
	s0 =	sadd.s32 s31, s28  }
0xba: {  	s1 =	sor.u32 s2, s1;
	s0 =	sshll.u32 s0, $0x11  }
0xbb: {  	s0 =	sor.u32 s0, s1  }
0xbc: {  	s0 =	sadd.s32 $0x8F2B, s0  }
0xbd: {  	[sflag:s0] =	ssyncadd.remote.s32 $0x1  }
0xbe: {  	_ =	sfence.sel $0xFFFF  }
0xbf: {  	[dreg:$0x0] =	wrdreg $0xFFFFFFFF;
	(pc) =	sbr.abs _section_cstart, $3  }
0xc0: {  	[dreg:$0x1] =	wrdreg $0xFFFFFFFF  }
0xc1: {  	_ =	task.clear_ibuf [dreg:s6], $0x2FFFF;
	_ =	strace $0x9FFFFFFF  }
0xc2: {  	(tm) =	ssettm $0x7FFFFFFF  }
0xc3: {  	_ =	shalt  }
tec
execute0_lowered:
.L_overlay_start_1:
0x0: {  	(tag) =	ssettag $0x1  }
0x1: {  	s3 =	rddreg [dreg:$0x0]  }
0x2: {  	s1 =	rddreg [dreg:$0x1]  }
0x3: {  	s4 =	rddreg [dreg:$0x2]  }
0x4: {  	s0 =	rddreg [dreg:$0x3];
	s2 =	simm.s32 $0x0;
	s5 =	stileid.u32  }
0x5: {  	[smem:$0x7FF] =	sst s2;
	s6 =	sshll.u32 s5, $0x9  }
0x6: {  	s31 =	simm.s32 $0x1;
	_ =	strace $0x80000047;
	s3 =	sadd.s32 s3, s6  }
0x7: {  	[tilespmem:s2], [sflag:$0x1] =	stream.linear.gather [hbm4b:s3+s2], $0x1000, $0x38;
	[tilespmem:$0x1DD0] =	vst v63  }
0x8: {  	_ =	swait.ge [sflag:s31], $0x1000  }
0x9: {  	[sflag:s31] =	ssyncset.done $0x0  }
0xa: {  	v0 =	vimm.f32 $0.0e+00;
	[sflag:s31] =	ssyncadd.s32 $0xFFFFF000  }
0xb: {  	[tilespmem:$0x1000] =	vst v0  }
0xc: {  	[tilespmem:$0x1080] =	vst v0  }
0xd: {  	[tilespmem:$0x1100] =	vst v0  }
0xe: {  	[tilespmem:$0x1180] =	vst v0  }
0xf: {  	[tilespmem:$0x1200] =	vst v0  }
0x10: {  	[tilespmem:$0x1280] =	vst v0  }
0x11: {  	[tilespmem:$0x1300] =	vst v0  }
0x12: {  	[tilespmem:$0x1380] =	vst v0  }
0x13: {  	[tilespmem:$0x1400] =	vst v0  }
0x14: {  	[tilespmem:$0x1480] =	vst v0  }
0x15: {  	[tilespmem:$0x1500] =	vst v0  }
0x16: {  	[tilespmem:$0x1580] =	vst v0  }
0x17: {  	[tilespmem:$0x1600] =	vst v0  }
0x18: {  	[tilespmem:$0x1680] =	vst v0  }
0x19: {  	[tilespmem:$0x1700] =	vst v0  }
0x1a: {  	[tilespmem:$0x1780] =	vst v0  }
0x1b: {  	[tilespmem:$0x1010] =	vst v0  }
0x1c: {  	[tilespmem:$0x1090] =	vst v0  }
0x1d: {  	[tilespmem:$0x1110] =	vst v0  }
0x1e: {  	[tilespmem:$0x1190] =	vst v0  }
0x1f: {  	[tilespmem:$0x1210] =	vst v0  }
0x20: {  	[tilespmem:$0x1290] =	vst v0  }
0x21: {  	[tilespmem:$0x1310] =	vst v0  }
0x22: {  	[tilespmem:$0x1390] =	vst v0  }
0x23: {  	[tilespmem:$0x1410] =	vst v0  }
0x24: {  	[tilespmem:$0x1490] =	vst v0  }
0x25: {  	[tilespmem:$0x1510] =	vst v0  }
0x26: {  	[tilespmem:$0x1590] =	vst v0  }
0x27: {  	[tilespmem:$0x1610] =	vst v0  }
0x28: {  	[tilespmem:$0x1690] =	vst v0  }
0x29: {  	[tilespmem:$0x1710] =	vst v0  }
0x2a: {  	[tilespmem:$0x1790] =	vst v0  }
0x2b: {  	[tilespmem:$0x1020] =	vst v0  }
0x2c: {  	[tilespmem:$0x10A0] =	vst v0  }
0x2d: {  	[tilespmem:$0x1120] =	vst v0  }
0x2e: {  	[tilespmem:$0x11A0] =	vst v0  }
0x2f: {  	[tilespmem:$0x1220] =	vst v0  }
0x30: {  	[tilespmem:$0x12A0] =	vst v0  }
0x31: {  	[tilespmem:$0x1320] =	vst v0  }
0x32: {  	[tilespmem:$0x13A0] =	vst v0  }
0x33: {  	[tilespmem:$0x1420] =	vst v0  }
0x34: {  	[tilespmem:$0x14A0] =	vst v0  }
0x35: {  	[tilespmem:$0x1520] =	vst v0  }
0x36: {  	[tilespmem:$0x15A0] =	vst v0  }
0x37: {  	[tilespmem:$0x1620] =	vst v0  }
0x38: {  	[tilespmem:$0x16A0] =	vst v0  }
0x39: {  	[tilespmem:$0x1720] =	vst v0  }
0x3a: {  	[tilespmem:$0x17A0] =	vst v0  }
0x3b: {  	[tilespmem:$0x1030] =	vst v0  }
0x3c: {  	[tilespmem:$0x10B0] =	vst v0  }
0x3d: {  	[tilespmem:$0x1130] =	vst v0  }
0x3e: {  	[tilespmem:$0x11B0] =	vst v0  }
0x3f: {  	[tilespmem:$0x1230] =	vst v0  }
0x40: {  	[tilespmem:$0x12B0] =	vst v0  }
0x41: {  	[tilespmem:$0x1330] =	vst v0  }
0x42: {  	[tilespmem:$0x13B0] =	vst v0  }
0x43: {  	[tilespmem:$0x1430] =	vst v0  }
0x44: {  	[tilespmem:$0x14B0] =	vst v0  }
0x45: {  	[tilespmem:$0x1530] =	vst v0  }
0x46: {  	[tilespmem:$0x15B0] =	vst v0  }
0x47: {  	[tilespmem:$0x1630] =	vst v0  }
0x48: {  	[tilespmem:$0x16B0] =	vst v0  }
0x49: {  	[tilespmem:$0x1730] =	vst v0  }
0x4a: {  	[tilespmem:$0x17B0] =	vst v0  }
0x4b: {  	[tilespmem:$0x1040] =	vst v0  }
0x4c: {  	[tilespmem:$0x10C0] =	vst v0  }
0x4d: {  	[tilespmem:$0x1140] =	vst v0  }
0x4e: {  	[tilespmem:$0x11C0] =	vst v0  }
0x4f: {  	[tilespmem:$0x1240] =	vst v0  }
0x50: {  	[tilespmem:$0x12C0] =	vst v0  }
0x51: {  	[tilespmem:$0x1340] =	vst v0  }
0x52: {  	[tilespmem:$0x13C0] =	vst v0  }
0x53: {  	[tilespmem:$0x1440] =	vst v0  }
0x54: {  	[tilespmem:$0x14C0] =	vst v0  }
0x55: {  	[tilespmem:$0x1540] =	vst v0  }
0x56: {  	[tilespmem:$0x15C0] =	vst v0  }
0x57: {  	[tilespmem:$0x1640] =	vst v0  }
0x58: {  	[tilespmem:$0x16C0] =	vst v0  }
0x59: {  	[tilespmem:$0x1740] =	vst v0  }
0x5a: {  	[tilespmem:$0x17C0] =	vst v0  }
0x5b: {  	[tilespmem:$0x1050] =	vst v0  }
0x5c: {  	[tilespmem:$0x10D0] =	vst v0  }
0x5d: {  	[tilespmem:$0x1150] =	vst v0  }
0x5e: {  	[tilespmem:$0x11D0] =	vst v0  }
0x5f: {  	[tilespmem:$0x1250] =	vst v0  }
0x60: {  	[tilespmem:$0x12D0] =	vst v0  }
0x61: {  	[tilespmem:$0x1350] =	vst v0  }
0x62: {  	[tilespmem:$0x13D0] =	vst v0  }
0x63: {  	[tilespmem:$0x1450] =	vst v0  }
0x64: {  	[tilespmem:$0x14D0] =	vst v0  }
0x65: {  	[tilespmem:$0x1550] =	vst v0  }
0x66: {  	[tilespmem:$0x15D0] =	vst v0  }
0x67: {  	[tilespmem:$0x1650] =	vst v0  }
0x68: {  	[tilespmem:$0x16D0] =	vst v0  }
0x69: {  	[tilespmem:$0x1750] =	vst v0  }
0x6a: {  	[tilespmem:$0x17D0] =	vst v0  }
0x6b: {  	[tilespmem:$0x1060] =	vst v0  }
0x6c: {  	[tilespmem:$0x10E0] =	vst v0  }
0x6d: {  	[tilespmem:$0x1160] =	vst v0  }
0x6e: {  	[tilespmem:$0x11E0] =	vst v0  }
0x6f: {  	[tilespmem:$0x1260] =	vst v0  }
0x70: {  	[tilespmem:$0x12E0] =	vst v0  }
0x71: {  	[tilespmem:$0x1360] =	vst v0  }
0x72: {  	[tilespmem:$0x13E0] =	vst v0  }
0x73: {  	[tilespmem:$0x1460] =	vst v0  }
0x74: {  	[tilespmem:$0x14E0] =	vst v0  }
0x75: {  	[tilespmem:$0x1560] =	vst v0  }
0x76: {  	[tilespmem:$0x15E0] =	vst v0  }
0x77: {  	[tilespmem:$0x1660] =	vst v0  }
0x78: {  	[tilespmem:$0x16E0] =	vst v0  }
0x79: {  	[tilespmem:$0x1760] =	vst v0  }
0x7a: {  	[tilespmem:$0x17E0] =	vst v0  }
0x7b: {  	[tilespmem:$0x1070] =	vst v0  }
0x7c: {  	[tilespmem:$0x10F0] =	vst v0  }
0x7d: {  	[tilespmem:$0x1170] =	vst v0  }
0x7e: {  	[tilespmem:$0x11F0] =	vst v0  }
0x7f: {  	[tilespmem:$0x1270] =	vst v0  }
0x80: {  	[tilespmem:$0x12F0] =	vst v0  }
0x81: {  	[tilespmem:$0x1370] =	vst v0  }
0x82: {  	[tilespmem:$0x13F0] =	vst v0  }
0x83: {  	[tilespmem:$0x1470] =	vst v0  }
0x84: {  	[tilespmem:$0x14F0] =	vst v0  }
0x85: {  	[tilespmem:$0x1570] =	vst v0  }
0x86: {  	[tilespmem:$0x15F0] =	vst v0  }
0x87: {  	[tilespmem:$0x1670] =	vst v0  }
0x88: {  	[tilespmem:$0x16F0] =	vst v0  }
0x89: {  	v1 =	vlaneseq.u32;
	[tilespmem:$0x1770] =	vst v0  }
0x8a: {  	s3 =	simm.s32 $0x1000;
	[tilespmem:$0x17F0] =	vst v0;
	v0 =	vmul.u32 $0x80, v1;
	v1 =	vimm.f32 $1.000000000e+00  }
.LBB2_1:
0x8b: {  	s6 =	sshra.s32 s2, $0x2  }
0x8c: {  	v2 =	vld [tilespmem:s6+$0x0];
	_ =	sdelay $0x4  }
0x8d: {  	v2 =	vadd.s32 v0, v2;
	_ =	sdelay $0x4  }
0x8e: {  	[tilespmem:v2+s3+$0x0] =	vst.idx.add.f32.msk $0xffff, v1  }
0x8f: {  	v2 =	vld [tilespmem:s6+$0x10];
	_ =	sdelay $0x4  }
0x90: {  	v2 =	vadd.s32 v0, v2;
	_ =	sdelay $0x4  }
0x91: {  	[tilespmem:v2+s3+$0x0] =	vst.idx.add.f32.msk $0xffff, v1  }
0x92: {  	v2 =	vld [tilespmem:s6+$0x20];
	_ =	sdelay $0x4  }
0x93: {  	v2 =	vadd.s32 v0, v2;
	_ =	sdelay $0x4  }
0x94: {  	[tilespmem:v2+s3+$0x0] =	vst.idx.add.f32.msk $0xffff, v1  }
0x95: {  	v2 =	vld [tilespmem:s6+$0x30];
	_ =	sdelay $0x4  }
0x96: {  	v2 =	vadd.s32 v0, v2;
	_ =	sdelay $0x4  }
0x97: {  	[tilespmem:v2+s3+$0x0] =	vst.idx.add.f32.msk $0xffff, v1  }
0x98: {  	v2 =	vld [tilespmem:s6+$0x40];
	_ =	sdelay $0x4  }
0x99: {  	v2 =	vadd.s32 v0, v2;
	_ =	sdelay $0x4  }
0x9a: {  	[tilespmem:v2+s3+$0x0] =	vst.idx.add.f32.msk $0xffff, v1  }
0x9b: {  	v2 =	vld [tilespmem:s6+$0x50];
	_ =	sdelay $0x4  }
0x9c: {  	v2 =	vadd.s32 v0, v2;
	_ =	sdelay $0x4  }
0x9d: {  	[tilespmem:v2+s3+$0x0] =	vst.idx.add.f32.msk $0xffff, v1  }
0x9e: {  	v2 =	vld [tilespmem:s6+$0x60];
	_ =	sdelay $0x4  }
0x9f: {  	v2 =	vadd.s32 v0, v2;
	_ =	sdelay $0x4  }
0xa0: {  	[tilespmem:v2+s3+$0x0] =	vst.idx.add.f32.msk $0xffff, v1  }
0xa1: {  	v2 =	vld [tilespmem:s6+$0x70];
	_ =	sdelay $0x4  }
0xa2: {  	p0 =	sne.s32 s2, $0x3E00;
	v2 =	vadd.s32 v0, v2  }
.Ltmp0:
0xa3: {  	_ = 	snop;
	(pc) =	sbr.rel @p0 .LBB2_1-.Ltmp0, $2  }
0xa4: {  	_ =	sdelay $0x2  }
0xa5: {  	s2 =	sadd.s32 $0x200, s2;
	[tilespmem:v2+s3+$0x0] =	vst.idx.add.f32.msk $0xffff, v1  }
0xa6: {  	v0 =	vld [tilespmem:$0x1000]  }
0xa7: {  	v1 =	vld [tilespmem:$0x1080]  }
0xa8: {  	v2 =	vld [tilespmem:$0x1100]  }
0xa9: {  	v3 =	vld [tilespmem:$0x1180]  }
0xaa: {  	v4 =	vld [tilespmem:$0x1200]  }
0xab: {  	v5 =	vld [tilespmem:$0x1280]  }
0xac: {  	v6 =	vld [tilespmem:$0x1300]  }
0xad: {  	v7 =	vld [tilespmem:$0x1380]  }
0xae: {  	v8 =	vld [tilespmem:$0x1400]  }
0xaf: {  	v9 =	vld [tilespmem:$0x1480]  }
0xb0: {  	v10 =	vld [tilespmem:$0x1500]  }
0xb1: {  	v11 =	vld [tilespmem:$0x1580]  }
0xb2: {  	v12 =	vld [tilespmem:$0x1600]  }
0xb3: {  	v13 =	vld [tilespmem:$0x1680]  }
0xb4: {  	v14 =	vld [tilespmem:$0x1700]  }
0xb5: {  	v15 =	vld [tilespmem:$0x1780]  }
0xb6: {  	v16 =	vld [tilespmem:$0x1010]  }
0xb7: {  	v17 =	vld [tilespmem:$0x1090]  }
0xb8: {  	v18 =	vld [tilespmem:$0x1110]  }
0xb9: {  	v19 =	vld [tilespmem:$0x1190]  }
0xba: {  	v20 =	vld [tilespmem:$0x1210]  }
0xbb: {  	v21 =	vld [tilespmem:$0x1290]  }
0xbc: {  	v22 =	vld [tilespmem:$0x1310]  }
0xbd: {  	v23 =	vld [tilespmem:$0x1390]  }
0xbe: {  	v24 =	vld [tilespmem:$0x1410]  }
0xbf: {  	v25 =	vld [tilespmem:$0x1490]  }
0xc0: {  	v26 =	vld [tilespmem:$0x1590]  }
0xc1: {  	v27 =	vld [tilespmem:$0x1690]  }
0xc2: {  	v28 =	vld [tilespmem:$0x1790]  }
0xc3: {  	v50 =	vld [tilespmem:$0x1020]  }
0xc4: {  	v29 =	vld [tilespmem:$0x10A0]  }
0xc5: {  	v51 =	vld [tilespmem:$0x1120]  }
0xc6: {  	v30 =	vld [tilespmem:$0x11A0]  }
0xc7: {  	v52 =	vld [tilespmem:$0x1220]  }
0xc8: {  	v31 =	vld [tilespmem:$0x12A0];
	v0 =	vadd.f32 v1, v0  }
0xc9: {  	v53 =	vld [tilespmem:$0x1320]  }
0xca: {  	v32 =	vld [tilespmem:$0x13A0];
	v0 =	vadd.f32 v2, v0  }
0xcb: {  	v54 =	vld [tilespmem:$0x1420]  }
0xcc: {  	v33 =	vld [tilespmem:$0x14A0];
	v0 =	vadd.f32 v3, v0  }
0xcd: {  	v55 =	vld [tilespmem:$0x1520]  }
0xce: {  	v34 =	vld [tilespmem:$0x15A0];
	v0 =	vadd.f32 v4, v0  }
0xcf: {  	v35 =	vld [tilespmem:$0x16A0]  }
0xd0: {  	v36 =	vld [tilespmem:$0x17A0];
	v0 =	vadd.f32 v5, v0  }
0xd1: {  	v56 =	vld [tilespmem:$0x1030]  }
0xd2: {  	v37 =	vld [tilespmem:$0x10B0];
	v0 =	vadd.f32 v6, v0  }
0xd3: {  	v57 =	vld [tilespmem:$0x1040]  }
0xd4: {  	v38 =	vld [tilespmem:$0x10C0];
	v0 =	vadd.f32 v7, v0  }
0xd5: {  	v58 =	vld [tilespmem:$0x1130]  }
0xd6: {  	v59 =	vld [tilespmem:$0x1140];
	v0 =	vadd.f32 v8, v0  }
0xd7: {  	v60 =	vld [tilespmem:$0x11B0];
	v16 =	vadd.f32 v17, v16  }
0xd8: {  	v61 =	vld [tilespmem:$0x11C0];
	v0 =	vadd.f32 v9, v0  }
0xd9: {  	v63 =	vld [tilespmem:$0x1230];
	v16 =	vadd.f32 v18, v16;
	v4 =	vadd.f32 v29, v50  }
0xda: {  	v39 =	vld [tilespmem:$0x1340];
	v0 =	vadd.f32 v10, v0  }
0xdb: {  	v40 =	vld [tilespmem:$0x13B0];
	v16 =	vadd.f32 v19, v16;
	v4 =	vadd.f32 v51, v4  }
0xdc: {  	v41 =	vld [tilespmem:$0x13C0];
	v62 =	vadd.f32 v38, v57;
	v0 =	vadd.f32 v11, v0  }
0xdd: {  	v42 =	vld [tilespmem:$0x1430];
	v16 =	vadd.f32 v20, v16;
	v4 =	vadd.f32 v30, v4  }
0xde: {  	v29 =	vld [tilespmem:$0x1240];
	v0 =	vadd.f32 v12, v0;
	v12 =	vadd.f32 v37, v56  }
0xdf: {  	v44 =	vld [tilespmem:$0x1440];
	v5 =	vadd.f32 v59, v62;
	v16 =	vadd.f32 v21, v16  }
0xe0: {  	v4 =	vadd.f32 v52, v4;
	v37 =	vld [tilespmem:$0x12C0];
	v12 =	vadd.f32 v58, v12  }
0xe1: {  	v30 =	vld [tilespmem:$0x12B0];
	v5 =	vadd.f32 v61, v5;
	v16 =	vadd.f32 v22, v16  }
0xe2: {  	v45 =	vld [tilespmem:$0x14B0];
	v4 =	vadd.f32 v31, v4;
	v12 =	vadd.f32 v60, v12  }
0xe3: {  	v38 =	vld [tilespmem:$0x1330];
	v5 =	vadd.f32 v29, v5;
	v43 =	vadd.f32 v23, v16  }
0xe4: {  	v46 =	vld [tilespmem:$0x14C0];
	v4 =	vadd.f32 v53, v4;
	v12 =	vadd.f32 v63, v12  }
0xe5: {  	v47 =	vld [tilespmem:$0x1530];
	v0 =	vadd.f32 v13, v0;
	v5 =	vadd.f32 v37, v5  }
0xe6: {  	v48 =	vld [tilespmem:$0x1540];
	v4 =	vadd.f32 v32, v4;
	v12 =	vadd.f32 v30, v12  }
0xe7: {  	v49 =	vld [tilespmem:$0x15B0];
	v0 =	vadd.f32 v14, v0;
	v5 =	vadd.f32 v39, v5  }
0xe8: {  	v1 =	vld [tilespmem:$0x1510];
	v4 =	vadd.f32 v54, v4;
	v6 =	vadd.f32 v38, v12  }
0xe9: {  	v2 =	vld [tilespmem:$0x1610];
	v0 =	vadd.f32 v15, v0;
	v5 =	vadd.f32 v41, v5  }
0xea: {  	v3 =	vld [tilespmem:$0x1710];
	v15 =	vadd.f32 v24, v43;
	v6 =	vadd.f32 v40, v6  }
0xeb: {  	v50 =	vld [tilespmem:$0x15C0];
	v4 =	vadd.f32 v33, v4;
	v5 =	vadd.f32 v44, v5  }
0xec: {  	v10 =	vld [tilespmem:$0x1620];
	v15 =	vadd.f32 v25, v15;
	v6 =	vadd.f32 v42, v6  }
0xed: {  	v51 =	vld [tilespmem:$0x1630];
	v4 =	vadd.f32 v55, v4;
	v5 =	vadd.f32 v46, v5  }
0xee: {  	v52 =	vld [tilespmem:$0x1640];
	v1 =	vadd.f32 v1, v15;
	v6 =	vadd.f32 v45, v6  }
0xef: {  	v11 =	vld [tilespmem:$0x1720];
	v4 =	vadd.f32 v34, v4;
	v5 =	vadd.f32 v48, v5  }
0xf0: {  	v55 =	vld [tilespmem:$0x16C0];
	v1 =	vadd.f32 v26, v1;
	v6 =	vadd.f32 v47, v6  }
0xf1: {  	v53 =	vld [tilespmem:$0x16B0];
	v4 =	vadd.f32 v10, v4;
	v5 =	vadd.f32 v50, v5  }
0xf2: {  	v57 =	vld [tilespmem:$0x1740];
	v1 =	vadd.f32 v2, v1;
	v54 =	vadd.f32 v49, v6  }
0xf3: {  	v56 =	vld [tilespmem:$0x1730];
	v4 =	vadd.f32 v35, v4;
	v5 =	vadd.f32 v52, v5  }
0xf4: {  	v59 =	vld [tilespmem:$0x17C0];
	v1 =	vadd.f32 v27, v1;
	v2 =	vadd.f32 v51, v54  }
0xf5: {  	v58 =	vld [tilespmem:$0x17B0];
	v4 =	vadd.f32 v11, v4;
	v5 =	vadd.f32 v55, v5  }
0xf6: {  	v1 =	vadd.f32 v3, v1;
	v2 =	vadd.f32 v53, v2  }
0xf7: {  	v60 =	vadd.f32 v36, v4;
	v61 =	vadd.f32 v57, v5  }
0xf8: {  	[tilespmem:$0x1800] =	vst v0;
	v1 =	vadd.f32 v28, v1;
	v2 =	vadd.f32 v56, v2  }
0xf9: {  	s2 =	smul.u32 $0x140, s5;
	[tilespmem:$0x1820] =	vst v60;
	v63 =	vadd.f32 v59, v61  }
0xfa: {  	[tilespmem:$0x1810] =	vst v1;
	v62 =	vadd.f32 v58, v2  }
0xfb: {  	s2 =	sshrl.u32 s2, $0x2;
	[tilespmem:$0x1840] =	vst v63  }
0xfc: {  	s3 =	simm.s32 $0x1800;
	s2 =	sadd.s32 s2, s4;
	[tilespmem:$0x1830] =	vst v62  }
0xfd: {  	[spmem:s2] =	stream.linear.scatter [tilespmem:s3], [sflag:$0x1], $0x50, $0x38;
	[tilespmem:$0x1DD0] =	vst v63  }
0xfe: {  	s2 =	simm.s32 $0x1  }
0xff: {  	_ =	swait.ge [sflag:s2], $0x50  }
0x100: {  	[sflag:s2] =	ssyncset.done $0x0  }
0x101: {  	[sflag:s2] =	ssyncadd.s32 $0xFFFFFFB0  }
0x102: {  	p0 =	sne.s32 s5, $0x0;
	[bflag:$0x0] =	sbarrier.arrive $0xFFFF  }
0x103: {  	_ =	sfence.sel @p0 $0x180000  }
0x104: {  	[bflag:$0x0] =	sbarrier.arrive @p0 $0xFFFF  }
0x105: {  	_ =	strace @p0 $0x90000047  }
0x106: {  	[bflag:$0x2] =	sbarrier.arrive @p0 $0xFFFF  }
0x107: {  	_ =	shalt @p0  }
.LBB2_3:
0x108: {  	s5 =	simm.s32 $0x1880  }
0x109: {  	[tilespmem:s5], [sflag:$0x1] =	stream.linear.gather [spmem:s4], $0x500, $0x38;
	[tilespmem:$0x1DD0] =	vst v63  }
0x10a: {  	_ =	swait.ge [sflag:s2], $0x500  }
0x10b: {  	[sflag:s2] =	ssyncset.done $0x0  }
0x10c: {  	[sflag:s2] =	ssyncadd.s32 $0xFFFFFB00  }
0x10d: {  	v0 =	vld [tilespmem:$0x1880]  }
0x10e: {  	v1 =	vld [tilespmem:$0x18D0]  }
0x10f: {  	v2 =	vld [tilespmem:$0x1920]  }
0x110: {  	v3 =	vld [tilespmem:$0x1970]  }
0x111: {  	v4 =	vld [tilespmem:$0x19C0]  }
0x112: {  	v5 =	vld [tilespmem:$0x1A10]  }
0x113: {  	v6 =	vld [tilespmem:$0x1A60]  }
0x114: {  	v7 =	vld [tilespmem:$0x1AB0]  }
0x115: {  	v8 =	vld [tilespmem:$0x1B00]  }
0x116: {  	v9 =	vld [tilespmem:$0x1B50]  }
0x117: {  	v10 =	vld [tilespmem:$0x1BA0]  }
0x118: {  	v11 =	vld [tilespmem:$0x1BF0]  }
0x119: {  	v12 =	vld [tilespmem:$0x1C40]  }
0x11a: {  	v13 =	vld [tilespmem:$0x1C90]  }
0x11b: {  	v14 =	vld [tilespmem:$0x1CE0]  }
0x11c: {  	v15 =	vld [tilespmem:$0x1D30]  }
0x11d: {  	v16 =	vld [tilespmem:$0x1890]  }
0x11e: {  	v17 =	vld [tilespmem:$0x18E0]  }
0x11f: {  	v18 =	vld [tilespmem:$0x1930]  }
0x120: {  	v19 =	vld [tilespmem:$0x1980]  }
0x121: {  	v20 =	vld [tilespmem:$0x19D0]  }
0x122: {  	v21 =	vld [tilespmem:$0x1A20]  }
0x123: {  	v22 =	vld [tilespmem:$0x1A70]  }
0x124: {  	v23 =	vld [tilespmem:$0x1AC0]  }
0x125: {  	v24 =	vld [tilespmem:$0x1B10]  }
0x126: {  	v25 =	vld [tilespmem:$0x1B60]  }
0x127: {  	v26 =	vld [tilespmem:$0x1C00]  }
0x128: {  	v27 =	vld [tilespmem:$0x1CA0]  }
0x129: {  	v28 =	vld [tilespmem:$0x1D40]  }
0x12a: {  	v54 =	vld [tilespmem:$0x18A0]  }
0x12b: {  	v29 =	vld [tilespmem:$0x18F0]  }
0x12c: {  	v55 =	vld [tilespmem:$0x1940]  }
0x12d: {  	v30 =	vld [tilespmem:$0x1990]  }
0x12e: {  	v56 =	vld [tilespmem:$0x19E0];
	v0 =	vadd.f32 v1, v0  }
0x12f: {  	v31 =	vld [tilespmem:$0x1A30]  }
0x130: {  	v57 =	vld [tilespmem:$0x1A80];
	v0 =	vadd.f32 v2, v0  }
0x131: {  	v32 =	vld [tilespmem:$0x1AD0]  }
0x132: {  	v58 =	vld [tilespmem:$0x1B20];
	v0 =	vadd.f32 v3, v0  }
0x133: {  	v33 =	vld [tilespmem:$0x1B70]  }
0x134: {  	v59 =	vld [tilespmem:$0x1BC0];
	v0 =	vadd.f32 v4, v0  }
0x135: {  	v34 =	vld [tilespmem:$0x1C10]  }
0x136: {  	v35 =	vld [tilespmem:$0x1CB0];
	v0 =	vadd.f32 v5, v0  }
0x137: {  	v36 =	vld [tilespmem:$0x1D50]  }
0x138: {  	v60 =	vld [tilespmem:$0x18B0];
	v0 =	vadd.f32 v6, v0  }
0x139: {  	v37 =	vld [tilespmem:$0x1900]  }
0x13a: {  	v61 =	vld [tilespmem:$0x18C0];
	v0 =	vadd.f32 v7, v0  }
0x13b: {  	v38 =	vld [tilespmem:$0x1910]  }
0x13c: {  	v62 =	vld [tilespmem:$0x1950];
	v0 =	vadd.f32 v8, v0  }
0x13d: {  	v63 =	vld [tilespmem:$0x1960];
	v16 =	vadd.f32 v17, v16  }
0x13e: {  	v39 =	vld [tilespmem:$0x19B0];
	v0 =	vadd.f32 v9, v0  }
0x13f: {  	v41 =	vld [tilespmem:$0x19F0];
	v16 =	vadd.f32 v18, v16  }
0x140: {  	v42 =	vld [tilespmem:$0x1A00];
	v0 =	vadd.f32 v10, v0  }
0x141: {  	v43 =	vld [tilespmem:$0x1A40];
	v16 =	vadd.f32 v19, v16  }
0x142: {  	v44 =	vld [tilespmem:$0x1A50];
	v40 =	vadd.f32 v38, v61;
	v0 =	vadd.f32 v11, v0  }
0x143: {  	v4 =	vadd.f32 v29, v54;
	v29 =	vld [tilespmem:$0x19A0];
	v16 =	vadd.f32 v20, v16  }
0x144: {  	v45 =	vld [tilespmem:$0x1A90];
	v0 =	vadd.f32 v12, v0;
	v12 =	vadd.f32 v37, v60  }
0x145: {  	v46 =	vld [tilespmem:$0x1AA0];
	v4 =	vadd.f32 v55, v4;
	v5 =	vadd.f32 v63, v40  }
0x146: {  	v47 =	vld [tilespmem:$0x1AE0];
	v16 =	vadd.f32 v21, v16;
	v12 =	vadd.f32 v62, v12  }
0x147: {  	v48 =	vld [tilespmem:$0x1AF0];
	v4 =	vadd.f32 v30, v4;
	v5 =	vadd.f32 v39, v5  }
0x148: {  	v49 =	vld [tilespmem:$0x1B30];
	v16 =	vadd.f32 v22, v16;
	v12 =	vadd.f32 v29, v12  }
0x149: {  	v51 =	vld [tilespmem:$0x1B40];
	v4 =	vadd.f32 v56, v4;
	v5 =	vadd.f32 v42, v5  }
0x14a: {  	v52 =	vld [tilespmem:$0x1B80];
	v50 =	vadd.f32 v23, v16;
	v12 =	vadd.f32 v41, v12  }
0x14b: {  	v53 =	vld [tilespmem:$0x1B90];
	v4 =	vadd.f32 v31, v4;
	v0 =	vadd.f32 v13, v0  }
0x14c: {  	v1 =	vld [tilespmem:$0x1BB0];
	v5 =	vadd.f32 v44, v5;
	v12 =	vadd.f32 v43, v12  }
0x14d: {  	v2 =	vld [tilespmem:$0x1C50];
	v4 =	vadd.f32 v57, v4;
	v0 =	vadd.f32 v14, v0  }
0x14e: {  	v3 =	vld [tilespmem:$0x1CF0];
	v5 =	vadd.f32 v46, v5;
	v6 =	vadd.f32 v45, v12  }
0x14f: {  	v54 =	vld [tilespmem:$0x1BD0];
	v4 =	vadd.f32 v32, v4;
	v0 =	vadd.f32 v15, v0  }
0x150: {  	v55 =	vld [tilespmem:$0x1BE0];
	v15 =	vadd.f32 v24, v50;
	v6 =	vadd.f32 v47, v6  }
0x151: {  	v56 =	vld [tilespmem:$0x1C20];
	v5 =	vadd.f32 v48, v5;
	v4 =	vadd.f32 v58, v4  }
0x152: {  	v57 =	vld [tilespmem:$0x1C30];
	v15 =	vadd.f32 v25, v15;
	v6 =	vadd.f32 v49, v6  }
0x153: {  	v10 =	vld [tilespmem:$0x1C60];
	v5 =	vadd.f32 v51, v5;
	v4 =	vadd.f32 v33, v4  }
0x154: {  	v11 =	vld [tilespmem:$0x1D00];
	v1 =	vadd.f32 v1, v15;
	v6 =	vadd.f32 v52, v6  }
0x155: {  	v58 =	vld [tilespmem:$0x1C70];
	v5 =	vadd.f32 v53, v5;
	v4 =	vadd.f32 v59, v4  }
0x156: {  	v59 =	vld [tilespmem:$0x1C80];
	v1 =	vadd.f32 v26, v1;
	v6 =	vadd.f32 v54, v6  }
0x157: {  	v60 =	vld [tilespmem:$0x1CC0];
	v5 =	vadd.f32 v55, v5;
	v4 =	vadd.f32 v34, v4  }
0x158: {  	v62 =	vld [tilespmem:$0x1CD0];
	v1 =	vadd.f32 v2, v1;
	v61 =	vadd.f32 v56, v6  }
0x159: {  	v63 =	vld [tilespmem:$0x1D10];
	v5 =	vadd.f32 v57, v5;
	v4 =	vadd.f32 v10, v4  }
0x15a: {  	v16 =	vld [tilespmem:$0x1D20];
	v1 =	vadd.f32 v27, v1;
	v2 =	vadd.f32 v58, v61  }
0x15b: {  	v17 =	vld [tilespmem:$0x1D60];
	v5 =	vadd.f32 v59, v5;
	v4 =	vadd.f32 v35, v4  }
0x15c: {  	v18 =	vld [tilespmem:$0x1D70];
	v1 =	vadd.f32 v3, v1;
	v2 =	vadd.f32 v60, v2  }
0x15d: {  	v5 =	vadd.f32 v62, v5;
	v4 =	vadd.f32 v11, v4  }
0x15e: {  	v1 =	vadd.f32 v28, v1;
	v2 =	vadd.f32 v63, v2  }
0x15f: {  	v5 =	vadd.f32 v16, v5;
	v4 =	vadd.f32 v36, v4  }
0x160: {  	v0 =	vmax.f32 v0, $1.000000000e+00;
	v19 =	vmax.f32 v1, $1.000000000e+00;
	v20 =	vadd.f32 v17, v2  }
0x161: {  	v22 =	vadd.f32 v18, v5;
	v21 =	vmax.f32 v4, $1.000000000e+00;
	v23 =	vmax.f32 v0, v19  }
0x162: {  	v3 =	vmax.f32 v23, v21;
	v24 =	vmax.f32 v20, $1.000000000e+00  }
0x163: {  	v1 =	vmax.f32 v22, $1.000000000e+00;
	v25 =	vmax.f32 v3, v24  }
0x164: {  	(erf) = vrcp.f32 v0;
	v2 =	vmax.f32 v25, v1  }
0x165: {  	(xrf0) =	vmax.scan.msk.f32 $0xffff, v2;
	_ =	sdelay $0x5  }
0x166: {  	v26, _, _ =	vpop (xrf0)  }
0x167: {  	v3 =	vbroadcast v26, $0xF  }
0x168: {  	v27 =	vpop (erf)  }
0x169: {  	v0 =	vmul.f32 v3, v27;
	_ =	sdelay $0x1  }
0x16a: {  	(erf) = vrcp.f32 v0;
	_ =	sdelay $0x8  }
0x16b: {  	v28 =	vpop (erf)  }
0x16c: {  	v2 =	vmul.f32 v28, v0;
	_ =	sdelay $0x1  }
0x16d: {  	v2 =	vadd.f32 v2, v0;
	_ =	sdelay $0x1  }
0x16e: {  	v2 =	vmul.f32 $5.000000000e-01, v2;
	_ =	sdelay $0x1  }
0x16f: {  	(erf) = vrcp.f32 v2;
	_ =	sdelay $0x8  }
0x170: {  	v29 =	vpop (erf)  }
0x171: {  	v4 =	vmul.f32 v29, v0;
	_ =	sdelay $0x1  }
0x172: {  	v2 =	vadd.f32 v4, v2;
	_ =	sdelay $0x1  }
0x173: {  	v2 =	vmul.f32 $5.000000000e-01, v2;
	_ =	sdelay $0x1  }
0x174: {  	(erf) = vrcp.f32 v2;
	_ =	sdelay $0x8  }
0x175: {  	v30 =	vpop (erf)  }
0x176: {  	v4 =	vmul.f32 v30, v0;
	_ =	sdelay $0x1  }
0x177: {  	v2 =	vadd.f32 v4, v2;
	_ =	sdelay $0x1  }
0x178: {  	v2 =	vmul.f32 $5.000000000e-01, v2;
	_ =	sdelay $0x1  }
0x179: {  	(erf) = vrcp.f32 v2;
	_ =	sdelay $0x8  }
0x17a: {  	v31 =	vpop (erf)  }
0x17b: {  	v4 =	vmul.f32 v31, v0;
	_ =	sdelay $0x1  }
0x17c: {  	v2 =	vadd.f32 v4, v2;
	_ =	sdelay $0x1  }
0x17d: {  	v2 =	vmul.f32 $5.000000000e-01, v2;
	_ =	sdelay $0x1  }
0x17e: {  	(erf) = vrcp.f32 v2;
	_ =	sdelay $0x8  }
0x17f: {  	v32 =	vpop (erf)  }
0x180: {  	v4 =	vmul.f32 v32, v0;
	_ =	sdelay $0x1  }
0x181: {  	v2 =	vadd.f32 v4, v2;
	_ =	sdelay $0x1  }
0x182: {  	v2 =	vmul.f32 $5.000000000e-01, v2;
	_ =	sdelay $0x1  }
0x183: {  	(erf) = vrcp.f32 v2;
	_ =	sdelay $0x8  }
0x184: {  	v33 =	vpop (erf)  }
0x185: {  	v4 =	vmul.f32 v33, v0;
	_ =	sdelay $0x1  }
0x186: {  	v2 =	vadd.f32 v4, v2;
	_ =	sdelay $0x1  }
0x187: {  	v2 =	vmul.f32 $5.000000000e-01, v2;
	_ =	sdelay $0x1  }
0x188: {  	(erf) = vrcp.f32 v2;
	_ =	sdelay $0x8  }
0x189: {  	v34 =	vpop (erf)  }
0x18a: {  	v4 =	vmul.f32 v34, v0;
	_ =	sdelay $0x1  }
0x18b: {  	v2 =	vadd.f32 v4, v2;
	_ =	sdelay $0x1  }
0x18c: {  	v2 =	vmul.f32 $5.000000000e-01, v2;
	_ =	sdelay $0x1  }
0x18d: {  	(erf) = vrcp.f32 v2;
	_ =	sdelay $0x8  }
0x18e: {  	v35 =	vpop (erf)  }
0x18f: {  	v4 =	vmul.f32 v35, v0;
	_ =	sdelay $0x1  }
0x190: {  	v2 =	vadd.f32 v4, v2;
	_ =	sdelay $0x1  }
0x191: {  	v2 =	vmul.f32 $5.000000000e-01, v2;
	_ =	sdelay $0x1  }
0x192: {  	(erf) = vrcp.f32 v2;
	_ =	sdelay $0x8  }
0x193: {  	v36 =	vpop (erf)  }
0x194: {  	v4 =	vmul.f32 v36, v0;
	_ =	sdelay $0x1  }
0x195: {  	v2 =	vadd.f32 v4, v2;
	_ =	sdelay $0x1  }
0x196: {  	v2 =	vmul.f32 $5.000000000e-01, v2;
	_ =	sdelay $0x1  }
0x197: {  	(erf) = vrcp.f32 v2;
	_ =	sdelay $0x8  }
0x198: {  	v37 =	vpop (erf)  }
0x199: {  	v4 =	vmul.f32 v37, v0;
	_ =	sdelay $0x1  }
0x19a: {  	v2 =	vadd.f32 v4, v2;
	_ =	sdelay $0x1  }
0x19b: {  	v2 =	vmul.f32 $5.000000000e-01, v2;
	_ =	sdelay $0x1  }
0x19c: {  	(erf) = vrcp.f32 v2;
	_ =	sdelay $0x8  }
0x19d: {  	v38 =	vpop (erf)  }
0x19e: {  	v4 =	vmul.f32 v38, v0;
	_ =	sdelay $0x1  }
0x19f: {  	v2 =	vadd.f32 v4, v2;
	_ =	sdelay $0x1  }
0x1a0: {  	v2 =	vmul.f32 $5.000000000e-01, v2;
	_ =	sdelay $0x1  }
0x1a1: {  	(erf) = vrcp.f32 v2;
	_ =	sdelay $0x8  }
0x1a2: {  	v39 =	vpop (erf)  }
0x1a3: {  	v4 =	vmul.f32 v39, v0;
	_ =	sdelay $0x1  }
0x1a4: {  	v2 =	vadd.f32 v4, v2;
	_ =	sdelay $0x1  }
0x1a5: {  	v2 =	vmul.f32 $5.000000000e-01, v2;
	_ =	sdelay $0x1  }
0x1a6: {  	(erf) = vrcp.f32 v2;
	_ =	sdelay $0x8  }
0x1a7: {  	v40 =	vpop (erf)  }
0x1a8: {  	v4 =	vmul.f32 v40, v0;
	_ =	sdelay $0x1  }
0x1a9: {  	v2 =	vadd.f32 v4, v2;
	_ =	sdelay $0x1  }
0x1aa: {  	v2 =	vmul.f32 $5.000000000e-01, v2;
	_ =	sdelay $0x1  }
0x1ab: {  	(erf) = vrcp.f32 v2;
	_ =	sdelay $0x8  }
0x1ac: {  	v41 =	vpop (erf)  }
0x1ad: {  	v4 =	vmul.f32 v41, v0;
	_ =	sdelay $0x1  }
0x1ae: {  	v2 =	vadd.f32 v4, v2;
	_ =	sdelay $0x1  }
0x1af: {  	v2 =	vmul.f32 $5.000000000e-01, v2;
	_ =	sdelay $0x1  }
0x1b0: {  	(erf) = vrcp.f32 v2;
	_ =	sdelay $0x8  }
0x1b1: {  	v42 =	vpop (erf)  }
0x1b2: {  	v4 =	vmul.f32 v42, v0;
	_ =	sdelay $0x1  }
0x1b3: {  	v2 =	vadd.f32 v4, v2;
	_ =	sdelay $0x1  }
0x1b4: {  	v2 =	vmul.f32 $5.000000000e-01, v2;
	_ =	sdelay $0x1  }
0x1b5: {  	(erf) = vrcp.f32 v2  }
0x1b6: {  	(erf) = vrcp.f32 v19;
	_ =	sdelay $0x7  }
0x1b7: {  	v4 =	vpop (erf)  }
0x1b8: {  	v43 =	vpop (erf)  }
0x1b9: {  	v5 =	vmul.f32 v3, v43;
	_ =	sdelay $0x1  }
0x1ba: {  	(erf) = vrcp.f32 v5;
	_ =	sdelay $0x8  }
0x1bb: {  	v44 =	vpop (erf)  }
0x1bc: {  	v7 =	vmul.f32 v44, v5;
	_ =	sdelay $0x1  }
0x1bd: {  	v7 =	vadd.f32 v7, v5;
	_ =	sdelay $0x1  }
0x1be: {  	v7 =	vmul.f32 $5.000000000e-01, v7;
	_ =	sdelay $0x1  }
0x1bf: {  	(erf) = vrcp.f32 v7;
	_ =	sdelay $0x8  }
0x1c0: {  	v45 =	vpop (erf)  }
0x1c1: {  	v9 =	vmul.f32 v45, v5;
	_ =	sdelay $0x1  }
0x1c2: {  	v7 =	vadd.f32 v9, v7;
	_ =	sdelay $0x1  }
0x1c3: {  	v7 =	vmul.f32 $5.000000000e-01, v7;
	_ =	sdelay $0x1  }
0x1c4: {  	(erf) = vrcp.f32 v7;
	_ =	sdelay $0x8  }
0x1c5: {  	v46 =	vpop (erf)  }
0x1c6: {  	v9 =	vmul.f32 v46, v5;
	_ =	sdelay $0x1  }
0x1c7: {  	v7 =	vadd.f32 v9, v7;
	_ =	sdelay $0x1  }
0x1c8: {  	v7 =	vmul.f32 $5.000000000e-01, v7;
	_ =	sdelay $0x1  }
0x1c9: {  	(erf) = vrcp.f32 v7;
	_ =	sdelay $0x8  }
0x1ca: {  	v47 =	vpop (erf)  }
0x1cb: {  	v9 =	vmul.f32 v47, v5;
	_ =	sdelay $0x1  }
0x1cc: {  	v7 =	vadd.f32 v9, v7;
	_ =	sdelay $0x1  }
0x1cd: {  	v7 =	vmul.f32 $5.000000000e-01, v7;
	_ =	sdelay $0x1  }
0x1ce: {  	(erf) = vrcp.f32 v7;
	_ =	sdelay $0x8  }
0x1cf: {  	v48 =	vpop (erf)  }
0x1d0: {  	v9 =	vmul.f32 v48, v5;
	_ =	sdelay $0x1  }
0x1d1: {  	v7 =	vadd.f32 v9, v7;
	_ =	sdelay $0x1  }
0x1d2: {  	v7 =	vmul.f32 $5.000000000e-01, v7;
	_ =	sdelay $0x1  }
0x1d3: {  	(erf) = vrcp.f32 v7;
	_ =	sdelay $0x8  }
0x1d4: {  	v49 =	vpop (erf)  }
0x1d5: {  	v9 =	vmul.f32 v49, v5;
	_ =	sdelay $0x1  }
0x1d6: {  	v7 =	vadd.f32 v9, v7;
	_ =	sdelay $0x1  }
0x1d7: {  	v7 =	vmul.f32 $5.000000000e-01, v7;
	_ =	sdelay $0x1  }
0x1d8: {  	(erf) = vrcp.f32 v7;
	_ =	sdelay $0x8  }
0x1d9: {  	v50 =	vpop (erf)  }
0x1da: {  	v9 =	vmul.f32 v50, v5;
	_ =	sdelay $0x1  }
0x1db: {  	v7 =	vadd.f32 v9, v7;
	_ =	sdelay $0x1  }
0x1dc: {  	v7 =	vmul.f32 $5.000000000e-01, v7;
	_ =	sdelay $0x1  }
0x1dd: {  	(erf) = vrcp.f32 v7;
	_ =	sdelay $0x8  }
0x1de: {  	v51 =	vpop (erf)  }
0x1df: {  	v9 =	vmul.f32 v51, v5;
	_ =	sdelay $0x1  }
0x1e0: {  	v7 =	vadd.f32 v9, v7;
	_ =	sdelay $0x1  }
0x1e1: {  	v7 =	vmul.f32 $5.000000000e-01, v7;
	_ =	sdelay $0x1  }
0x1e2: {  	(erf) = vrcp.f32 v7;
	_ =	sdelay $0x8  }
0x1e3: {  	v52 =	vpop (erf)  }
0x1e4: {  	v9 =	vmul.f32 v52, v5;
	_ =	sdelay $0x1  }
0x1e5: {  	v7 =	vadd.f32 v9, v7;
	_ =	sdelay $0x1  }
0x1e6: {  	v7 =	vmul.f32 $5.000000000e-01, v7;
	_ =	sdelay $0x1  }
0x1e7: {  	(erf) = vrcp.f32 v7;
	_ =	sdelay $0x8  }
0x1e8: {  	v53 =	vpop (erf)  }
0x1e9: {  	v9 =	vmul.f32 v53, v5;
	_ =	sdelay $0x1  }
0x1ea: {  	v7 =	vadd.f32 v9, v7;
	_ =	sdelay $0x1  }
0x1eb: {  	v7 =	vmul.f32 $5.000000000e-01, v7;
	_ =	sdelay $0x1  }
0x1ec: {  	(erf) = vrcp.f32 v7;
	_ =	sdelay $0x8  }
0x1ed: {  	v54 =	vpop (erf)  }
0x1ee: {  	v9 =	vmul.f32 v54, v5;
	_ =	sdelay $0x1  }
0x1ef: {  	v7 =	vadd.f32 v9, v7;
	_ =	sdelay $0x1  }
0x1f0: {  	v7 =	vmul.f32 $5.000000000e-01, v7;
	_ =	sdelay $0x1  }
0x1f1: {  	(erf) = vrcp.f32 v7;
	_ =	sdelay $0x8  }
0x1f2: {  	v55 =	vpop (erf)  }
0x1f3: {  	v9 =	vmul.f32 v55, v5;
	_ =	sdelay $0x1  }
0x1f4: {  	v7 =	vadd.f32 v9, v7;
	_ =	sdelay $0x1  }
0x1f5: {  	v7 =	vmul.f32 $5.000000000e-01, v7;
	_ =	sdelay $0x1  }
0x1f6: {  	(erf) = vrcp.f32 v7;
	_ =	sdelay $0x8  }
0x1f7: {  	v56 =	vpop (erf)  }
0x1f8: {  	v9 =	vmul.f32 v56, v5;
	_ =	sdelay $0x1  }
0x1f9: {  	v7 =	vadd.f32 v9, v7;
	_ =	sdelay $0x1  }
0x1fa: {  	v7 =	vmul.f32 $5.000000000e-01, v7;
	_ =	sdelay $0x1  }
0x1fb: {  	(erf) = vrcp.f32 v7;
	_ =	sdelay $0x8  }
0x1fc: {  	v57 =	vpop (erf)  }
0x1fd: {  	v9 =	vmul.f32 v57, v5;
	_ =	sdelay $0x1  }
0x1fe: {  	v7 =	vadd.f32 v9, v7;
	_ =	sdelay $0x1  }
0x1ff: {  	v7 =	vmul.f32 $5.000000000e-01, v7;
	_ =	sdelay $0x1  }
0x200: {  	(erf) = vrcp.f32 v7;
	_ =	sdelay $0x8  }
0x201: {  	v58 =	vpop (erf)  }
0x202: {  	v9 =	vmul.f32 v58, v5;
	_ =	sdelay $0x1  }
0x203: {  	v7 =	vadd.f32 v9, v7;
	_ =	sdelay $0x1  }
0x204: {  	v7 =	vmul.f32 $5.000000000e-01, v7;
	_ =	sdelay $0x1  }
0x205: {  	(erf) = vrcp.f32 v7  }
0x206: {  	(erf) = vrcp.f32 v21;
	_ =	sdelay $0x7  }
0x207: {  	v59 =	vpop (erf)  }
0x208: {  	v60 =	vpop (erf)  }
0x209: {  	v9 =	vmul.f32 v3, v60;
	_ =	sdelay $0x1  }
0x20a: {  	(erf) = vrcp.f32 v9;
	_ =	sdelay $0x8  }
0x20b: {  	v61 =	vpop (erf)  }
0x20c: {  	v10 =	vmul.f32 v61, v9;
	_ =	sdelay $0x1  }
0x20d: {  	v10 =	vadd.f32 v10, v9;
	_ =	sdelay $0x1  }
0x20e: {  	v10 =	vmul.f32 $5.000000000e-01, v10;
	_ =	sdelay $0x1  }
0x20f: {  	(erf) = vrcp.f32 v10;
	_ =	sdelay $0x8  }
0x210: {  	v62 =	vpop (erf)  }
0x211: {  	v11 =	vmul.f32 v62, v9;
	_ =	sdelay $0x1  }
0x212: {  	v10 =	vadd.f32 v11, v10;
	_ =	sdelay $0x1  }
0x213: {  	v10 =	vmul.f32 $5.000000000e-01, v10;
	_ =	sdelay $0x1  }
0x214: {  	(erf) = vrcp.f32 v10;
	_ =	sdelay $0x8  }
0x215: {  	v63 =	vpop (erf)  }
0x216: {  	v11 =	vmul.f32 v63, v9;
	_ =	sdelay $0x1  }
0x217: {  	v10 =	vadd.f32 v11, v10;
	_ =	sdelay $0x1  }
0x218: {  	v10 =	vmul.f32 $5.000000000e-01, v10;
	_ =	sdelay $0x1  }
0x219: {  	(erf) = vrcp.f32 v10;
	_ =	sdelay $0x8  }
0x21a: {  	v12 =	vpop (erf)  }
0x21b: {  	v11 =	vmul.f32 v12, v9;
	_ =	sdelay $0x1  }
0x21c: {  	v10 =	vadd.f32 v11, v10;
	_ =	sdelay $0x1  }
0x21d: {  	v10 =	vmul.f32 $5.000000000e-01, v10;
	_ =	sdelay $0x1  }
0x21e: {  	(erf) = vrcp.f32 v10;
	_ =	sdelay $0x8  }
0x21f: {  	v13 =	vpop (erf)  }
0x220: {  	v11 =	vmul.f32 v13, v9;
	_ =	sdelay $0x1  }
0x221: {  	v10 =	vadd.f32 v11, v10;
	_ =	sdelay $0x1  }
0x222: {  	v10 =	vmul.f32 $5.000000000e-01, v10;
	_ =	sdelay $0x1  }
0x223: {  	(erf) = vrcp.f32 v10;
	_ =	sdelay $0x8  }
0x224: {  	v14 =	vpop (erf)  }
0x225: {  	v11 =	vmul.f32 v14, v9;
	_ =	sdelay $0x1  }
0x226: {  	v10 =	vadd.f32 v11, v10;
	_ =	sdelay $0x1  }
0x227: {  	v10 =	vmul.f32 $5.000000000e-01, v10;
	_ =	sdelay $0x1  }
0x228: {  	(erf) = vrcp.f32 v10;
	_ =	sdelay $0x8  }
0x229: {  	v15 =	vpop (erf)  }
0x22a: {  	v11 =	vmul.f32 v15, v9;
	_ =	sdelay $0x1  }
0x22b: {  	v10 =	vadd.f32 v11, v10;
	_ =	sdelay $0x1  }
0x22c: {  	v10 =	vmul.f32 $5.000000000e-01, v10;
	_ =	sdelay $0x1  }
0x22d: {  	(erf) = vrcp.f32 v10;
	_ =	sdelay $0x8  }
0x22e: {  	v16 =	vpop (erf)  }
0x22f: {  	v11 =	vmul.f32 v16, v9;
	_ =	sdelay $0x1  }
0x230: {  	v10 =	vadd.f32 v11, v10;
	_ =	sdelay $0x1  }
0x231: {  	v10 =	vmul.f32 $5.000000000e-01, v10;
	_ =	sdelay $0x1  }
0x232: {  	(erf) = vrcp.f32 v10;
	_ =	sdelay $0x8  }
0x233: {  	v17 =	vpop (erf)  }
0x234: {  	v11 =	vmul.f32 v17, v9;
	_ =	sdelay $0x1  }
0x235: {  	v10 =	vadd.f32 v11, v10;
	_ =	sdelay $0x1  }
0x236: {  	v10 =	vmul.f32 $5.000000000e-01, v10;
	_ =	sdelay $0x1  }
0x237: {  	(erf) = vrcp.f32 v10;
	_ =	sdelay $0x8  }
0x238: {  	v18 =	vpop (erf)  }
0x239: {  	v11 =	vmul.f32 v18, v9;
	_ =	sdelay $0x1  }
0x23a: {  	v10 =	vadd.f32 v11, v10;
	_ =	sdelay $0x1  }
0x23b: {  	v10 =	vmul.f32 $5.000000000e-01, v10;
	_ =	sdelay $0x1  }
0x23c: {  	(erf) = vrcp.f32 v10;
	_ =	sdelay $0x8  }
0x23d: {  	v19 =	vpop (erf)  }
0x23e: {  	v11 =	vmul.f32 v19, v9;
	_ =	sdelay $0x1  }
0x23f: {  	v10 =	vadd.f32 v11, v10;
	_ =	sdelay $0x1  }
0x240: {  	v10 =	vmul.f32 $5.000000000e-01, v10;
	_ =	sdelay $0x1  }
0x241: {  	(erf) = vrcp.f32 v10;
	_ =	sdelay $0x8  }
0x242: {  	v20 =	vpop (erf)  }
0x243: {  	v11 =	vmul.f32 v20, v9;
	_ =	sdelay $0x1  }
0x244: {  	v10 =	vadd.f32 v11, v10;
	_ =	sdelay $0x1  }
0x245: {  	v10 =	vmul.f32 $5.000000000e-01, v10;
	_ =	sdelay $0x1  }
0x246: {  	(erf) = vrcp.f32 v10;
	_ =	sdelay $0x8  }
0x247: {  	v21 =	vpop (erf)  }
0x248: {  	v11 =	vmul.f32 v21, v9;
	_ =	sdelay $0x1  }
0x249: {  	v10 =	vadd.f32 v11, v10;
	_ =	sdelay $0x1  }
0x24a: {  	v10 =	vmul.f32 $5.000000000e-01, v10;
	_ =	sdelay $0x1  }
0x24b: {  	(erf) = vrcp.f32 v10;
	_ =	sdelay $0x8  }
0x24c: {  	v22 =	vpop (erf)  }
0x24d: {  	v11 =	vmul.f32 v22, v9;
	_ =	sdelay $0x1  }
0x24e: {  	v10 =	vadd.f32 v11, v10;
	_ =	sdelay $0x1  }
0x24f: {  	v10 =	vmul.f32 $5.000000000e-01, v10;
	_ =	sdelay $0x1  }
0x250: {  	(erf) = vrcp.f32 v10;
	_ =	sdelay $0x8  }
0x251: {  	v23 =	vpop (erf)  }
0x252: {  	v11 =	vmul.f32 v23, v9;
	_ =	sdelay $0x1  }
0x253: {  	v10 =	vadd.f32 v11, v10;
	_ =	sdelay $0x1  }
0x254: {  	v10 =	vmul.f32 $5.000000000e-01, v10;
	_ =	sdelay $0x1  }
0x255: {  	(erf) = vrcp.f32 v10  }
0x256: {  	(erf) = vrcp.f32 v24;
	_ =	sdelay $0x7  }
0x257: {  	v24 =	vpop (erf)  }
0x258: {  	v25 =	vpop (erf)  }
0x259: {  	v11 =	vmul.f32 v3, v25;
	_ =	sdelay $0x1  }
0x25a: {  	(erf) = vrcp.f32 v11;
	_ =	sdelay $0x8  }
0x25b: {  	v26 =	vpop (erf)  }
0x25c: {  	v12 =	vmul.f32 v26, v11;
	_ =	sdelay $0x1  }
0x25d: {  	v12 =	vadd.f32 v12, v11;
	_ =	sdelay $0x1  }
0x25e: {  	v12 =	vmul.f32 $5.000000000e-01, v12;
	_ =	sdelay $0x1  }
0x25f: {  	(erf) = vrcp.f32 v12;
	_ =	sdelay $0x8  }
0x260: {  	v27 =	vpop (erf)  }
0x261: {  	v13 =	vmul.f32 v27, v11;
	_ =	sdelay $0x1  }
0x262: {  	v12 =	vadd.f32 v13, v12;
	_ =	sdelay $0x1  }
0x263: {  	v12 =	vmul.f32 $5.000000000e-01, v12;
	_ =	sdelay $0x1  }
0x264: {  	(erf) = vrcp.f32 v12;
	_ =	sdelay $0x8  }
0x265: {  	v28 =	vpop (erf)  }
0x266: {  	v13 =	vmul.f32 v28, v11;
	_ =	sdelay $0x1  }
0x267: {  	v12 =	vadd.f32 v13, v12;
	_ =	sdelay $0x1  }
0x268: {  	v12 =	vmul.f32 $5.000000000e-01, v12;
	_ =	sdelay $0x1  }
0x269: {  	(erf) = vrcp.f32 v12;
	_ =	sdelay $0x8  }
0x26a: {  	v29 =	vpop (erf)  }
0x26b: {  	v13 =	vmul.f32 v29, v11;
	_ =	sdelay $0x1  }
0x26c: {  	v12 =	vadd.f32 v13, v12;
	_ =	sdelay $0x1  }
0x26d: {  	v12 =	vmul.f32 $5.000000000e-01, v12;
	_ =	sdelay $0x1  }
0x26e: {  	(erf) = vrcp.f32 v12;
	_ =	sdelay $0x8  }
0x26f: {  	v30 =	vpop (erf)  }
0x270: {  	v13 =	vmul.f32 v30, v11;
	_ =	sdelay $0x1  }
0x271: {  	v12 =	vadd.f32 v13, v12;
	_ =	sdelay $0x1  }
0x272: {  	v12 =	vmul.f32 $5.000000000e-01, v12;
	_ =	sdelay $0x1  }
0x273: {  	(erf) = vrcp.f32 v12;
	_ =	sdelay $0x8  }
0x274: {  	v31 =	vpop (erf)  }
0x275: {  	v13 =	vmul.f32 v31, v11;
	_ =	sdelay $0x1  }
0x276: {  	v12 =	vadd.f32 v13, v12;
	_ =	sdelay $0x1  }
0x277: {  	v12 =	vmul.f32 $5.000000000e-01, v12;
	_ =	sdelay $0x1  }
0x278: {  	(erf) = vrcp.f32 v12;
	_ =	sdelay $0x8  }
0x279: {  	v32 =	vpop (erf)  }
0x27a: {  	v13 =	vmul.f32 v32, v11;
	_ =	sdelay $0x1  }
0x27b: {  	v12 =	vadd.f32 v13, v12;
	_ =	sdelay $0x1  }
0x27c: {  	v12 =	vmul.f32 $5.000000000e-01, v12;
	_ =	sdelay $0x1  }
0x27d: {  	(erf) = vrcp.f32 v12;
	_ =	sdelay $0x8  }
0x27e: {  	v33 =	vpop (erf)  }
0x27f: {  	v13 =	vmul.f32 v33, v11;
	_ =	sdelay $0x1  }
0x280: {  	v12 =	vadd.f32 v13, v12;
	_ =	sdelay $0x1  }
0x281: {  	v12 =	vmul.f32 $5.000000000e-01, v12;
	_ =	sdelay $0x1  }
0x282: {  	(erf) = vrcp.f32 v12;
	_ =	sdelay $0x8  }
0x283: {  	v34 =	vpop (erf)  }
0x284: {  	v13 =	vmul.f32 v34, v11;
	_ =	sdelay $0x1  }
0x285: {  	v12 =	vadd.f32 v13, v12;
	_ =	sdelay $0x1  }
0x286: {  	v12 =	vmul.f32 $5.000000000e-01, v12;
	_ =	sdelay $0x1  }
0x287: {  	(erf) = vrcp.f32 v12;
	_ =	sdelay $0x8  }
0x288: {  	v35 =	vpop (erf)  }
0x289: {  	v13 =	vmul.f32 v35, v11;
	_ =	sdelay $0x1  }
0x28a: {  	v12 =	vadd.f32 v13, v12;
	_ =	sdelay $0x1  }
0x28b: {  	v12 =	vmul.f32 $5.000000000e-01, v12;
	_ =	sdelay $0x1  }
0x28c: {  	(erf) = vrcp.f32 v12;
	_ =	sdelay $0x8  }
0x28d: {  	v36 =	vpop (erf)  }
0x28e: {  	v13 =	vmul.f32 v36, v11;
	_ =	sdelay $0x1  }
0x28f: {  	v12 =	vadd.f32 v13, v12;
	_ =	sdelay $0x1  }
0x290: {  	v12 =	vmul.f32 $5.000000000e-01, v12;
	_ =	sdelay $0x1  }
0x291: {  	(erf) = vrcp.f32 v12;
	_ =	sdelay $0x8  }
0x292: {  	v37 =	vpop (erf)  }
0x293: {  	v13 =	vmul.f32 v37, v11;
	_ =	sdelay $0x1  }
0x294: {  	v12 =	vadd.f32 v13, v12;
	_ =	sdelay $0x1  }
0x295: {  	v12 =	vmul.f32 $5.000000000e-01, v12;
	_ =	sdelay $0x1  }
0x296: {  	(erf) = vrcp.f32 v12;
	_ =	sdelay $0x8  }
0x297: {  	v38 =	vpop (erf)  }
0x298: {  	v13 =	vmul.f32 v38, v11;
	_ =	sdelay $0x1  }
0x299: {  	v12 =	vadd.f32 v13, v12;
	_ =	sdelay $0x1  }
0x29a: {  	v12 =	vmul.f32 $5.000000000e-01, v12;
	_ =	sdelay $0x1  }
0x29b: {  	(erf) = vrcp.f32 v12;
	_ =	sdelay $0x8  }
0x29c: {  	v39 =	vpop (erf)  }
0x29d: {  	v13 =	vmul.f32 v39, v11;
	_ =	sdelay $0x1  }
0x29e: {  	v12 =	vadd.f32 v13, v12;
	_ =	sdelay $0x1  }
0x29f: {  	v12 =	vmul.f32 $5.000000000e-01, v12;
	_ =	sdelay $0x1  }
0x2a0: {  	(erf) = vrcp.f32 v12;
	_ =	sdelay $0x8  }
0x2a1: {  	v40 =	vpop (erf)  }
0x2a2: {  	v13 =	vmul.f32 v40, v11;
	_ =	sdelay $0x1  }
0x2a3: {  	v12 =	vadd.f32 v13, v12;
	_ =	sdelay $0x1  }
0x2a4: {  	v12 =	vmul.f32 $5.000000000e-01, v12;
	_ =	sdelay $0x1  }
0x2a5: {  	(erf) = vrcp.f32 v12  }
0x2a6: {  	(erf) = vrcp.f32 v1;
	_ =	sdelay $0x7  }
0x2a7: {  	v41 =	vpop (erf)  }
0x2a8: {  	v42 =	vpop (erf)  }
0x2a9: {  	v3 =	vmul.f32 v3, v42;
	_ =	sdelay $0x1  }
0x2aa: {  	(erf) = vrcp.f32 v3;
	_ =	sdelay $0x8  }
0x2ab: {  	v43 =	vpop (erf)  }
0x2ac: {  	v13 =	vmul.f32 v43, v3;
	_ =	sdelay $0x1  }
0x2ad: {  	v13 =	vadd.f32 v13, v3;
	_ =	sdelay $0x1  }
0x2ae: {  	v13 =	vmul.f32 $5.000000000e-01, v13;
	_ =	sdelay $0x1  }
0x2af: {  	(erf) = vrcp.f32 v13;
	_ =	sdelay $0x8  }
0x2b0: {  	v44 =	vpop (erf)  }
0x2b1: {  	v14 =	vmul.f32 v44, v3;
	_ =	sdelay $0x1  }
0x2b2: {  	v13 =	vadd.f32 v14, v13;
	_ =	sdelay $0x1  }
0x2b3: {  	v13 =	vmul.f32 $5.000000000e-01, v13;
	_ =	sdelay $0x1  }
0x2b4: {  	(erf) = vrcp.f32 v13;
	_ =	sdelay $0x8  }
0x2b5: {  	v45 =	vpop (erf)  }
0x2b6: {  	v14 =	vmul.f32 v45, v3;
	_ =	sdelay $0x1  }
0x2b7: {  	v13 =	vadd.f32 v14, v13;
	_ =	sdelay $0x1  }
0x2b8: {  	v13 =	vmul.f32 $5.000000000e-01, v13;
	_ =	sdelay $0x1  }
0x2b9: {  	(erf) = vrcp.f32 v13;
	_ =	sdelay $0x8  }
0x2ba: {  	v46 =	vpop (erf)  }
0x2bb: {  	v14 =	vmul.f32 v46, v3;
	_ =	sdelay $0x1  }
0x2bc: {  	v13 =	vadd.f32 v14, v13;
	_ =	sdelay $0x1  }
0x2bd: {  	v13 =	vmul.f32 $5.000000000e-01, v13;
	_ =	sdelay $0x1  }
0x2be: {  	(erf) = vrcp.f32 v13;
	_ =	sdelay $0x8  }
0x2bf: {  	v47 =	vpop (erf)  }
0x2c0: {  	v14 =	vmul.f32 v47, v3;
	_ =	sdelay $0x1  }
0x2c1: {  	v13 =	vadd.f32 v14, v13;
	_ =	sdelay $0x1  }
0x2c2: {  	v13 =	vmul.f32 $5.000000000e-01, v13;
	_ =	sdelay $0x1  }
0x2c3: {  	(erf) = vrcp.f32 v13;
	_ =	sdelay $0x8  }
0x2c4: {  	v48 =	vpop (erf)  }
0x2c5: {  	v14 =	vmul.f32 v48, v3;
	_ =	sdelay $0x1  }
0x2c6: {  	v13 =	vadd.f32 v14, v13;
	_ =	sdelay $0x1  }
0x2c7: {  	v13 =	vmul.f32 $5.000000000e-01, v13;
	_ =	sdelay $0x1  }
0x2c8: {  	(erf) = vrcp.f32 v13;
	_ =	sdelay $0x8  }
0x2c9: {  	v49 =	vpop (erf)  }
0x2ca: {  	v14 =	vmul.f32 v49, v3;
	_ =	sdelay $0x1  }
0x2cb: {  	v13 =	vadd.f32 v14, v13;
	_ =	sdelay $0x1  }
0x2cc: {  	v13 =	vmul.f32 $5.000000000e-01, v13;
	_ =	sdelay $0x1  }
0x2cd: {  	(erf) = vrcp.f32 v13;
	_ =	sdelay $0x8  }
0x2ce: {  	v50 =	vpop (erf)  }
0x2cf: {  	v14 =	vmul.f32 v50, v3;
	_ =	sdelay $0x1  }
0x2d0: {  	v13 =	vadd.f32 v14, v13;
	_ =	sdelay $0x1  }
0x2d1: {  	v13 =	vmul.f32 $5.000000000e-01, v13;
	_ =	sdelay $0x1  }
0x2d2: {  	(erf) = vrcp.f32 v13;
	_ =	sdelay $0x8  }
0x2d3: {  	v51 =	vpop (erf)  }
0x2d4: {  	v14 =	vmul.f32 v51, v3;
	_ =	sdelay $0x1  }
0x2d5: {  	v13 =	vadd.f32 v14, v13;
	_ =	sdelay $0x1  }
0x2d6: {  	v13 =	vmul.f32 $5.000000000e-01, v13;
	_ =	sdelay $0x1  }
0x2d7: {  	(erf) = vrcp.f32 v13;
	_ =	sdelay $0x8  }
0x2d8: {  	v52 =	vpop (erf)  }
0x2d9: {  	v14 =	vmul.f32 v52, v3;
	_ =	sdelay $0x1  }
0x2da: {  	v13 =	vadd.f32 v14, v13;
	_ =	sdelay $0x1  }
0x2db: {  	v13 =	vmul.f32 $5.000000000e-01, v13;
	_ =	sdelay $0x1  }
0x2dc: {  	(erf) = vrcp.f32 v13;
	_ =	sdelay $0x8  }
0x2dd: {  	v53 =	vpop (erf)  }
0x2de: {  	v14 =	vmul.f32 v53, v3;
	_ =	sdelay $0x1  }
0x2df: {  	v13 =	vadd.f32 v14, v13;
	_ =	sdelay $0x1  }
0x2e0: {  	v13 =	vmul.f32 $5.000000000e-01, v13;
	_ =	sdelay $0x1  }
0x2e1: {  	(erf) = vrcp.f32 v13;
	_ =	sdelay $0x8  }
0x2e2: {  	v54 =	vpop (erf)  }
0x2e3: {  	v14 =	vmul.f32 v54, v3;
	_ =	sdelay $0x1  }
0x2e4: {  	v13 =	vadd.f32 v14, v13;
	_ =	sdelay $0x1  }
0x2e5: {  	v13 =	vmul.f32 $5.000000000e-01, v13;
	_ =	sdelay $0x1  }
0x2e6: {  	(erf) = vrcp.f32 v13;
	_ =	sdelay $0x8  }
0x2e7: {  	v55 =	vpop (erf)  }
0x2e8: {  	v14 =	vmul.f32 v55, v3;
	_ =	sdelay $0x1  }
0x2e9: {  	v13 =	vadd.f32 v14, v13;
	_ =	sdelay $0x1  }
0x2ea: {  	v13 =	vmul.f32 $5.000000000e-01, v13;
	_ =	sdelay $0x1  }
0x2eb: {  	(erf) = vrcp.f32 v13;
	_ =	sdelay $0x8  }
0x2ec: {  	v56 =	vpop (erf)  }
0x2ed: {  	v14 =	vmul.f32 v56, v3;
	_ =	sdelay $0x1  }
0x2ee: {  	v13 =	vadd.f32 v14, v13;
	_ =	sdelay $0x1  }
0x2ef: {  	v13 =	vmul.f32 $5.000000000e-01, v13;
	_ =	sdelay $0x1  }
0x2f0: {  	(erf) = vrcp.f32 v13;
	_ =	sdelay $0x8  }
0x2f1: {  	v57 =	vpop (erf)  }
0x2f2: {  	v14 =	vmul.f32 v57, v3;
	_ =	sdelay $0x1  }
0x2f3: {  	v13 =	vadd.f32 v14, v13;
	_ =	sdelay $0x1  }
0x2f4: {  	v13 =	vmul.f32 $5.000000000e-01, v13;
	_ =	sdelay $0x1  }
0x2f5: {  	(erf) = vrcp.f32 v13;
	_ =	sdelay $0x5  }
0x2f6: {  	v0 =	vmul.f32 v4, v0  }
0x2f7: {  	v58 =	vmul.f32 v59, v5  }
0x2f8: {  	v0 =	vadd.f32 v0, v2;
	v59 =	vmul.f32 v24, v9  }
0x2f9: {  	v4 =	vadd.f32 v58, v7;
	v1 =	vmul.f32 v41, v11;
	v60 =	vpop (erf)  }
0x2fa: {  	v0 =	vmul.f32 $5.000000000e-01, v0;
	v2 =	vadd.f32 v59, v10;
	v3 =	vmul.f32 v60, v3  }
0x2fb: {  	v4 =	vmul.f32 $5.000000000e-01, v4;
	v1 =	vadd.f32 v1, v12  }
0x2fc: {  	[tilespmem:$0x1800] =	vst v0;
	v61 =	vmul.f32 $5.000000000e-01, v2;
	v62 =	vadd.f32 v3, v13  }
0x2fd: {  	[tilespmem:$0x1810] =	vst v4;
	v1 =	vmul.f32 $5.000000000e-01, v1  }
0x2fe: {  	[tilespmem:$0x1820] =	vst v61;
	v63 =	vmul.f32 $5.000000000e-01, v62  }
0x2ff: {  	[tilespmem:$0x1830] =	vst v1  }
0x300: {  	s31 =	simm.s32 $0x0;
	[tilespmem:$0x1840] =	vst v63  }
0x301: {  	[hbm4b:s1+s31] =	stream.linear.scatter [tilespmem:s3], [sflag:$0x1], $0x50, $0x38;
	[tilespmem:$0x1DD0] =	vst v63  }
0x302: {  	_ =	swait.ge [sflag:s2], $0x50  }
0x303: {  	[sflag:s2] =	ssyncset.done $0x0  }
0x304: {  	[sflag:s2] =	ssyncadd.s32 $0xFFFFFFB0  }
0x305: {  	_ =	sfence.sel $0x180000  }
0x306: {  	[bflag:$0x0] =	sbarrier.arrive $0xFFFF  }
0x307: {  	_ =	strace $0x90000047  }
0x308: {  	s0 =	sadd.s32 $0x100000, s0;
	[bflag:$0x2] =	sbarrier.arrive $0xFFFF  }
0x309: {  	[sflag:s0] =	ssyncadd.tile.s32 $0x1;
	_ =	shalt  }
.Lfunc_end2:
_tile_overlayer_lowered:
.L_overlay_start_2:
0x30a: {  	(tag) =	ssettag $0x2  }
0x30b: {  	s0 =	rddreg [dreg:$0x0];
	s2 =	stileid.u32  }
0x30c: {  	s1 =	rddreg [dreg:$0x1];
	p0 =	sne.s32 s2, $0x0  }
0x30d: {  	s3 =	rddreg [dreg:$0x2];
	[bflag:$0x3] =	sbarrier.arrive $0xFFFF;
	s2 =	simm.s32 @!p0 $0x1C01  }
0x30e: {  	[timem:s3], [sflag:s2] =	dma.local @!p0 [hbm:s0], s1  }
0x30f: {  	s0 =	simm.s32 @!p0 $0x1  }
0x310: {  	_ =	swait.ge @!p0 [sflag:s0], s1  }
0x311: {  	s1 =	ssub.s32 @!p0 $0x0, s1;
	[sflag:s0] =	ssyncset.done @!p0 $0x0  }
0x312: {  	[sflag:s0] =	ssyncadd.s32 @!p0 s1  }
0x313: {  	[bflag:$0x3] =	sbarrier.arrive $0xFFFF  }
0x314: {  	_ =	shalt  }

</sc_bundles>
